<compile_context>
chip_gen: v7x
topology: tpu7x:2x2x1
jax: 0.10.2.dev20260603
libtpu: 0.0.44.dev20260713+nightly
codegen_flags: <defaults>
</compile_context>

<pallas_src>
import jax
import jax.numpy as jnp
from jax import lax
from jax.experimental import pallas as pl
from jax.experimental.pallas import tpu as pltpu
from jax.experimental.pallas import tpu_sc as plsc

N = 1_000_000
K = 100_000
NC = 2
NS = 16
NW = NC * NS
B = 1024
LS = B + 1
HR = 2 * B // 16

SHARD = 31232
REM_BASE = NW * SHARD
REM = N - REM_BASE
CHUNK = 3904

_f32 = jnp.float32
_i32 = jnp.int32


def _iota16():
    return lax.iota(_i32, 16)


def _zero_hists(cnt_h, ss_h):
    zv = jnp.zeros((16,), _f32)

    def zh(i, _):
        cnt_h[pl.ds(i * 16, 16)] = zv
        ss_h[pl.ds(i * 16, 16)] = zv
        return 0

    lax.fori_loop(0, 16 * LS // 16, zh, 0)


def _lane_reduce(tables, red):
    def rb(cidx, _):
        acc = jnp.zeros((16,), _f32)
        acc2 = jnp.zeros((16,), _f32)
        for cnt_h, ss_h in tables:
            for l in range(16):
                acc = acc + cnt_h[pl.ds(l * LS + cidx * 16, 16)]
                acc2 = acc2 + ss_h[pl.ds(l * LS + cidx * 16, 16)]
        red[pl.ds(cidx * 16, 16)] = acc
        red[pl.ds(B + cidx * 16, 16)] = acc2
        return 0

    lax.fori_loop(0, B // 16, rb, 0)


def _select(cnt_v, ss_v, krem):

    def vb(i, carry):
        acc, sacc, found, cc, arec, srec = carry
        c = (B // 16 - 1) - i
        v = cnt_v[pl.ds(c * 16, 16)]
        w = ss_v[pl.ds(c * 16, 16)]
        t = jnp.sum(v)
        ts = jnp.sum(w)
        cross = jnp.logical_and(found == 0, acc + t >= krem)
        cc = jnp.where(cross, c, cc)
        arec = jnp.where(cross, acc, arec)
        srec = jnp.where(cross, sacc, srec)
        found = jnp.where(cross, 1, found)
        return acc + t, sacc + ts, found, cc, arec, srec

    z = _f32(0.0)
    _, _, _, cc, arec, srec = lax.fori_loop(
        0, B // 16, vb, (z, z, _i32(0), _i32(0), z, z))

    v = cnt_v[pl.ds(cc * 16, 16)]
    w = ss_v[pl.ds(cc * 16, 16)]
    suf_incl = lax.rev(jnp.cumsum(lax.rev(v, (0,)), axis=0), (0,))
    mloc = jnp.sum((arec + suf_incl >= krem).astype(_i32)) - 1
    above = _iota16() > mloc
    cm = arec + jnp.sum(jnp.where(above, v, _f32(0.0)))
    sm = srec + jnp.sum(jnp.where(above, w, _f32(0.0)))
    m = cc * 16 + mloc
    return m, cm, sm


def _combine_slots(h_in, hbuf, cnt_v, ss_v):
    zv = jnp.zeros((16,), _f32)

    def z(i, _):
        cnt_v[pl.ds(i * 16, 16)] = zv
        ss_v[pl.ds(i * 16, 16)] = zv
        return 0

    lax.fori_loop(0, B // 16, z, 0)

    def half(h, _):
        pltpu.sync_copy(h_in.at[pl.ds(h * (NW * B), NW * B)], hbuf)

        def kb(k, _):
            def ib(i, _):
                cnt_v[pl.ds(i * 16, 16)] = (
                    cnt_v[pl.ds(i * 16, 16)]
                    + hbuf[pl.ds(k * 2 * B + i * 16, 16)])
                ss_v[pl.ds(i * 16, 16)] = (
                    ss_v[pl.ds(i * 16, 16)]
                    + hbuf[pl.ds(k * 2 * B + B + i * 16, 16)])
                return 0

            lax.fori_loop(0, B // 16, ib, 0)
            return 0

        lax.fori_loop(0, NW // 2, kb, 0)
        return 0

    lax.fori_loop(0, 2, half, 0)


def _publish(red, out_ref, wid):
    pltpu.sync_copy(red, out_ref.at[pl.ds(wid * 2 * B, 2 * B)])



def _k1_body(b_in, d_in, h1_out, bbuf, dbuf, cnt_h, ss_h, cnt_h2, ss_h2,
             red):
    c = lax.axis_index("c")
    s = lax.axis_index("s")
    wid = c * NS + s
    lanebase = _iota16() * LS
    ones_f = jnp.zeros((16,), _f32) + 1.0

    _zero_hists(cnt_h, ss_h)
    _zero_hists(cnt_h2, ss_h2)

    def proc(row0, nrows):
        pltpu.sync_copy(b_in.at[pl.ds(row0, nrows)], bbuf.at[pl.ds(0, nrows)])
        pltpu.sync_copy(d_in.at[pl.ds(row0, nrows)], dbuf.at[pl.ds(0, nrows)])

        @plsc.parallel_loop(0, nrows // 32, unroll=2)
        def body(i):
            for u, (ch, sh) in enumerate(((cnt_h, ss_h), (cnt_h2, ss_h2))):
                o = i * 32 + u * 16
                bb = bbuf[pl.ds(o, 16)]
                dd = dbuf[pl.ds(o, 16)]
                x = dd - bb
                b1 = (x * _f32(B / 2)).astype(_i32)
                idx = lanebase + b1
                plsc.addupdate_scatter(ch, [idx], ones_f)
                plsc.addupdate_scatter(sh, [idx], x * x)

    base = wid * SHARD

    def cb(ci, _):
        proc(base + ci * CHUNK, CHUNK)
        return 0

    lax.fori_loop(0, SHARD // CHUNK, cb, 0)

    @pl.when(wid == NW - 1)
    def _():
        proc(_i32(REM_BASE), REM)

    _lane_reduce(((cnt_h, ss_h), (cnt_h2, ss_h2)), red)
    _publish(red, h1_out, wid)



def _k2_body(b_in, d_in, h1_in, h2_out, hbuf, cnt_v, ss_v, bbuf, dbuf,
             cnt_h, ss_h, red):
    c = lax.axis_index("c")
    s = lax.axis_index("s")
    wid = c * NS + s
    lanebase = _iota16() * LS
    ones_f = jnp.zeros((16,), _f32) + 1.0

    _zero_hists(cnt_h, ss_h)

    _combine_slots(h1_in, hbuf, cnt_v, ss_v)
    m1, _, _ = _select(cnt_v, ss_v, _f32(K))
    m1f = m1.astype(_f32)

    def proc(row0, nrows):
        pltpu.sync_copy(b_in.at[pl.ds(row0, nrows)], bbuf.at[pl.ds(0, nrows)])
        pltpu.sync_copy(d_in.at[pl.ds(row0, nrows)], dbuf.at[pl.ds(0, nrows)])

        @plsc.parallel_loop(0, nrows // 16, unroll=4)
        def body(i):
            o = i * 16
            bb = bbuf[pl.ds(o, 16)]
            dd = dbuf[pl.ds(o, 16)]
            x = dd - bb
            a = x * _f32(B / 2)
            b1 = a.astype(_i32)
            msk = b1 == m1
            y = a - m1f
            b2 = jnp.clip((y * _f32(B)).astype(_i32), 0, B - 1)
            idx = lanebase + b2
            plsc.addupdate_scatter(cnt_h, [idx], ones_f, mask=msk)
            plsc.addupdate_scatter(ss_h, [idx], x * x, mask=msk)

    base = wid * SHARD

    def cb(ci, _):
        proc(base + ci * CHUNK, CHUNK)
        return 0

    lax.fori_loop(0, SHARD // CHUNK, cb, 0)

    @pl.when(wid == NW - 1)
    def _():
        proc(_i32(REM_BASE), REM)

    _lane_reduce(((cnt_h, ss_h),), red)
    _publish(red, h2_out, wid)



def _k3_body(h1_in, h2_in, out_hbm, hbuf, cnt_v, ss_v, obuf):
    s = lax.axis_index("s")

    @pl.when(s == 0)
    def _():
        _combine_slots(h1_in, hbuf, cnt_v, ss_v)
        m1, c1, s1 = _select(cnt_v, ss_v, _f32(K))
        m1f = m1.astype(_f32)
        krem2 = _f32(K) - c1

        _combine_slots(h2_in, hbuf, cnt_v, ss_v)
        m2, c2, s2 = _select(cnt_v, ss_v, krem2)
        m2f = m2.astype(_f32)
        krem3 = krem2 - c2

        t = (m1f + m2f * _f32(1.0 / B)) * _f32(2.0 / B)
        loss = s1 + s2 + krem3 * t * t
        obuf[pl.ds(0, 16)] = jnp.broadcast_to(loss, (16,))
        pltpu.sync_copy(obuf, out_hbm)



_cparams = pltpu.CompilerParams(needs_layout_passes=False)

_mesh2 = plsc.VectorSubcoreMesh(
    core_axis_name="c", subcore_axis_name="s", num_cores=NC, num_subcores=NS)
_mesh1 = plsc.VectorSubcoreMesh(
    core_axis_name="c", subcore_axis_name="s", num_cores=1, num_subcores=NS)

_k1 = pl.kernel(
    _k1_body,
    out_type=jax.ShapeDtypeStruct((NW * 2 * B,), _f32),
    mesh=_mesh2,
    compiler_params=_cparams,
    scratch_types=[
        pltpu.VMEM((CHUNK,), _f32),
        pltpu.VMEM((CHUNK,), _f32),
        pltpu.VMEM((16 * LS,), _f32),
        pltpu.VMEM((16 * LS,), _f32),
        pltpu.VMEM((16 * LS,), _f32),
        pltpu.VMEM((16 * LS,), _f32),
        pltpu.VMEM((2 * B,), _f32),
    ],
)

_k2 = pl.kernel(
    _k2_body,
    out_type=jax.ShapeDtypeStruct((NW * 2 * B,), _f32),
    mesh=_mesh2,
    compiler_params=_cparams,
    scratch_types=[
        pltpu.VMEM((NW * B,), _f32),
        pltpu.VMEM((B,), _f32),
        pltpu.VMEM((B,), _f32),
        pltpu.VMEM((CHUNK,), _f32),
        pltpu.VMEM((CHUNK,), _f32),
        pltpu.VMEM((16 * LS,), _f32),
        pltpu.VMEM((16 * LS,), _f32),
        pltpu.VMEM((2 * B,), _f32),
    ],
)

_k3 = pl.kernel(
    _k3_body,
    out_type=jax.ShapeDtypeStruct((16,), _f32),
    mesh=_mesh1,
    compiler_params=_cparams,
    scratch_types=[
        pltpu.VMEM((NW * B,), _f32),
        pltpu.VMEM((B,), _f32),
        pltpu.VMEM((B,), _f32),
        pltpu.VMEM((16,), _f32),
    ],
)


def kernel(dgm):
    h1 = _k1(dgm[:, 0], dgm[:, 1])
    h2 = _k2(dgm[:, 0], dgm[:, 1], h1)
    outv = _k3(h1, h2)
    return outv[0]

# --- scband reference (transcript-rebuilt; emitter-appended) ---
"""Pipeline reference for scband-topological-loss-27324581937493 (READ-ONLY COPY).

The authoritative reference and input builder live on the scoring server;
editing this copy changes nothing except your own understanding.
"""

import jax, jax.numpy as jnp
import numpy as np

DIM = 0
I = 1
J = 100000
WEIGHT = 1.0
EXPONENT = 2
DECAY = 0
N_BARS = 1000000

def setup_inputs(seed: int = 0) -> dict:
    key = jax.random.key(seed)
    k1, k2 = jax.random.split(key)
    births = jax.random.uniform(k1, (N_BARS,), dtype=jnp.float32)
    bar_lengths = jax.random.uniform(k2, (N_BARS,), dtype=jnp.float32)
    deaths = births + bar_lengths
    dgm = jnp.stack([births, deaths], axis=1)
    return {"dgm": dgm}

def reference(dgm):
    # DiagramLoss: remove zero-length bars, sort by persistence (descending),
    # take bars i..min(n, j), apply g(point) = (d-b)^exponent * (0.5*(b+d))^decay, sum.
    lengths = dgm[:, 1] - dgm[:, 0]
    nonzero = lengths != 0
    # zero-length bars are pushed to the end of the descending sort and masked out,
    # which is equivalent to removing them before sorting for the i..j slice.
    sort_keys = jnp.where(nonzero, lengths, -jnp.inf)
    order = jnp.argsort(-sort_keys)
    end = min(dgm.shape[0], J)
    sel = order[I - 1:end]
    pts = jnp.take(dgm, sel, axis=0)
    plen = pts[:, 1] - pts[:, 0]
    pmid = 0.5 * (pts[:, 0] + pts[:, 1])
    g_vals = plen ** EXPONENT * pmid ** DECAY
    mask = plen != 0
    loss = WEIGHT * jnp.sum(jnp.where(mask, g_vals, jnp.zeros_like(g_vals)))
    return loss

if __name__ == "__main__":
    import jax
    _d = setup_inputs()
    print(jax.jit(kernel)(*tuple(_d.values())))

</pallas_src>

<mosaic_0001>
#map = affine_map<(d0, d1) -> (0)>
module attributes {stable_mosaic.version = 14 : i64} {
  func.func @_k3_body(%arg0: i32, %arg1: i32, %arg2: memref<65536xf32, #tpu.memory_space<hbm>>, %arg3: memref<65536xf32, #tpu.memory_space<hbm>>, %arg4: memref<16xf32, #tpu.memory_space<hbm>>, %arg5: memref<32768xf32, #tpu.memory_space<vmem>>, %arg6: memref<1024xf32, #tpu.memory_space<vmem>>, %arg7: memref<1024xf32, #tpu.memory_space<vmem>>, %arg8: memref<16xf32, #tpu.memory_space<vmem>>) attributes {dimension_semantics = [#tpu.dimension_semantics<core_parallel>, #tpu.dimension_semantics<subcore_parallel>], iteration_bounds = array<i64: 1, 16>, scalar_prefetch = 0 : i64, scratch_operands = 4 : i64, tpu.core_type = #tpu.core_type<sc_vector_subcore>, window_params = [{transform_indices = #map}, {transform_indices = #map}, {transform_indices = #map}]} {
    %eq3A = arith.constant 0 : i32
    %eq3A_0 = arith.cmpi eq, %arg1, %eq3A : i32
    %convert_element_type3A = arith.extui %eq3A_0 : i1 to i32
    %cond3A = arith.constant 0 : i32
    %cond3A_1 = arith.cmpi ne, %convert_element_type3A, %cond3A : i32
    scf.if %cond3A_1 {
      %broadcast_in_dim3A = arith.constant 0.000000e+00 : f32
      %broadcast_in_dim3A_2 = vector.broadcast %broadcast_in_dim3A : f32 to vector<16xf32>
      %scan3A = arith.constant 0 : i32
      %scan3A_3 = arith.constant 0 : i32
      %scan3A_4 = arith.constant 64 : i32
      %scan3A_5 = arith.addi %scan3A_3, %scan3A_4 : i32
      %scan3A_6 = arith.constant 1 : i32
      %scan3A_7 = scf.for %scan3A_170 = %scan3A_3 to %scan3A_5 step %scan3A_6 iter_args(%scan3A_171 = %scan3A) -> (i32)  : i32 {
        %mul3A_172 = arith.constant 16 : i32
        %mul3A_173 = arith.muli %scan3A_170, %mul3A_172 : i32
        %swap3A_174 = arith.index_cast %mul3A_173 : i32 to index
        %swap3A_175 = tpu.vector_load %arg6[%swap3A_174] {strides = array<i32>} : memref<1024xf32, #tpu.memory_space<vmem>>, vector<16xf32>,
        tpu.vector_store %arg6[%swap3A_174], %broadcast_in_dim3A_2 {strides = array<i32>} : memref<1024xf32, #tpu.memory_space<vmem>>, vector<16xf32>,
        %mul3A_176 = arith.constant 16 : i32
        %mul3A_177 = arith.muli %scan3A_170, %mul3A_176 : i32
        %swap3A_178 = arith.index_cast %mul3A_177 : i32 to index
        %swap3A_179 = tpu.vector_load %arg7[%swap3A_178] {strides = array<i32>} : memref<1024xf32, #tpu.memory_space<vmem>>, vector<16xf32>,
        tpu.vector_store %arg7[%swap3A_178], %broadcast_in_dim3A_2 {strides = array<i32>} : memref<1024xf32, #tpu.memory_space<vmem>>, vector<16xf32>,
        %scan3A_180 = arith.constant 0 : i32
        scf.yield %scan3A_180 : i32
      }
      %scan3A_8 = arith.constant 64 : i32
      %scan3A_9 = arith.constant 0 : i32
      %scan3A_10 = arith.constant 0 : i32
      %scan3A_11 = arith.constant 2 : i32
      %scan3A_12 = arith.addi %scan3A_10, %scan3A_11 : i32
      %scan3A_13 = arith.constant 1 : i32
      %scan3A_14 = scf.for %scan3A_170 = %scan3A_10 to %scan3A_12 step %scan3A_13 iter_args(%scan3A_171 = %scan3A_9) -> (i32)  : i32 {
        %mul3A_172 = arith.constant 32768 : i32
        %mul3A_173 = arith.muli %scan3A_170, %mul3A_172 : i32
        "tpu.region"() ({
          %run_scoped3A = tpu.sem_alloc : memref<!tpu.dma_semaphore, #tpu.memory_space<semaphore_mem>>
          %dma_start3A = tpu.memref_slice %arg2[%mul3A_173] : memref<65536xf32, #tpu.memory_space<hbm>> -> memref<32768xf32, #tpu.memory_space<hbm>>
          %dma_start3A_182 = tpu.memref_slice %arg2[%mul3A_173] : memref<65536xf32, #tpu.memory_space<hbm>> -> memref<32768xf32, #tpu.memory_space<hbm>>
          tpu.enqueue_dma source(%dma_start3A_182 : memref<32768xf32, #tpu.memory_space<hbm>>) target(%arg5 : memref<32768xf32, #tpu.memory_space<vmem>>) target_semaphore(%run_scoped3A : memref<!tpu.dma_semaphore, #tpu.memory_space<semaphore_mem>>)
          %dma_wait3A = tpu.memref_slice %arg2[%mul3A_173] : memref<65536xf32, #tpu.memory_space<hbm>> -> memref<32768xf32, #tpu.memory_space<hbm>>
          %dma_wait3A_183 = tpu.memref_slice %arg2[%mul3A_173] : memref<65536xf32, #tpu.memory_space<hbm>> -> memref<32768xf32, #tpu.memory_space<hbm>>
          tpu.wait_dma2 semaphore(%run_scoped3A : memref<!tpu.dma_semaphore, #tpu.memory_space<semaphore_mem>>) src(%dma_wait3A_183 : memref<32768xf32, #tpu.memory_space<hbm>>) dst(%arg5 : memref<32768xf32, #tpu.memory_space<vmem>>)
          tpu.yield
        }) : () -> ()
        %scan3A_174 = arith.constant 0 : i32
        %scan3A_175 = arith.constant 0 : i32
        %scan3A_176 = arith.constant 16 : i32
        %scan3A_177 = arith.addi %scan3A_175, %scan3A_176 : i32
        %scan3A_178 = arith.constant 1 : i32
        %scan3A_179 = scf.for %scan3A_182 = %scan3A_175 to %scan3A_177 step %scan3A_178 iter_args(%scan3A_183 = %scan3A_174) -> (i32)  : i32 {
          %scan3A_184 = arith.constant 0 : i32
          %scan3A_185 = arith.constant 0 : i32
          %scan3A_186 = arith.constant 64 : i32
          %scan3A_187 = arith.addi %scan3A_185, %scan3A_186 : i32
          %scan3A_188 = arith.constant 1 : i32
          %scan3A_189 = scf.for %scan3A_192 = %scan3A_185 to %scan3A_187 step %scan3A_188 iter_args(%scan3A_193 = %scan3A_184) -> (i32)  : i32 {
            %mul3A_194 = arith.constant 16 : i32
            %mul3A_195 = arith.muli %scan3A_192, %mul3A_194 : i32
            %get3A_196 = arith.index_cast %mul3A_195 : i32 to index
            %get3A_197 = tpu.vector_load %arg6[%get3A_196] {strides = array<i32>} : memref<1024xf32, #tpu.memory_space<vmem>>, vector<16xf32>,
            %mul3A_198 = arith.constant 2 : i32
            %mul3A_199 = arith.muli %scan3A_182, %mul3A_198 : i32
            %mul3A_200 = arith.constant 1024 : i32
            %mul3A_201 = arith.muli %mul3A_199, %mul3A_200 : i32
            %mul3A_202 = arith.constant 16 : i32
            %mul3A_203 = arith.muli %scan3A_192, %mul3A_202 : i32
            %add3A_204 = arith.addi %mul3A_201, %mul3A_203 : i32
            %get3A_205 = arith.index_cast %add3A_204 : i32 to index
            %get3A_206 = tpu.vector_load %arg5[%get3A_205] {strides = array<i32>} : memref<32768xf32, #tpu.memory_space<vmem>>, vector<16xf32>,
            %add3A_207 = arith.addf %get3A_197, %get3A_206 : vector<16xf32>
            %mul3A_208 = arith.constant 16 : i32
            %mul3A_209 = arith.muli %scan3A_192, %mul3A_208 : i32
            %swap3A_210 = arith.index_cast %mul3A_209 : i32 to index
            %swap3A_211 = tpu.vector_load %arg6[%swap3A_210] {strides = array<i32>} : memref<1024xf32, #tpu.memory_space<vmem>>, vector<16xf32>,
            tpu.vector_store %arg6[%swap3A_210], %add3A_207 {strides = array<i32>} : memref<1024xf32, #tpu.memory_space<vmem>>, vector<16xf32>,
            %mul3A_212 = arith.constant 16 : i32
            %mul3A_213 = arith.muli %scan3A_192, %mul3A_212 : i32
            %get3A_214 = arith.index_cast %mul3A_213 : i32 to index
            %get3A_215 = tpu.vector_load %arg7[%get3A_214] {strides = array<i32>} : memref<1024xf32, #tpu.memory_space<vmem>>, vector<16xf32>,
            %mul3A_216 = arith.constant 2 : i32
            %mul3A_217 = arith.muli %scan3A_182, %mul3A_216 : i32
            %mul3A_218 = arith.constant 1024 : i32
            %mul3A_219 = arith.muli %mul3A_217, %mul3A_218 : i32
            %add3A_220 = arith.constant 1024 : i32
            %add3A_221 = arith.addi %mul3A_219, %add3A_220 : i32
            %mul3A_222 = arith.constant 16 : i32
            %mul3A_223 = arith.muli %scan3A_192, %mul3A_222 : i32
            %add3A_224 = arith.addi %add3A_221, %mul3A_223 : i32
            %get3A_225 = arith.index_cast %add3A_224 : i32 to index
            %get3A_226 = tpu.vector_load %arg5[%get3A_225] {strides = array<i32>} : memref<32768xf32, #tpu.memory_space<vmem>>, vector<16xf32>,
            %add3A_227 = arith.addf %get3A_215, %get3A_226 : vector<16xf32>
            %mul3A_228 = arith.constant 16 : i32
            %mul3A_229 = arith.muli %scan3A_192, %mul3A_228 : i32
            %swap3A_230 = arith.index_cast %mul3A_229 : i32 to index
            %swap3A_231 = tpu.vector_load %arg7[%swap3A_230] {strides = array<i32>} : memref<1024xf32, #tpu.memory_space<vmem>>, vector<16xf32>,
            tpu.vector_store %arg7[%swap3A_230], %add3A_227 {strides = array<i32>} : memref<1024xf32, #tpu.memory_space<vmem>>, vector<16xf32>,
            %scan3A_232 = arith.constant 0 : i32
            scf.yield %scan3A_232 : i32
          }
          %scan3A_190 = arith.constant 64 : i32
          %scan3A_191 = arith.constant 0 : i32
          scf.yield %scan3A_191 : i32
        }
        %scan3A_180 = arith.constant 16 : i32
        %scan3A_181 = arith.constant 0 : i32
        scf.yield %scan3A_181 : i32
      }
      %scan3A_15 = arith.constant 2 : i32
      %scan3A_16 = arith.constant 1.000000e+05 : f32
      %scan3A_17 = arith.constant 0.000000e+00 : f32
      %scan3A_18 = arith.constant 0.000000e+00 : f32
      %scan3A_19 = arith.constant 0 : i32
      %scan3A_20 = arith.constant 0 : i32
      %scan3A_21 = arith.constant 0.000000e+00 : f32
      %scan3A_22 = arith.constant 0.000000e+00 : f32
      %scan3A_23 = arith.constant 0 : i32
      %scan3A_24 = arith.constant 64 : i32
      %scan3A_25 = arith.addi %scan3A_23, %scan3A_24 : i32
      %scan3A_26 = arith.constant 1 : i32
      %scan3A_27:6 = scf.for %scan3A_170 = %scan3A_23 to %scan3A_25 step %scan3A_26 iter_args(%scan3A_171 = %scan3A_17, %scan3A_172 = %scan3A_18, %scan3A_173 = %scan3A_19, %scan3A_174 = %scan3A_20, %scan3A_175 = %scan3A_21, %scan3A_176 = %scan3A_22) -> (f32, f32, i32, i32, f32, f32)  : i32 {
        %sub3A_177 = arith.constant 63 : i32
        %sub3A_178 = arith.subi %sub3A_177, %scan3A_170 : i32
        %mul3A_179 = arith.constant 16 : i32
        %mul3A_180 = arith.muli %sub3A_178, %mul3A_179 : i32
        %get3A_181 = arith.index_cast %mul3A_180 : i32 to index
        %get3A_182 = tpu.vector_load %arg6[%get3A_181] {strides = array<i32>} : memref<1024xf32, #tpu.memory_space<vmem>>, vector<16xf32>,
        %mul3A_183 = arith.constant 16 : i32
        %mul3A_184 = arith.muli %sub3A_178, %mul3A_183 : i32
        %get3A_185 = arith.index_cast %mul3A_184 : i32 to index
        %get3A_186 = tpu.vector_load %arg7[%get3A_185] {strides = array<i32>} : memref<1024xf32, #tpu.memory_space<vmem>>, vector<16xf32>,
        %reduce_sum3A_187 = arith.constant true
        %reduce_sum3A_188 = vector.broadcast %reduce_sum3A_187 : i1 to vector<16xi1>
        %reduce_sum3A_189 = tpu.scan <sum>, %get3A_182 masked %reduce_sum3A_188 : vector<16xf32>, vector<16xi1> -> vector<16xf32>
        %reduce_sum3A_190 = vector.extract %reduce_sum3A_189[15] : f32 from vector<16xf32>
        %reduce_sum3A_191 = arith.constant true
        %reduce_sum3A_192 = vector.broadcast %reduce_sum3A_191 : i1 to vector<16xi1>
        %reduce_sum3A_193 = tpu.scan <sum>, %get3A_186 masked %reduce_sum3A_192 : vector<16xf32>, vector<16xi1> -> vector<16xf32>
        %reduce_sum3A_194 = vector.extract %reduce_sum3A_193[15] : f32 from vector<16xf32>
        %eq3A_195 = arith.constant 0 : i32
        %eq3A_196 = arith.cmpi eq, %scan3A_173, %eq3A_195 : i32
        %add3A_197 = arith.addf %scan3A_171, %reduce_sum3A_190 : f32
        %ge3A_198 = arith.cmpf oge, %add3A_197, %scan3A_16 : f32
        %and3A = arith.andi %eq3A_196, %ge3A_198 : i1
        %select_n3A_199 = arith.select %and3A, %sub3A_178, %scan3A_174 : i32
        %select_n3A_200 = arith.select %and3A, %scan3A_171, %scan3A_175 : f32
        %select_n3A_201 = arith.select %and3A, %scan3A_172, %scan3A_176 : f32
        %jit3A_202 = arith.constant 1 : i32
        %select_n3A_203 = arith.select %and3A, %jit3A_202, %scan3A_173 : i32
        %add3A_204 = arith.addf %scan3A_171, %reduce_sum3A_190 : f32
        %add3A_205 = arith.addf %scan3A_172, %reduce_sum3A_194 : f32
        scf.yield %add3A_204, %add3A_205, %select_n3A_203, %select_n3A_199, %select_n3A_200, %select_n3A_201 : f32, f32, i32, i32, f32, f32
      }
      %scan3A_28 = arith.constant 64 : i32
      %mul3A = arith.constant 16 : i32
      %mul3A_29 = arith.muli %scan3A_27#3, %mul3A : i32
      %get3A = arith.index_cast %mul3A_29 : i32 to index
      %get3A_30 = tpu.vector_load %arg6[%get3A] {strides = array<i32>} : memref<1024xf32, #tpu.memory_space<vmem>>, vector<16xf32>,
      %mul3A_31 = arith.constant 16 : i32
      %mul3A_32 = arith.muli %scan3A_27#3, %mul3A_31 : i32
      %get3A_33 = arith.index_cast %mul3A_32 : i32 to index
      %get3A_34 = tpu.vector_load %arg7[%get3A_33] {strides = array<i32>} : memref<1024xf32, #tpu.memory_space<vmem>>, vector<16xf32>,
      %rev3A = arith.constant 15 : i32
      %rev3A_35 = vector.broadcast %rev3A : i32 to vector<16xi32>
      %rev3A_36 = tpu.iota {dimensions = array<i32: 0>} : vector<16xi32>
      %rev3A_37 = arith.subi %rev3A_35, %rev3A_36 : vector<16xi32>
      %rev3A_38 = tpu.dynamic_gather %get3A_30[%rev3A_37] in [0] : vector<16xf32>, vector<16xi32> -> vector<16xf32>
      %cumsum3A = arith.constant true
      %cumsum3A_39 = vector.broadcast %cumsum3A : i1 to vector<16xi1>
      %cumsum3A_40 = tpu.scan <sum>, %rev3A_38 masked %cumsum3A_39 : vector<16xf32>, vector<16xi1> -> vector<16xf32>
      %rev3A_41 = arith.constant 15 : i32
      %rev3A_42 = vector.broadcast %rev3A_41 : i32 to vector<16xi32>
      %rev3A_43 = tpu.iota {dimensions = array<i32: 0>} : vector<16xi32>
      %rev3A_44 = arith.subi %rev3A_42, %rev3A_43 : vector<16xi32>
      %rev3A_45 = tpu.dynamic_gather %cumsum3A_40[%rev3A_44] in [0] : vector<16xf32>, vector<16xi32> -> vector<16xf32>
      %add3A = vector.broadcast %scan3A_27#4 : f32 to vector<16xf32>
      %add3A_46 = arith.addf %add3A, %rev3A_45 : vector<16xf32>
      %ge3A = arith.constant 1.000000e+05 : f32
      %ge3A_47 = vector.broadcast %ge3A : f32 to vector<16xf32>
      %ge3A_48 = arith.cmpf oge, %add3A_46, %ge3A_47 : vector<16xf32>
      %convert_element_type3A_49 = arith.extui %ge3A_48 : vector<16xi1> to vector<16xi32>
      %reduce_sum3A = arith.constant true
      %reduce_sum3A_50 = vector.broadcast %reduce_sum3A : i1 to vector<16xi1>
      %reduce_sum3A_51 = tpu.scan <sum>, %convert_element_type3A_49 masked %reduce_sum3A_50 : vector<16xi32>, vector<16xi1> -> vector<16xi32>
      %reduce_sum3A_52 = vector.extract %reduce_sum3A_51[15] : i32 from vector<16xi32>
      %sub3A = arith.constant 1 : i32
      %sub3A_53 = arith.subi %reduce_sum3A_52, %sub3A : i32
      %iota3A = tpu.iota {dimensions = array<i32: 0>} : vector<16xi32>
      %gt3A = vector.broadcast %sub3A_53 : i32 to vector<16xi32>
      %gt3A_54 = arith.cmpi sgt, %iota3A, %gt3A : vector<16xi32>
      %jit3A = arith.constant 0.000000e+00 : f32
      %broadcast_in_dim3A_55 = vector.broadcast %jit3A : f32 to vector<16xf32>
      %select_n3A = arith.select %gt3A_54, %get3A_30, %broadcast_in_dim3A_55 : vector<16xi1>, vector<16xf32>
      %reduce_sum3A_56 = arith.constant true
      %reduce_sum3A_57 = vector.broadcast %reduce_sum3A_56 : i1 to vector<16xi1>
      %reduce_sum3A_58 = tpu.scan <sum>, %select_n3A masked %reduce_sum3A_57 : vector<16xf32>, vector<16xi1> -> vector<16xf32>
      %reduce_sum3A_59 = vector.extract %reduce_sum3A_58[15] : f32 from vector<16xf32>
      %add3A_60 = arith.addf %scan3A_27#4, %reduce_sum3A_59 : f32
      %jit3A_61 = arith.constant 0.000000e+00 : f32
      %broadcast_in_dim3A_62 = vector.broadcast %jit3A_61 : f32 to vector<16xf32>
      %select_n3A_63 = arith.select %gt3A_54, %get3A_34, %broadcast_in_dim3A_62 : vector<16xi1>, vector<16xf32>
      %reduce_sum3A_64 = arith.constant true
      %reduce_sum3A_65 = vector.broadcast %reduce_sum3A_64 : i1 to vector<16xi1>
      %reduce_sum3A_66 = tpu.scan <sum>, %select_n3A_63 masked %reduce_sum3A_65 : vector<16xf32>, vector<16xi1> -> vector<16xf32>
      %reduce_sum3A_67 = vector.extract %reduce_sum3A_66[15] : f32 from vector<16xf32>
      %add3A_68 = arith.addf %scan3A_27#5, %reduce_sum3A_67 : f32
      %mul3A_69 = arith.constant 16 : i32
      %mul3A_70 = arith.muli %scan3A_27#3, %mul3A_69 : i32
      %add3A_71 = arith.addi %mul3A_70, %sub3A_53 : i32
      %convert_element_type3A_72 = arith.sitofp %add3A_71 : i32 to f32
      %sub3A_73 = arith.constant 1.000000e+05 : f32
      %sub3A_74 = arith.subf %sub3A_73, %add3A_60 : f32
      %broadcast_in_dim3A_75 = arith.constant 0.000000e+00 : f32
      %broadcast_in_dim3A_76 = vector.broadcast %broadcast_in_dim3A_75 : f32 to vector<16xf32>
      %scan3A_77 = arith.constant 0 : i32
      %scan3A_78 = arith.constant 0 : i32
      %scan3A_79 = arith.constant 64 : i32
      %scan3A_80 = arith.addi %scan3A_78, %scan3A_79 : i32
      %scan3A_81 = arith.constant 1 : i32
      %scan3A_82 = scf.for %scan3A_170 = %scan3A_78 to %scan3A_80 step %scan3A_81 iter_args(%scan3A_171 = %scan3A_77) -> (i32)  : i32 {
        %mul3A_172 = arith.constant 16 : i32
        %mul3A_173 = arith.muli %scan3A_170, %mul3A_172 : i32
        %swap3A_174 = arith.index_cast %mul3A_173 : i32 to index
        %swap3A_175 = tpu.vector_load %arg6[%swap3A_174] {strides = array<i32>} : memref<1024xf32, #tpu.memory_space<vmem>>, vector<16xf32>,
        tpu.vector_store %arg6[%swap3A_174], %broadcast_in_dim3A_76 {strides = array<i32>} : memref<1024xf32, #tpu.memory_space<vmem>>, vector<16xf32>,
        %mul3A_176 = arith.constant 16 : i32
        %mul3A_177 = arith.muli %scan3A_170, %mul3A_176 : i32
        %swap3A_178 = arith.index_cast %mul3A_177 : i32 to index
        %swap3A_179 = tpu.vector_load %arg7[%swap3A_178] {strides = array<i32>} : memref<1024xf32, #tpu.memory_space<vmem>>, vector<16xf32>,
        tpu.vector_store %arg7[%swap3A_178], %broadcast_in_dim3A_76 {strides = array<i32>} : memref<1024xf32, #tpu.memory_space<vmem>>, vector<16xf32>,
        %scan3A_180 = arith.constant 0 : i32
        scf.yield %scan3A_180 : i32
      }
      %scan3A_83 = arith.constant 64 : i32
      %scan3A_84 = arith.constant 0 : i32
      %scan3A_85 = arith.constant 0 : i32
      %scan3A_86 = arith.constant 2 : i32
      %scan3A_87 = arith.addi %scan3A_85, %scan3A_86 : i32
      %scan3A_88 = arith.constant 1 : i32
      %scan3A_89 = scf.for %scan3A_170 = %scan3A_85 to %scan3A_87 step %scan3A_88 iter_args(%scan3A_171 = %scan3A_84) -> (i32)  : i32 {
        %mul3A_172 = arith.constant 32768 : i32
        %mul3A_173 = arith.muli %scan3A_170, %mul3A_172 : i32
        "tpu.region"() ({
          %run_scoped3A = tpu.sem_alloc : memref<!tpu.dma_semaphore, #tpu.memory_space<semaphore_mem>>
          %dma_start3A = tpu.memref_slice %arg3[%mul3A_173] : memref<65536xf32, #tpu.memory_space<hbm>> -> memref<32768xf32, #tpu.memory_space<hbm>>
          %dma_start3A_182 = tpu.memref_slice %arg3[%mul3A_173] : memref<65536xf32, #tpu.memory_space<hbm>> -> memref<32768xf32, #tpu.memory_space<hbm>>
          tpu.enqueue_dma source(%dma_start3A_182 : memref<32768xf32, #tpu.memory_space<hbm>>) target(%arg5 : memref<32768xf32, #tpu.memory_space<vmem>>) target_semaphore(%run_scoped3A : memref<!tpu.dma_semaphore, #tpu.memory_space<semaphore_mem>>)
          %dma_wait3A = tpu.memref_slice %arg3[%mul3A_173] : memref<65536xf32, #tpu.memory_space<hbm>> -> memref<32768xf32, #tpu.memory_space<hbm>>
          %dma_wait3A_183 = tpu.memref_slice %arg3[%mul3A_173] : memref<65536xf32, #tpu.memory_space<hbm>> -> memref<32768xf32, #tpu.memory_space<hbm>>
          tpu.wait_dma2 semaphore(%run_scoped3A : memref<!tpu.dma_semaphore, #tpu.memory_space<semaphore_mem>>) src(%dma_wait3A_183 : memref<32768xf32, #tpu.memory_space<hbm>>) dst(%arg5 : memref<32768xf32, #tpu.memory_space<vmem>>)
          tpu.yield
        }) : () -> ()
        %scan3A_174 = arith.constant 0 : i32
        %scan3A_175 = arith.constant 0 : i32
        %scan3A_176 = arith.constant 16 : i32
        %scan3A_177 = arith.addi %scan3A_175, %scan3A_176 : i32
        %scan3A_178 = arith.constant 1 : i32
        %scan3A_179 = scf.for %scan3A_182 = %scan3A_175 to %scan3A_177 step %scan3A_178 iter_args(%scan3A_183 = %scan3A_174) -> (i32)  : i32 {
          %scan3A_184 = arith.constant 0 : i32
          %scan3A_185 = arith.constant 0 : i32
          %scan3A_186 = arith.constant 64 : i32
          %scan3A_187 = arith.addi %scan3A_185, %scan3A_186 : i32
          %scan3A_188 = arith.constant 1 : i32
          %scan3A_189 = scf.for %scan3A_192 = %scan3A_185 to %scan3A_187 step %scan3A_188 iter_args(%scan3A_193 = %scan3A_184) -> (i32)  : i32 {
            %mul3A_194 = arith.constant 16 : i32
            %mul3A_195 = arith.muli %scan3A_192, %mul3A_194 : i32
            %get3A_196 = arith.index_cast %mul3A_195 : i32 to index
            %get3A_197 = tpu.vector_load %arg6[%get3A_196] {strides = array<i32>} : memref<1024xf32, #tpu.memory_space<vmem>>, vector<16xf32>,
            %mul3A_198 = arith.constant 2 : i32
            %mul3A_199 = arith.muli %scan3A_182, %mul3A_198 : i32
            %mul3A_200 = arith.constant 1024 : i32
            %mul3A_201 = arith.muli %mul3A_199, %mul3A_200 : i32
            %mul3A_202 = arith.constant 16 : i32
            %mul3A_203 = arith.muli %scan3A_192, %mul3A_202 : i32
            %add3A_204 = arith.addi %mul3A_201, %mul3A_203 : i32
            %get3A_205 = arith.index_cast %add3A_204 : i32 to index
            %get3A_206 = tpu.vector_load %arg5[%get3A_205] {strides = array<i32>} : memref<32768xf32, #tpu.memory_space<vmem>>, vector<16xf32>,
            %add3A_207 = arith.addf %get3A_197, %get3A_206 : vector<16xf32>
            %mul3A_208 = arith.constant 16 : i32
            %mul3A_209 = arith.muli %scan3A_192, %mul3A_208 : i32
            %swap3A_210 = arith.index_cast %mul3A_209 : i32 to index
            %swap3A_211 = tpu.vector_load %arg6[%swap3A_210] {strides = array<i32>} : memref<1024xf32, #tpu.memory_space<vmem>>, vector<16xf32>,
            tpu.vector_store %arg6[%swap3A_210], %add3A_207 {strides = array<i32>} : memref<1024xf32, #tpu.memory_space<vmem>>, vector<16xf32>,
            %mul3A_212 = arith.constant 16 : i32
            %mul3A_213 = arith.muli %scan3A_192, %mul3A_212 : i32
            %get3A_214 = arith.index_cast %mul3A_213 : i32 to index
            %get3A_215 = tpu.vector_load %arg7[%get3A_214] {strides = array<i32>} : memref<1024xf32, #tpu.memory_space<vmem>>, vector<16xf32>,
            %mul3A_216 = arith.constant 2 : i32
            %mul3A_217 = arith.muli %scan3A_182, %mul3A_216 : i32
            %mul3A_218 = arith.constant 1024 : i32
            %mul3A_219 = arith.muli %mul3A_217, %mul3A_218 : i32
            %add3A_220 = arith.constant 1024 : i32
            %add3A_221 = arith.addi %mul3A_219, %add3A_220 : i32
            %mul3A_222 = arith.constant 16 : i32
            %mul3A_223 = arith.muli %scan3A_192, %mul3A_222 : i32
            %add3A_224 = arith.addi %add3A_221, %mul3A_223 : i32
            %get3A_225 = arith.index_cast %add3A_224 : i32 to index
            %get3A_226 = tpu.vector_load %arg5[%get3A_225] {strides = array<i32>} : memref<32768xf32, #tpu.memory_space<vmem>>, vector<16xf32>,
            %add3A_227 = arith.addf %get3A_215, %get3A_226 : vector<16xf32>
            %mul3A_228 = arith.constant 16 : i32
            %mul3A_229 = arith.muli %scan3A_192, %mul3A_228 : i32
            %swap3A_230 = arith.index_cast %mul3A_229 : i32 to index
            %swap3A_231 = tpu.vector_load %arg7[%swap3A_230] {strides = array<i32>} : memref<1024xf32, #tpu.memory_space<vmem>>, vector<16xf32>,
            tpu.vector_store %arg7[%swap3A_230], %add3A_227 {strides = array<i32>} : memref<1024xf32, #tpu.memory_space<vmem>>, vector<16xf32>,
            %scan3A_232 = arith.constant 0 : i32
            scf.yield %scan3A_232 : i32
          }
          %scan3A_190 = arith.constant 64 : i32
          %scan3A_191 = arith.constant 0 : i32
          scf.yield %scan3A_191 : i32
        }
        %scan3A_180 = arith.constant 16 : i32
        %scan3A_181 = arith.constant 0 : i32
        scf.yield %scan3A_181 : i32
      }
      %scan3A_90 = arith.constant 2 : i32
      %scan3A_91 = arith.constant 0.000000e+00 : f32
      %scan3A_92 = arith.constant 0.000000e+00 : f32
      %scan3A_93 = arith.constant 0 : i32
      %scan3A_94 = arith.constant 0 : i32
      %scan3A_95 = arith.constant 0.000000e+00 : f32
      %scan3A_96 = arith.constant 0.000000e+00 : f32
      %scan3A_97 = arith.constant 0 : i32
      %scan3A_98 = arith.constant 64 : i32
      %scan3A_99 = arith.addi %scan3A_97, %scan3A_98 : i32
      %scan3A_100 = arith.constant 1 : i32
      %scan3A_101:6 = scf.for %scan3A_170 = %scan3A_97 to %scan3A_99 step %scan3A_100 iter_args(%scan3A_171 = %scan3A_91, %scan3A_172 = %scan3A_92, %scan3A_173 = %scan3A_93, %scan3A_174 = %scan3A_94, %scan3A_175 = %scan3A_95, %scan3A_176 = %scan3A_96) -> (f32, f32, i32, i32, f32, f32)  : i32 {
        %sub3A_177 = arith.constant 63 : i32
        %sub3A_178 = arith.subi %sub3A_177, %scan3A_170 : i32
        %mul3A_179 = arith.constant 16 : i32
        %mul3A_180 = arith.muli %sub3A_178, %mul3A_179 : i32
        %get3A_181 = arith.index_cast %mul3A_180 : i32 to index
        %get3A_182 = tpu.vector_load %arg6[%get3A_181] {strides = array<i32>} : memref<1024xf32, #tpu.memory_space<vmem>>, vector<16xf32>,
        %mul3A_183 = arith.constant 16 : i32
        %mul3A_184 = arith.muli %sub3A_178, %mul3A_183 : i32
        %get3A_185 = arith.index_cast %mul3A_184 : i32 to index
        %get3A_186 = tpu.vector_load %arg7[%get3A_185] {strides = array<i32>} : memref<1024xf32, #tpu.memory_space<vmem>>, vector<16xf32>,
        %reduce_sum3A_187 = arith.constant true
        %reduce_sum3A_188 = vector.broadcast %reduce_sum3A_187 : i1 to vector<16xi1>
        %reduce_sum3A_189 = tpu.scan <sum>, %get3A_182 masked %reduce_sum3A_188 : vector<16xf32>, vector<16xi1> -> vector<16xf32>
        %reduce_sum3A_190 = vector.extract %reduce_sum3A_189[15] : f32 from vector<16xf32>
        %reduce_sum3A_191 = arith.constant true
        %reduce_sum3A_192 = vector.broadcast %reduce_sum3A_191 : i1 to vector<16xi1>
        %reduce_sum3A_193 = tpu.scan <sum>, %get3A_186 masked %reduce_sum3A_192 : vector<16xf32>, vector<16xi1> -> vector<16xf32>
        %reduce_sum3A_194 = vector.extract %reduce_sum3A_193[15] : f32 from vector<16xf32>
        %eq3A_195 = arith.constant 0 : i32
        %eq3A_196 = arith.cmpi eq, %scan3A_173, %eq3A_195 : i32
        %add3A_197 = arith.addf %scan3A_171, %reduce_sum3A_190 : f32
        %ge3A_198 = arith.cmpf oge, %add3A_197, %sub3A_74 : f32
        %and3A = arith.andi %eq3A_196, %ge3A_198 : i1
        %select_n3A_199 = arith.select %and3A, %sub3A_178, %scan3A_174 : i32
        %select_n3A_200 = arith.select %and3A, %scan3A_171, %scan3A_175 : f32
        %select_n3A_201 = arith.select %and3A, %scan3A_172, %scan3A_176 : f32
        %jit3A_202 = arith.constant 1 : i32
        %select_n3A_203 = arith.select %and3A, %jit3A_202, %scan3A_173 : i32
        %add3A_204 = arith.addf %scan3A_171, %reduce_sum3A_190 : f32
        %add3A_205 = arith.addf %scan3A_172, %reduce_sum3A_194 : f32
        scf.yield %add3A_204, %add3A_205, %select_n3A_203, %select_n3A_199, %select_n3A_200, %select_n3A_201 : f32, f32, i32, i32, f32, f32
      }
      %scan3A_102 = arith.constant 64 : i32
      %mul3A_103 = arith.constant 16 : i32
      %mul3A_104 = arith.muli %scan3A_101#3, %mul3A_103 : i32
      %get3A_105 = arith.index_cast %mul3A_104 : i32 to index
      %get3A_106 = tpu.vector_load %arg6[%get3A_105] {strides = array<i32>} : memref<1024xf32, #tpu.memory_space<vmem>>, vector<16xf32>,
      %mul3A_107 = arith.constant 16 : i32
      %mul3A_108 = arith.muli %scan3A_101#3, %mul3A_107 : i32
      %get3A_109 = arith.index_cast %mul3A_108 : i32 to index
      %get3A_110 = tpu.vector_load %arg7[%get3A_109] {strides = array<i32>} : memref<1024xf32, #tpu.memory_space<vmem>>, vector<16xf32>,
      %rev3A_111 = arith.constant 15 : i32
      %rev3A_112 = vector.broadcast %rev3A_111 : i32 to vector<16xi32>
      %rev3A_113 = tpu.iota {dimensions = array<i32: 0>} : vector<16xi32>
      %rev3A_114 = arith.subi %rev3A_112, %rev3A_113 : vector<16xi32>
      %rev3A_115 = tpu.dynamic_gather %get3A_106[%rev3A_114] in [0] : vector<16xf32>, vector<16xi32> -> vector<16xf32>
      %cumsum3A_116 = arith.constant true
      %cumsum3A_117 = vector.broadcast %cumsum3A_116 : i1 to vector<16xi1>
      %cumsum3A_118 = tpu.scan <sum>, %rev3A_115 masked %cumsum3A_117 : vector<16xf32>, vector<16xi1> -> vector<16xf32>
      %rev3A_119 = arith.constant 15 : i32
      %rev3A_120 = vector.broadcast %rev3A_119 : i32 to vector<16xi32>
      %rev3A_121 = tpu.iota {dimensions = array<i32: 0>} : vector<16xi32>
      %rev3A_122 = arith.subi %rev3A_120, %rev3A_121 : vector<16xi32>
      %rev3A_123 = tpu.dynamic_gather %cumsum3A_118[%rev3A_122] in [0] : vector<16xf32>, vector<16xi32> -> vector<16xf32>
      %add3A_124 = vector.broadcast %scan3A_101#4 : f32 to vector<16xf32>
      %add3A_125 = arith.addf %add3A_124, %rev3A_123 : vector<16xf32>
      %ge3A_126 = vector.broadcast %sub3A_74 : f32 to vector<16xf32>
      %ge3A_127 = arith.cmpf oge, %add3A_125, %ge3A_126 : vector<16xf32>
      %convert_element_type3A_128 = arith.extui %ge3A_127 : vector<16xi1> to vector<16xi32>
      %reduce_sum3A_129 = arith.constant true
      %reduce_sum3A_130 = vector.broadcast %reduce_sum3A_129 : i1 to vector<16xi1>
      %reduce_sum3A_131 = tpu.scan <sum>, %convert_element_type3A_128 masked %reduce_sum3A_130 : vector<16xi32>, vector<16xi1> -> vector<16xi32>
      %reduce_sum3A_132 = vector.extract %reduce_sum3A_131[15] : i32 from vector<16xi32>
      %sub3A_133 = arith.constant 1 : i32
      %sub3A_134 = arith.subi %reduce_sum3A_132, %sub3A_133 : i32
      %iota3A_135 = tpu.iota {dimensions = array<i32: 0>} : vector<16xi32>
      %gt3A_136 = vector.broadcast %sub3A_134 : i32 to vector<16xi32>
      %gt3A_137 = arith.cmpi sgt, %iota3A_135, %gt3A_136 : vector<16xi32>
      %jit3A_138 = arith.constant 0.000000e+00 : f32
      %broadcast_in_dim3A_139 = vector.broadcast %jit3A_138 : f32 to vector<16xf32>
      %select_n3A_140 = arith.select %gt3A_137, %get3A_106, %broadcast_in_dim3A_139 : vector<16xi1>, vector<16xf32>
      %reduce_sum3A_141 = arith.constant true
      %reduce_sum3A_142 = vector.broadcast %reduce_sum3A_141 : i1 to vector<16xi1>
      %reduce_sum3A_143 = tpu.scan <sum>, %select_n3A_140 masked %reduce_sum3A_142 : vector<16xf32>, vector<16xi1> -> vector<16xf32>
      %reduce_sum3A_144 = vector.extract %reduce_sum3A_143[15] : f32 from vector<16xf32>
      %add3A_145 = arith.addf %scan3A_101#4, %reduce_sum3A_144 : f32
      %jit3A_146 = arith.constant 0.000000e+00 : f32
      %broadcast_in_dim3A_147 = vector.broadcast %jit3A_146 : f32 to vector<16xf32>
      %select_n3A_148 = arith.select %gt3A_137, %get3A_110, %broadcast_in_dim3A_147 : vector<16xi1>, vector<16xf32>
      %reduce_sum3A_149 = arith.constant true
      %reduce_sum3A_150 = vector.broadcast %reduce_sum3A_149 : i1 to vector<16xi1>
      %reduce_sum3A_151 = tpu.scan <sum>, %select_n3A_148 masked %reduce_sum3A_150 : vector<16xf32>, vector<16xi1> -> vector<16xf32>
      %reduce_sum3A_152 = vector.extract %reduce_sum3A_151[15] : f32 from vector<16xf32>
      %add3A_153 = arith.addf %scan3A_101#5, %reduce_sum3A_152 : f32
      %mul3A_154 = arith.constant 16 : i32
      %mul3A_155 = arith.muli %scan3A_101#3, %mul3A_154 : i32
      %add3A_156 = arith.addi %mul3A_155, %sub3A_134 : i32
      %convert_element_type3A_157 = arith.sitofp %add3A_156 : i32 to f32
      %sub3A_158 = arith.subf %sub3A_74, %add3A_145 : f32
      %mul3A_159 = arith.constant 9.765625E-4 : f32
      %mul3A_160 = arith.mulf %convert_element_type3A_157, %mul3A_159 : f32
      %add3A_161 = arith.addf %convert_element_type3A_72, %mul3A_160 : f32
      %mul3A_162 = arith.constant 0.001953125 : f32
      %mul3A_163 = arith.mulf %add3A_161, %mul3A_162 : f32
      %add3A_164 = arith.addf %add3A_68, %add3A_153 : f32
      %mul3A_165 = arith.mulf %sub3A_158, %mul3A_163 : f32
      %mul3A_166 = arith.mulf %mul3A_165, %mul3A_163 : f32
      %add3A_167 = arith.addf %add3A_164, %mul3A_166 : f32
      %broadcast_in_dim3A_168 = vector.broadcast %add3A_167 : f32 to vector<16xf32>
      %swap3A = arith.constant 0 : index
      %swap3A_169 = tpu.vector_load %arg8[%swap3A] {strides = array<i32>} : memref<16xf32, #tpu.memory_space<vmem>>, vector<16xf32>,
      tpu.vector_store %arg8[%swap3A], %broadcast_in_dim3A_168 {strides = array<i32>} : memref<16xf32, #tpu.memory_space<vmem>>, vector<16xf32>,
      "tpu.region"() ({
        %run_scoped3A = tpu.sem_alloc : memref<!tpu.dma_semaphore, #tpu.memory_space<semaphore_mem>>
        tpu.enqueue_dma source(%arg8 : memref<16xf32, #tpu.memory_space<vmem>>) target(%arg4 : memref<16xf32, #tpu.memory_space<hbm>>) target_semaphore(%run_scoped3A : memref<!tpu.dma_semaphore, #tpu.memory_space<semaphore_mem>>)
        tpu.wait_dma2 semaphore(%run_scoped3A : memref<!tpu.dma_semaphore, #tpu.memory_space<semaphore_mem>>) src(%arg8 : memref<16xf32, #tpu.memory_space<vmem>>) dst(%arg4 : memref<16xf32, #tpu.memory_space<hbm>>)
        tpu.yield
      }) : () -> ()
    } else {
    }
    return
  }
}

#map = affine_map<(d0, d1) -> (0)>
module attributes {stable_mosaic.version = 14 : i64} {
  func.func @_k2_body(%arg0: i32, %arg1: i32, %arg2: memref<1000000xf32, #tpu.memory_space<hbm>>, %arg3: memref<1000000xf32, #tpu.memory_space<hbm>>, %arg4: memref<65536xf32, #tpu.memory_space<hbm>>, %arg5: memref<65536xf32, #tpu.memory_space<hbm>>, %arg6: memref<32768xf32, #tpu.memory_space<vmem>>, %arg7: memref<1024xf32, #tpu.memory_space<vmem>>, %arg8: memref<1024xf32, #tpu.memory_space<vmem>>, %arg9: memref<3904xf32, #tpu.memory_space<vmem>>, %arg10: memref<3904xf32, #tpu.memory_space<vmem>>, %arg11: memref<16400xf32, #tpu.memory_space<vmem>>, %arg12: memref<16400xf32, #tpu.memory_space<vmem>>, %arg13: memref<2048xf32, #tpu.memory_space<vmem>>) attributes {dimension_semantics = [#tpu.dimension_semantics<core_parallel>, #tpu.dimension_semantics<subcore_parallel>], iteration_bounds = array<i64: 2, 16>, scalar_prefetch = 0 : i64, scratch_operands = 8 : i64, tpu.core_type = #tpu.core_type<sc_vector_subcore>, window_params = [{transform_indices = #map}, {transform_indices = #map}, {transform_indices = #map}, {transform_indices = #map}]} {
    %mul3A = arith.constant 16 : i32
    %mul3A_0 = arith.muli %arg0, %mul3A : i32
    %add3A = arith.addi %mul3A_0, %arg1 : i32
    %iota3A = tpu.iota {dimensions = array<i32: 0>} : vector<16xi32>
    %mul3A_1 = arith.constant 1025 : i32
    %mul3A_2 = vector.broadcast %mul3A_1 : i32 to vector<16xi32>
    %mul3A_3 = arith.muli %iota3A, %mul3A_2 : vector<16xi32>
    %broadcast_in_dim3A = arith.constant 0.000000e+00 : f32
    %broadcast_in_dim3A_4 = vector.broadcast %broadcast_in_dim3A : f32 to vector<16xf32>
    %add3A_5 = arith.constant 1.000000e+00 : f32
    %add3A_6 = vector.broadcast %add3A_5 : f32 to vector<16xf32>
    %add3A_7 = arith.addf %broadcast_in_dim3A_4, %add3A_6 : vector<16xf32>
    %broadcast_in_dim3A_8 = arith.constant 0.000000e+00 : f32
    %broadcast_in_dim3A_9 = vector.broadcast %broadcast_in_dim3A_8 : f32 to vector<16xf32>
    %scan3A = arith.constant 0 : i32
    %scan3A_10 = arith.constant 0 : i32
    %scan3A_11 = arith.constant 1025 : i32
    %scan3A_12 = arith.addi %scan3A_10, %scan3A_11 : i32
    %scan3A_13 = arith.constant 1 : i32
    %scan3A_14 = scf.for %scan3A_114 = %scan3A_10 to %scan3A_12 step %scan3A_13 iter_args(%scan3A_115 = %scan3A) -> (i32)  : i32 {
      %mul3A_116 = arith.constant 16 : i32
      %mul3A_117 = arith.muli %scan3A_114, %mul3A_116 : i32
      %swap3A = arith.index_cast %mul3A_117 : i32 to index
      %swap3A_118 = tpu.vector_load %arg11[%swap3A] {strides = array<i32>} : memref<16400xf32, #tpu.memory_space<vmem>>, vector<16xf32>,
      tpu.vector_store %arg11[%swap3A], %broadcast_in_dim3A_9 {strides = array<i32>} : memref<16400xf32, #tpu.memory_space<vmem>>, vector<16xf32>,
      %mul3A_119 = arith.constant 16 : i32
      %mul3A_120 = arith.muli %scan3A_114, %mul3A_119 : i32
      %swap3A_121 = arith.index_cast %mul3A_120 : i32 to index
      %swap3A_122 = tpu.vector_load %arg12[%swap3A_121] {strides = array<i32>} : memref<16400xf32, #tpu.memory_space<vmem>>, vector<16xf32>,
      tpu.vector_store %arg12[%swap3A_121], %broadcast_in_dim3A_9 {strides = array<i32>} : memref<16400xf32, #tpu.memory_space<vmem>>, vector<16xf32>,
      %scan3A_123 = arith.constant 0 : i32
      scf.yield %scan3A_123 : i32
    }
    %scan3A_15 = arith.constant 1025 : i32
    %broadcast_in_dim3A_16 = arith.constant 0.000000e+00 : f32
    %broadcast_in_dim3A_17 = vector.broadcast %broadcast_in_dim3A_16 : f32 to vector<16xf32>
    %scan3A_18 = arith.constant 0 : i32
    %scan3A_19 = arith.constant 0 : i32
    %scan3A_20 = arith.constant 64 : i32
    %scan3A_21 = arith.addi %scan3A_19, %scan3A_20 : i32
    %scan3A_22 = arith.constant 1 : i32
    %scan3A_23 = scf.for %scan3A_114 = %scan3A_19 to %scan3A_21 step %scan3A_22 iter_args(%scan3A_115 = %scan3A_18) -> (i32)  : i32 {
      %mul3A_116 = arith.constant 16 : i32
      %mul3A_117 = arith.muli %scan3A_114, %mul3A_116 : i32
      %swap3A = arith.index_cast %mul3A_117 : i32 to index
      %swap3A_118 = tpu.vector_load %arg7[%swap3A] {strides = array<i32>} : memref<1024xf32, #tpu.memory_space<vmem>>, vector<16xf32>,
      tpu.vector_store %arg7[%swap3A], %broadcast_in_dim3A_17 {strides = array<i32>} : memref<1024xf32, #tpu.memory_space<vmem>>, vector<16xf32>,
      %mul3A_119 = arith.constant 16 : i32
      %mul3A_120 = arith.muli %scan3A_114, %mul3A_119 : i32
      %swap3A_121 = arith.index_cast %mul3A_120 : i32 to index
      %swap3A_122 = tpu.vector_load %arg8[%swap3A_121] {strides = array<i32>} : memref<1024xf32, #tpu.memory_space<vmem>>, vector<16xf32>,
      tpu.vector_store %arg8[%swap3A_121], %broadcast_in_dim3A_17 {strides = array<i32>} : memref<1024xf32, #tpu.memory_space<vmem>>, vector<16xf32>,
      %scan3A_123 = arith.constant 0 : i32
      scf.yield %scan3A_123 : i32
    }
    %scan3A_24 = arith.constant 64 : i32
    %scan3A_25 = arith.constant 0 : i32
    %scan3A_26 = arith.constant 0 : i32
    %scan3A_27 = arith.constant 2 : i32
    %scan3A_28 = arith.addi %scan3A_26, %scan3A_27 : i32
    %scan3A_29 = arith.constant 1 : i32
    %scan3A_30 = scf.for %scan3A_114 = %scan3A_26 to %scan3A_28 step %scan3A_29 iter_args(%scan3A_115 = %scan3A_25) -> (i32)  : i32 {
      %mul3A_116 = arith.constant 32768 : i32
      %mul3A_117 = arith.muli %scan3A_114, %mul3A_116 : i32
      "tpu.region"() ({
        %run_scoped3A = tpu.sem_alloc : memref<!tpu.dma_semaphore, #tpu.memory_space<semaphore_mem>>
        %dma_start3A = tpu.memref_slice %arg4[%mul3A_117] : memref<65536xf32, #tpu.memory_space<hbm>> -> memref<32768xf32, #tpu.memory_space<hbm>>
        %dma_start3A_126 = tpu.memref_slice %arg4[%mul3A_117] : memref<65536xf32, #tpu.memory_space<hbm>> -> memref<32768xf32, #tpu.memory_space<hbm>>
        tpu.enqueue_dma source(%dma_start3A_126 : memref<32768xf32, #tpu.memory_space<hbm>>) target(%arg6 : memref<32768xf32, #tpu.memory_space<vmem>>) target_semaphore(%run_scoped3A : memref<!tpu.dma_semaphore, #tpu.memory_space<semaphore_mem>>)
        %dma_wait3A = tpu.memref_slice %arg4[%mul3A_117] : memref<65536xf32, #tpu.memory_space<hbm>> -> memref<32768xf32, #tpu.memory_space<hbm>>
        %dma_wait3A_127 = tpu.memref_slice %arg4[%mul3A_117] : memref<65536xf32, #tpu.memory_space<hbm>> -> memref<32768xf32, #tpu.memory_space<hbm>>
        tpu.wait_dma2 semaphore(%run_scoped3A : memref<!tpu.dma_semaphore, #tpu.memory_space<semaphore_mem>>) src(%dma_wait3A_127 : memref<32768xf32, #tpu.memory_space<hbm>>) dst(%arg6 : memref<32768xf32, #tpu.memory_space<vmem>>)
        tpu.yield
      }) : () -> ()
      %scan3A_118 = arith.constant 0 : i32
      %scan3A_119 = arith.constant 0 : i32
      %scan3A_120 = arith.constant 16 : i32
      %scan3A_121 = arith.addi %scan3A_119, %scan3A_120 : i32
      %scan3A_122 = arith.constant 1 : i32
      %scan3A_123 = scf.for %scan3A_126 = %scan3A_119 to %scan3A_121 step %scan3A_122 iter_args(%scan3A_127 = %scan3A_118) -> (i32)  : i32 {
        %scan3A_128 = arith.constant 0 : i32
        %scan3A_129 = arith.constant 0 : i32
        %scan3A_130 = arith.constant 64 : i32
        %scan3A_131 = arith.addi %scan3A_129, %scan3A_130 : i32
        %scan3A_132 = arith.constant 1 : i32
        %scan3A_133 = scf.for %scan3A_136 = %scan3A_129 to %scan3A_131 step %scan3A_132 iter_args(%scan3A_137 = %scan3A_128) -> (i32)  : i32 {
          %mul3A_138 = arith.constant 16 : i32
          %mul3A_139 = arith.muli %scan3A_136, %mul3A_138 : i32
          %get3A_140 = arith.index_cast %mul3A_139 : i32 to index
          %get3A_141 = tpu.vector_load %arg7[%get3A_140] {strides = array<i32>} : memref<1024xf32, #tpu.memory_space<vmem>>, vector<16xf32>,
          %mul3A_142 = arith.constant 2 : i32
          %mul3A_143 = arith.muli %scan3A_126, %mul3A_142 : i32
          %mul3A_144 = arith.constant 1024 : i32
          %mul3A_145 = arith.muli %mul3A_143, %mul3A_144 : i32
          %mul3A_146 = arith.constant 16 : i32
          %mul3A_147 = arith.muli %scan3A_136, %mul3A_146 : i32
          %add3A_148 = arith.addi %mul3A_145, %mul3A_147 : i32
          %get3A_149 = arith.index_cast %add3A_148 : i32 to index
          %get3A_150 = tpu.vector_load %arg6[%get3A_149] {strides = array<i32>} : memref<32768xf32, #tpu.memory_space<vmem>>, vector<16xf32>,
          %add3A_151 = arith.addf %get3A_141, %get3A_150 : vector<16xf32>
          %mul3A_152 = arith.constant 16 : i32
          %mul3A_153 = arith.muli %scan3A_136, %mul3A_152 : i32
          %swap3A = arith.index_cast %mul3A_153 : i32 to index
          %swap3A_154 = tpu.vector_load %arg7[%swap3A] {strides = array<i32>} : memref<1024xf32, #tpu.memory_space<vmem>>, vector<16xf32>,
          tpu.vector_store %arg7[%swap3A], %add3A_151 {strides = array<i32>} : memref<1024xf32, #tpu.memory_space<vmem>>, vector<16xf32>,
          %mul3A_155 = arith.constant 16 : i32
          %mul3A_156 = arith.muli %scan3A_136, %mul3A_155 : i32
          %get3A_157 = arith.index_cast %mul3A_156 : i32 to index
          %get3A_158 = tpu.vector_load %arg8[%get3A_157] {strides = array<i32>} : memref<1024xf32, #tpu.memory_space<vmem>>, vector<16xf32>,
          %mul3A_159 = arith.constant 2 : i32
          %mul3A_160 = arith.muli %scan3A_126, %mul3A_159 : i32
          %mul3A_161 = arith.constant 1024 : i32
          %mul3A_162 = arith.muli %mul3A_160, %mul3A_161 : i32
          %add3A_163 = arith.constant 1024 : i32
          %add3A_164 = arith.addi %mul3A_162, %add3A_163 : i32
          %mul3A_165 = arith.constant 16 : i32
          %mul3A_166 = arith.muli %scan3A_136, %mul3A_165 : i32
          %add3A_167 = arith.addi %add3A_164, %mul3A_166 : i32
          %get3A_168 = arith.index_cast %add3A_167 : i32 to index
          %get3A_169 = tpu.vector_load %arg6[%get3A_168] {strides = array<i32>} : memref<32768xf32, #tpu.memory_space<vmem>>, vector<16xf32>,
          %add3A_170 = arith.addf %get3A_158, %get3A_169 : vector<16xf32>
          %mul3A_171 = arith.constant 16 : i32
          %mul3A_172 = arith.muli %scan3A_136, %mul3A_171 : i32
          %swap3A_173 = arith.index_cast %mul3A_172 : i32 to index
          %swap3A_174 = tpu.vector_load %arg8[%swap3A_173] {strides = array<i32>} : memref<1024xf32, #tpu.memory_space<vmem>>, vector<16xf32>,
          tpu.vector_store %arg8[%swap3A_173], %add3A_170 {strides = array<i32>} : memref<1024xf32, #tpu.memory_space<vmem>>, vector<16xf32>,
          %scan3A_175 = arith.constant 0 : i32
          scf.yield %scan3A_175 : i32
        }
        %scan3A_134 = arith.constant 64 : i32
        %scan3A_135 = arith.constant 0 : i32
        scf.yield %scan3A_135 : i32
      }
      %scan3A_124 = arith.constant 16 : i32
      %scan3A_125 = arith.constant 0 : i32
      scf.yield %scan3A_125 : i32
    }
    %scan3A_31 = arith.constant 2 : i32
    %scan3A_32 = arith.constant 1.000000e+05 : f32
    %scan3A_33 = arith.constant 0.000000e+00 : f32
    %scan3A_34 = arith.constant 0.000000e+00 : f32
    %scan3A_35 = arith.constant 0 : i32
    %scan3A_36 = arith.constant 0 : i32
    %scan3A_37 = arith.constant 0.000000e+00 : f32
    %scan3A_38 = arith.constant 0.000000e+00 : f32
    %scan3A_39 = arith.constant 0 : i32
    %scan3A_40 = arith.constant 64 : i32
    %scan3A_41 = arith.addi %scan3A_39, %scan3A_40 : i32
    %scan3A_42 = arith.constant 1 : i32
    %scan3A_43:6 = scf.for %scan3A_114 = %scan3A_39 to %scan3A_41 step %scan3A_42 iter_args(%scan3A_115 = %scan3A_33, %scan3A_116 = %scan3A_34, %scan3A_117 = %scan3A_35, %scan3A_118 = %scan3A_36, %scan3A_119 = %scan3A_37, %scan3A_120 = %scan3A_38) -> (f32, f32, i32, i32, f32, f32)  : i32 {
      %sub3A_121 = arith.constant 63 : i32
      %sub3A_122 = arith.subi %sub3A_121, %scan3A_114 : i32
      %mul3A_123 = arith.constant 16 : i32
      %mul3A_124 = arith.muli %sub3A_122, %mul3A_123 : i32
      %get3A_125 = arith.index_cast %mul3A_124 : i32 to index
      %get3A_126 = tpu.vector_load %arg7[%get3A_125] {strides = array<i32>} : memref<1024xf32, #tpu.memory_space<vmem>>, vector<16xf32>,
      %mul3A_127 = arith.constant 16 : i32
      %mul3A_128 = arith.muli %sub3A_122, %mul3A_127 : i32
      %get3A_129 = arith.index_cast %mul3A_128 : i32 to index
      %get3A_130 = tpu.vector_load %arg8[%get3A_129] {strides = array<i32>} : memref<1024xf32, #tpu.memory_space<vmem>>, vector<16xf32>,
      %reduce_sum3A_131 = arith.constant true
      %reduce_sum3A_132 = vector.broadcast %reduce_sum3A_131 : i1 to vector<16xi1>
      %reduce_sum3A_133 = tpu.scan <sum>, %get3A_126 masked %reduce_sum3A_132 : vector<16xf32>, vector<16xi1> -> vector<16xf32>
      %reduce_sum3A_134 = vector.extract %reduce_sum3A_133[15] : f32 from vector<16xf32>
      %reduce_sum3A_135 = arith.constant true
      %reduce_sum3A_136 = vector.broadcast %reduce_sum3A_135 : i1 to vector<16xi1>
      %reduce_sum3A_137 = tpu.scan <sum>, %get3A_130 masked %reduce_sum3A_136 : vector<16xf32>, vector<16xi1> -> vector<16xf32>
      %reduce_sum3A_138 = vector.extract %reduce_sum3A_137[15] : f32 from vector<16xf32>
      %eq3A_139 = arith.constant 0 : i32
      %eq3A_140 = arith.cmpi eq, %scan3A_117, %eq3A_139 : i32
      %add3A_141 = arith.addf %scan3A_115, %reduce_sum3A_134 : f32
      %ge3A_142 = arith.cmpf oge, %add3A_141, %scan3A_32 : f32
      %and3A = arith.andi %eq3A_140, %ge3A_142 : i1
      %select_n3A_143 = arith.select %and3A, %sub3A_122, %scan3A_118 : i32
      %select_n3A_144 = arith.select %and3A, %scan3A_115, %scan3A_119 : f32
      %select_n3A_145 = arith.select %and3A, %scan3A_116, %scan3A_120 : f32
      %jit3A_146 = arith.constant 1 : i32
      %select_n3A_147 = arith.select %and3A, %jit3A_146, %scan3A_117 : i32
      %add3A_148 = arith.addf %scan3A_115, %reduce_sum3A_134 : f32
      %add3A_149 = arith.addf %scan3A_116, %reduce_sum3A_138 : f32
      scf.yield %add3A_148, %add3A_149, %select_n3A_147, %select_n3A_143, %select_n3A_144, %select_n3A_145 : f32, f32, i32, i32, f32, f32
    }
    %scan3A_44 = arith.constant 64 : i32
    %mul3A_45 = arith.constant 16 : i32
    %mul3A_46 = arith.muli %scan3A_43#3, %mul3A_45 : i32
    %get3A = arith.index_cast %mul3A_46 : i32 to index
    %get3A_47 = tpu.vector_load %arg7[%get3A] {strides = array<i32>} : memref<1024xf32, #tpu.memory_space<vmem>>, vector<16xf32>,
    %mul3A_48 = arith.constant 16 : i32
    %mul3A_49 = arith.muli %scan3A_43#3, %mul3A_48 : i32
    %get3A_50 = arith.index_cast %mul3A_49 : i32 to index
    %get3A_51 = tpu.vector_load %arg8[%get3A_50] {strides = array<i32>} : memref<1024xf32, #tpu.memory_space<vmem>>, vector<16xf32>,
    %rev3A = arith.constant 15 : i32
    %rev3A_52 = vector.broadcast %rev3A : i32 to vector<16xi32>
    %rev3A_53 = tpu.iota {dimensions = array<i32: 0>} : vector<16xi32>
    %rev3A_54 = arith.subi %rev3A_52, %rev3A_53 : vector<16xi32>
    %rev3A_55 = tpu.dynamic_gather %get3A_47[%rev3A_54] in [0] : vector<16xf32>, vector<16xi32> -> vector<16xf32>
    %cumsum3A = arith.constant true
    %cumsum3A_56 = vector.broadcast %cumsum3A : i1 to vector<16xi1>
    %cumsum3A_57 = tpu.scan <sum>, %rev3A_55 masked %cumsum3A_56 : vector<16xf32>, vector<16xi1> -> vector<16xf32>
    %rev3A_58 = arith.constant 15 : i32
    %rev3A_59 = vector.broadcast %rev3A_58 : i32 to vector<16xi32>
    %rev3A_60 = tpu.iota {dimensions = array<i32: 0>} : vector<16xi32>
    %rev3A_61 = arith.subi %rev3A_59, %rev3A_60 : vector<16xi32>
    %rev3A_62 = tpu.dynamic_gather %cumsum3A_57[%rev3A_61] in [0] : vector<16xf32>, vector<16xi32> -> vector<16xf32>
    %add3A_63 = vector.broadcast %scan3A_43#4 : f32 to vector<16xf32>
    %add3A_64 = arith.addf %add3A_63, %rev3A_62 : vector<16xf32>
    %ge3A = arith.constant 1.000000e+05 : f32
    %ge3A_65 = vector.broadcast %ge3A : f32 to vector<16xf32>
    %ge3A_66 = arith.cmpf oge, %add3A_64, %ge3A_65 : vector<16xf32>
    %convert_element_type3A = arith.extui %ge3A_66 : vector<16xi1> to vector<16xi32>
    %reduce_sum3A = arith.constant true
    %reduce_sum3A_67 = vector.broadcast %reduce_sum3A : i1 to vector<16xi1>
    %reduce_sum3A_68 = tpu.scan <sum>, %convert_element_type3A masked %reduce_sum3A_67 : vector<16xi32>, vector<16xi1> -> vector<16xi32>
    %reduce_sum3A_69 = vector.extract %reduce_sum3A_68[15] : i32 from vector<16xi32>
    %sub3A = arith.constant 1 : i32
    %sub3A_70 = arith.subi %reduce_sum3A_69, %sub3A : i32
    %iota3A_71 = tpu.iota {dimensions = array<i32: 0>} : vector<16xi32>
    %gt3A = vector.broadcast %sub3A_70 : i32 to vector<16xi32>
    %gt3A_72 = arith.cmpi sgt, %iota3A_71, %gt3A : vector<16xi32>
    %jit3A = arith.constant 0.000000e+00 : f32
    %broadcast_in_dim3A_73 = vector.broadcast %jit3A : f32 to vector<16xf32>
    %select_n3A = arith.select %gt3A_72, %get3A_47, %broadcast_in_dim3A_73 : vector<16xi1>, vector<16xf32>
    %reduce_sum3A_74 = arith.constant true
    %reduce_sum3A_75 = vector.broadcast %reduce_sum3A_74 : i1 to vector<16xi1>
    %reduce_sum3A_76 = tpu.scan <sum>, %select_n3A masked %reduce_sum3A_75 : vector<16xf32>, vector<16xi1> -> vector<16xf32>
    %reduce_sum3A_77 = vector.extract %reduce_sum3A_76[15] : f32 from vector<16xf32>
    %add3A_78 = arith.addf %scan3A_43#4, %reduce_sum3A_77 : f32
    %jit3A_79 = arith.constant 0.000000e+00 : f32
    %broadcast_in_dim3A_80 = vector.broadcast %jit3A_79 : f32 to vector<16xf32>
    %select_n3A_81 = arith.select %gt3A_72, %get3A_51, %broadcast_in_dim3A_80 : vector<16xi1>, vector<16xf32>
    %reduce_sum3A_82 = arith.constant true
    %reduce_sum3A_83 = vector.broadcast %reduce_sum3A_82 : i1 to vector<16xi1>
    %reduce_sum3A_84 = tpu.scan <sum>, %select_n3A_81 masked %reduce_sum3A_83 : vector<16xf32>, vector<16xi1> -> vector<16xf32>
    %reduce_sum3A_85 = vector.extract %reduce_sum3A_84[15] : f32 from vector<16xf32>
    %add3A_86 = arith.addf %scan3A_43#5, %reduce_sum3A_85 : f32
    %mul3A_87 = arith.constant 16 : i32
    %mul3A_88 = arith.muli %scan3A_43#3, %mul3A_87 : i32
    %add3A_89 = arith.addi %mul3A_88, %sub3A_70 : i32
    %convert_element_type3A_90 = arith.sitofp %add3A_89 : i32 to f32
    %mul3A_91 = arith.constant 31232 : i32
    %mul3A_92 = arith.muli %add3A, %mul3A_91 : i32
    %scan3A_93 = arith.constant 0 : i32
    %scan3A_94 = arith.constant 0 : i32
    %scan3A_95 = arith.constant 8 : i32
    %scan3A_96 = arith.addi %scan3A_94, %scan3A_95 : i32
    %scan3A_97 = arith.constant 1 : i32
    %scan3A_98 = scf.for %scan3A_114 = %scan3A_94 to %scan3A_96 step %scan3A_97 iter_args(%scan3A_115 = %scan3A_93) -> (i32)  : i32 {
      %mul3A_116 = arith.constant 3904 : i32
      %mul3A_117 = arith.muli %scan3A_114, %mul3A_116 : i32
      %add3A_118 = arith.addi %mul3A_92, %mul3A_117 : i32
      "tpu.region"() ({
        %run_scoped3A = tpu.sem_alloc : memref<!tpu.dma_semaphore, #tpu.memory_space<semaphore_mem>>
        %dma_start3A = arith.constant 0 : i32
        %dma_start3A_122 = tpu.memref_slice %arg9[%dma_start3A] : memref<3904xf32, #tpu.memory_space<vmem>> -> memref<3904xf32, #tpu.memory_space<vmem>>
        %dma_start3A_123 = tpu.memref_slice %arg2[%add3A_118] : memref<1000000xf32, #tpu.memory_space<hbm>> -> memref<3904xf32, #tpu.memory_space<hbm>>
        %dma_start3A_124 = arith.constant 0 : i32
        %dma_start3A_125 = tpu.memref_slice %arg9[%dma_start3A_124] : memref<3904xf32, #tpu.memory_space<vmem>> -> memref<3904xf32, #tpu.memory_space<vmem>>
        %dma_start3A_126 = tpu.memref_slice %arg2[%add3A_118] : memref<1000000xf32, #tpu.memory_space<hbm>> -> memref<3904xf32, #tpu.memory_space<hbm>>
        tpu.enqueue_dma source(%dma_start3A_126 : memref<3904xf32, #tpu.memory_space<hbm>>) target(%dma_start3A_125 : memref<3904xf32, #tpu.memory_space<vmem>>) target_semaphore(%run_scoped3A : memref<!tpu.dma_semaphore, #tpu.memory_space<semaphore_mem>>)
        %dma_wait3A = arith.constant 0 : i32
        %dma_wait3A_127 = tpu.memref_slice %arg9[%dma_wait3A] : memref<3904xf32, #tpu.memory_space<vmem>> -> memref<3904xf32, #tpu.memory_space<vmem>>
        %dma_wait3A_128 = tpu.memref_slice %arg2[%add3A_118] : memref<1000000xf32, #tpu.memory_space<hbm>> -> memref<3904xf32, #tpu.memory_space<hbm>>
        %dma_wait3A_129 = arith.constant 0 : i32
        %dma_wait3A_130 = tpu.memref_slice %arg9[%dma_wait3A_129] : memref<3904xf32, #tpu.memory_space<vmem>> -> memref<3904xf32, #tpu.memory_space<vmem>>
        %dma_wait3A_131 = tpu.memref_slice %arg2[%add3A_118] : memref<1000000xf32, #tpu.memory_space<hbm>> -> memref<3904xf32, #tpu.memory_space<hbm>>
        tpu.wait_dma2 semaphore(%run_scoped3A : memref<!tpu.dma_semaphore, #tpu.memory_space<semaphore_mem>>) src(%dma_wait3A_131 : memref<3904xf32, #tpu.memory_space<hbm>>) dst(%dma_wait3A_130 : memref<3904xf32, #tpu.memory_space<vmem>>)
        tpu.yield
      }) : () -> ()
      "tpu.region"() ({
        %run_scoped3A = tpu.sem_alloc : memref<!tpu.dma_semaphore, #tpu.memory_space<semaphore_mem>>
        %dma_start3A = arith.constant 0 : i32
        %dma_start3A_122 = tpu.memref_slice %arg10[%dma_start3A] : memref<3904xf32, #tpu.memory_space<vmem>> -> memref<3904xf32, #tpu.memory_space<vmem>>
        %dma_start3A_123 = tpu.memref_slice %arg3[%add3A_118] : memref<1000000xf32, #tpu.memory_space<hbm>> -> memref<3904xf32, #tpu.memory_space<hbm>>
        %dma_start3A_124 = arith.constant 0 : i32
        %dma_start3A_125 = tpu.memref_slice %arg10[%dma_start3A_124] : memref<3904xf32, #tpu.memory_space<vmem>> -> memref<3904xf32, #tpu.memory_space<vmem>>
        %dma_start3A_126 = tpu.memref_slice %arg3[%add3A_118] : memref<1000000xf32, #tpu.memory_space<hbm>> -> memref<3904xf32, #tpu.memory_space<hbm>>
        tpu.enqueue_dma source(%dma_start3A_126 : memref<3904xf32, #tpu.memory_space<hbm>>) target(%dma_start3A_125 : memref<3904xf32, #tpu.memory_space<vmem>>) target_semaphore(%run_scoped3A : memref<!tpu.dma_semaphore, #tpu.memory_space<semaphore_mem>>)
        %dma_wait3A = arith.constant 0 : i32
        %dma_wait3A_127 = tpu.memref_slice %arg10[%dma_wait3A] : memref<3904xf32, #tpu.memory_space<vmem>> -> memref<3904xf32, #tpu.memory_space<vmem>>
        %dma_wait3A_128 = tpu.memref_slice %arg3[%add3A_118] : memref<1000000xf32, #tpu.memory_space<hbm>> -> memref<3904xf32, #tpu.memory_space<hbm>>
        %dma_wait3A_129 = arith.constant 0 : i32
        %dma_wait3A_130 = tpu.memref_slice %arg10[%dma_wait3A_129] : memref<3904xf32, #tpu.memory_space<vmem>> -> memref<3904xf32, #tpu.memory_space<vmem>>
        %dma_wait3A_131 = tpu.memref_slice %arg3[%add3A_118] : memref<1000000xf32, #tpu.memory_space<hbm>> -> memref<3904xf32, #tpu.memory_space<hbm>>
        tpu.wait_dma2 semaphore(%run_scoped3A : memref<!tpu.dma_semaphore, #tpu.memory_space<semaphore_mem>>) src(%dma_wait3A_131 : memref<3904xf32, #tpu.memory_space<hbm>>) dst(%dma_wait3A_130 : memref<3904xf32, #tpu.memory_space<vmem>>)
        tpu.yield
      }) : () -> ()
      %parallel_loop3A = arith.constant 0 : i32
      %parallel_loop3A_119 = arith.constant 244 : i32
      %parallel_loop3A_120 = arith.constant 1 : i32
      scf.for %parallel_loop3A_122 = %parallel_loop3A to %parallel_loop3A_119 step %parallel_loop3A_120  : i32 {
        %parallel_loop3A_123 = arith.constant 16 : i32
        %parallel_loop3A_124 = arith.muli %parallel_loop3A_122, %parallel_loop3A_123 : i32
        %parallel_loop3A_125 = arith.index_cast %parallel_loop3A_124 : i32 to index
        %parallel_loop3A_126 = tpu.vector_load %arg9[%parallel_loop3A_125] {strides = array<i32>} : memref<3904xf32, #tpu.memory_space<vmem>>, vector<16xf32>,
        %parallel_loop3A_127 = arith.index_cast %parallel_loop3A_124 : i32 to index
        %parallel_loop3A_128 = tpu.vector_load %arg10[%parallel_loop3A_127] {strides = array<i32>} : memref<3904xf32, #tpu.memory_space<vmem>>, vector<16xf32>,
        %parallel_loop3A_129 = arith.subf %parallel_loop3A_128, %parallel_loop3A_126 : vector<16xf32>
        %parallel_loop3A_130 = arith.constant 5.120000e+02 : f32
        %parallel_loop3A_131 = vector.broadcast %parallel_loop3A_130 : f32 to vector<16xf32>
        %parallel_loop3A_132 = arith.mulf %parallel_loop3A_129, %parallel_loop3A_131 : vector<16xf32>
        %parallel_loop3A_133 = arith.fptosi %parallel_loop3A_132 : vector<16xf32> to vector<16xi32>
        %parallel_loop3A_134 = vector.broadcast %add3A_89 : i32 to vector<16xi32>
        %parallel_loop3A_135 = arith.cmpi eq, %parallel_loop3A_133, %parallel_loop3A_134 : vector<16xi32>
        %parallel_loop3A_136 = vector.broadcast %convert_element_type3A_90 : f32 to vector<16xf32>
        %parallel_loop3A_137 = arith.subf %parallel_loop3A_132, %parallel_loop3A_136 : vector<16xf32>
        %parallel_loop3A_138 = arith.constant 1.024000e+03 : f32
        %parallel_loop3A_139 = vector.broadcast %parallel_loop3A_138 : f32 to vector<16xf32>
        %parallel_loop3A_140 = arith.mulf %parallel_loop3A_137, %parallel_loop3A_139 : vector<16xf32>
        %parallel_loop3A_141 = arith.fptosi %parallel_loop3A_140 : vector<16xf32> to vector<16xi32>
        %parallel_loop3A_142 = arith.constant 0 : i32
        %parallel_loop3A_143 = arith.constant 1023 : i32
        %parallel_loop3A_144 = vector.broadcast %parallel_loop3A_142 : i32 to vector<16xi32>
        %parallel_loop3A_145 = arith.maxsi %parallel_loop3A_144, %parallel_loop3A_141 : vector<16xi32>
        %parallel_loop3A_146 = vector.broadcast %parallel_loop3A_143 : i32 to vector<16xi32>
        %parallel_loop3A_147 = arith.minsi %parallel_loop3A_146, %parallel_loop3A_145 : vector<16xi32>
        %parallel_loop3A_148 = arith.addi %mul3A_3, %parallel_loop3A_147 : vector<16xi32>
        tpu.vector_store_idx %arg11[%parallel_loop3A_148], %add3A_7 masked %parallel_loop3A_135 {add = true} : memref<16400xf32, #tpu.memory_space<vmem>>[vector<16xi32>], vector<16xf32>, vector<16xi1>
        %parallel_loop3A_149 = arith.mulf %parallel_loop3A_129, %parallel_loop3A_129 : vector<16xf32>
        tpu.vector_store_idx %arg12[%parallel_loop3A_148], %parallel_loop3A_149 masked %parallel_loop3A_135 {add = true} : memref<16400xf32, #tpu.memory_space<vmem>>[vector<16xi32>], vector<16xf32>, vector<16xi1>
      } {sc.loop_unroll_factor = 4 : i64, sc.parallel_access}
      %scan3A_121 = arith.constant 0 : i32
      scf.yield %scan3A_121 : i32
    }
    %scan3A_99 = arith.constant 8 : i32
    %eq3A = arith.constant 31 : i32
    %eq3A_100 = arith.cmpi eq, %add3A, %eq3A : i32
    %convert_element_type3A_101 = arith.extui %eq3A_100 : i1 to i32
    %cond3A = arith.constant 0 : i32
    %cond3A_102 = arith.cmpi ne, %convert_element_type3A_101, %cond3A : i32
    scf.if %cond3A_102 {
      %run_scoped3A = arith.constant 999424 : i32
      "tpu.region"() ({
        %run_scoped3A_117 = tpu.sem_alloc : memref<!tpu.dma_semaphore, #tpu.memory_space<semaphore_mem>>
        %dma_start3A = arith.constant 0 : i32
        %dma_start3A_118 = tpu.memref_slice %arg9[%dma_start3A] : memref<3904xf32, #tpu.memory_space<vmem>> -> memref<576xf32, #tpu.memory_space<vmem>>
        %dma_start3A_119 = tpu.memref_slice %arg2[%run_scoped3A] : memref<1000000xf32, #tpu.memory_space<hbm>> -> memref<576xf32, #tpu.memory_space<hbm>>
        %dma_start3A_120 = arith.constant 0 : i32
        %dma_start3A_121 = tpu.memref_slice %arg9[%dma_start3A_120] : memref<3904xf32, #tpu.memory_space<vmem>> -> memref<576xf32, #tpu.memory_space<vmem>>
        %dma_start3A_122 = tpu.memref_slice %arg2[%run_scoped3A] : memref<1000000xf32, #tpu.memory_space<hbm>> -> memref<576xf32, #tpu.memory_space<hbm>>
        tpu.enqueue_dma source(%dma_start3A_122 : memref<576xf32, #tpu.memory_space<hbm>>) target(%dma_start3A_121 : memref<576xf32, #tpu.memory_space<vmem>>) target_semaphore(%run_scoped3A_117 : memref<!tpu.dma_semaphore, #tpu.memory_space<semaphore_mem>>)
        %dma_wait3A = arith.constant 0 : i32
        %dma_wait3A_123 = tpu.memref_slice %arg9[%dma_wait3A] : memref<3904xf32, #tpu.memory_space<vmem>> -> memref<576xf32, #tpu.memory_space<vmem>>
        %dma_wait3A_124 = tpu.memref_slice %arg2[%run_scoped3A] : memref<1000000xf32, #tpu.memory_space<hbm>> -> memref<576xf32, #tpu.memory_space<hbm>>
        %dma_wait3A_125 = arith.constant 0 : i32
        %dma_wait3A_126 = tpu.memref_slice %arg9[%dma_wait3A_125] : memref<3904xf32, #tpu.memory_space<vmem>> -> memref<576xf32, #tpu.memory_space<vmem>>
        %dma_wait3A_127 = tpu.memref_slice %arg2[%run_scoped3A] : memref<1000000xf32, #tpu.memory_space<hbm>> -> memref<576xf32, #tpu.memory_space<hbm>>
        tpu.wait_dma2 semaphore(%run_scoped3A_117 : memref<!tpu.dma_semaphore, #tpu.memory_space<semaphore_mem>>) src(%dma_wait3A_127 : memref<576xf32, #tpu.memory_space<hbm>>) dst(%dma_wait3A_126 : memref<576xf32, #tpu.memory_space<vmem>>)
        tpu.yield
      }) : () -> ()
      %run_scoped3A_114 = arith.constant 999424 : i32
      "tpu.region"() ({
        %run_scoped3A_117 = tpu.sem_alloc : memref<!tpu.dma_semaphore, #tpu.memory_space<semaphore_mem>>
        %dma_start3A = arith.constant 0 : i32
        %dma_start3A_118 = tpu.memref_slice %arg10[%dma_start3A] : memref<3904xf32, #tpu.memory_space<vmem>> -> memref<576xf32, #tpu.memory_space<vmem>>
        %dma_start3A_119 = tpu.memref_slice %arg3[%run_scoped3A_114] : memref<1000000xf32, #tpu.memory_space<hbm>> -> memref<576xf32, #tpu.memory_space<hbm>>
        %dma_start3A_120 = arith.constant 0 : i32
        %dma_start3A_121 = tpu.memref_slice %arg10[%dma_start3A_120] : memref<3904xf32, #tpu.memory_space<vmem>> -> memref<576xf32, #tpu.memory_space<vmem>>
        %dma_start3A_122 = tpu.memref_slice %arg3[%run_scoped3A_114] : memref<1000000xf32, #tpu.memory_space<hbm>> -> memref<576xf32, #tpu.memory_space<hbm>>
        tpu.enqueue_dma source(%dma_start3A_122 : memref<576xf32, #tpu.memory_space<hbm>>) target(%dma_start3A_121 : memref<576xf32, #tpu.memory_space<vmem>>) target_semaphore(%run_scoped3A_117 : memref<!tpu.dma_semaphore, #tpu.memory_space<semaphore_mem>>)
        %dma_wait3A = arith.constant 0 : i32
        %dma_wait3A_123 = tpu.memref_slice %arg10[%dma_wait3A] : memref<3904xf32, #tpu.memory_space<vmem>> -> memref<576xf32, #tpu.memory_space<vmem>>
        %dma_wait3A_124 = tpu.memref_slice %arg3[%run_scoped3A_114] : memref<1000000xf32, #tpu.memory_space<hbm>> -> memref<576xf32, #tpu.memory_space<hbm>>
        %dma_wait3A_125 = arith.constant 0 : i32
        %dma_wait3A_126 = tpu.memref_slice %arg10[%dma_wait3A_125] : memref<3904xf32, #tpu.memory_space<vmem>> -> memref<576xf32, #tpu.memory_space<vmem>>
        %dma_wait3A_127 = tpu.memref_slice %arg3[%run_scoped3A_114] : memref<1000000xf32, #tpu.memory_space<hbm>> -> memref<576xf32, #tpu.memory_space<hbm>>
        tpu.wait_dma2 semaphore(%run_scoped3A_117 : memref<!tpu.dma_semaphore, #tpu.memory_space<semaphore_mem>>) src(%dma_wait3A_127 : memref<576xf32, #tpu.memory_space<hbm>>) dst(%dma_wait3A_126 : memref<576xf32, #tpu.memory_space<vmem>>)
        tpu.yield
      }) : () -> ()
      %parallel_loop3A = arith.constant 0 : i32
      %parallel_loop3A_115 = arith.constant 36 : i32
      %parallel_loop3A_116 = arith.constant 1 : i32
      scf.for %parallel_loop3A_117 = %parallel_loop3A to %parallel_loop3A_115 step %parallel_loop3A_116  : i32 {
        %parallel_loop3A_118 = arith.constant 16 : i32
        %parallel_loop3A_119 = arith.muli %parallel_loop3A_117, %parallel_loop3A_118 : i32
        %parallel_loop3A_120 = arith.index_cast %parallel_loop3A_119 : i32 to index
        %parallel_loop3A_121 = tpu.vector_load %arg9[%parallel_loop3A_120] {strides = array<i32>} : memref<3904xf32, #tpu.memory_space<vmem>>, vector<16xf32>,
        %parallel_loop3A_122 = arith.index_cast %parallel_loop3A_119 : i32 to index
        %parallel_loop3A_123 = tpu.vector_load %arg10[%parallel_loop3A_122] {strides = array<i32>} : memref<3904xf32, #tpu.memory_space<vmem>>, vector<16xf32>,
        %parallel_loop3A_124 = arith.subf %parallel_loop3A_123, %parallel_loop3A_121 : vector<16xf32>
        %parallel_loop3A_125 = arith.constant 5.120000e+02 : f32
        %parallel_loop3A_126 = vector.broadcast %parallel_loop3A_125 : f32 to vector<16xf32>
        %parallel_loop3A_127 = arith.mulf %parallel_loop3A_124, %parallel_loop3A_126 : vector<16xf32>
        %parallel_loop3A_128 = arith.fptosi %parallel_loop3A_127 : vector<16xf32> to vector<16xi32>
        %parallel_loop3A_129 = vector.broadcast %add3A_89 : i32 to vector<16xi32>
        %parallel_loop3A_130 = arith.cmpi eq, %parallel_loop3A_128, %parallel_loop3A_129 : vector<16xi32>
        %parallel_loop3A_131 = vector.broadcast %convert_element_type3A_90 : f32 to vector<16xf32>
        %parallel_loop3A_132 = arith.subf %parallel_loop3A_127, %parallel_loop3A_131 : vector<16xf32>
        %parallel_loop3A_133 = arith.constant 1.024000e+03 : f32
        %parallel_loop3A_134 = vector.broadcast %parallel_loop3A_133 : f32 to vector<16xf32>
        %parallel_loop3A_135 = arith.mulf %parallel_loop3A_132, %parallel_loop3A_134 : vector<16xf32>
        %parallel_loop3A_136 = arith.fptosi %parallel_loop3A_135 : vector<16xf32> to vector<16xi32>
        %parallel_loop3A_137 = arith.constant 0 : i32
        %parallel_loop3A_138 = arith.constant 1023 : i32
        %parallel_loop3A_139 = vector.broadcast %parallel_loop3A_137 : i32 to vector<16xi32>
        %parallel_loop3A_140 = arith.maxsi %parallel_loop3A_139, %parallel_loop3A_136 : vector<16xi32>
        %parallel_loop3A_141 = vector.broadcast %parallel_loop3A_138 : i32 to vector<16xi32>
        %parallel_loop3A_142 = arith.minsi %parallel_loop3A_141, %parallel_loop3A_140 : vector<16xi32>
        %parallel_loop3A_143 = arith.addi %mul3A_3, %parallel_loop3A_142 : vector<16xi32>
        tpu.vector_store_idx %arg11[%parallel_loop3A_143], %add3A_7 masked %parallel_loop3A_130 {add = true} : memref<16400xf32, #tpu.memory_space<vmem>>[vector<16xi32>], vector<16xf32>, vector<16xi1>
        %parallel_loop3A_144 = arith.mulf %parallel_loop3A_124, %parallel_loop3A_124 : vector<16xf32>
        tpu.vector_store_idx %arg12[%parallel_loop3A_143], %parallel_loop3A_144 masked %parallel_loop3A_130 {add = true} : memref<16400xf32, #tpu.memory_space<vmem>>[vector<16xi32>], vector<16xf32>, vector<16xi1>
      } {sc.loop_unroll_factor = 4 : i64, sc.parallel_access}
    } else {
    }
    %scan3A_103 = arith.constant 0 : i32
    %scan3A_104 = arith.constant 0 : i32
    %scan3A_105 = arith.constant 64 : i32
    %scan3A_106 = arith.addi %scan3A_104, %scan3A_105 : i32
    %scan3A_107 = arith.constant 1 : i32
    %scan3A_108 = scf.for %scan3A_114 = %scan3A_104 to %scan3A_106 step %scan3A_107 iter_args(%scan3A_115 = %scan3A_103) -> (i32)  : i32 {
      %broadcast_in_dim3A_116 = arith.constant 0.000000e+00 : f32
      %broadcast_in_dim3A_117 = vector.broadcast %broadcast_in_dim3A_116 : f32 to vector<16xf32>
      %broadcast_in_dim3A_118 = arith.constant 0.000000e+00 : f32
      %broadcast_in_dim3A_119 = vector.broadcast %broadcast_in_dim3A_118 : f32 to vector<16xf32>
      %mul3A_120 = arith.constant 16 : i32
      %mul3A_121 = arith.muli %scan3A_114, %mul3A_120 : i32
      %add3A_122 = arith.constant 0 : i32
      %add3A_123 = arith.addi %add3A_122, %mul3A_121 : i32
      %get3A_124 = arith.index_cast %add3A_123 : i32 to index
      %get3A_125 = tpu.vector_load %arg11[%get3A_124] {strides = array<i32>} : memref<16400xf32, #tpu.memory_space<vmem>>, vector<16xf32>,
      %add3A_126 = arith.addf %broadcast_in_dim3A_117, %get3A_125 : vector<16xf32>
      %mul3A_127 = arith.constant 16 : i32
      %mul3A_128 = arith.muli %scan3A_114, %mul3A_127 : i32
      %add3A_129 = arith.constant 0 : i32
      %add3A_130 = arith.addi %add3A_129, %mul3A_128 : i32
      %get3A_131 = arith.index_cast %add3A_130 : i32 to index
      %get3A_132 = tpu.vector_load %arg12[%get3A_131] {strides = array<i32>} : memref<16400xf32, #tpu.memory_space<vmem>>, vector<16xf32>,
      %add3A_133 = arith.addf %broadcast_in_dim3A_119, %get3A_132 : vector<16xf32>
      %mul3A_134 = arith.constant 16 : i32
      %mul3A_135 = arith.muli %scan3A_114, %mul3A_134 : i32
      %add3A_136 = arith.constant 1025 : i32
      %add3A_137 = arith.addi %add3A_136, %mul3A_135 : i32
      %get3A_138 = arith.index_cast %add3A_137 : i32 to index
      %get3A_139 = tpu.vector_load %arg11[%get3A_138] {strides = array<i32>} : memref<16400xf32, #tpu.memory_space<vmem>>, vector<16xf32>,
      %add3A_140 = arith.addf %add3A_126, %get3A_139 : vector<16xf32>
      %mul3A_141 = arith.constant 16 : i32
      %mul3A_142 = arith.muli %scan3A_114, %mul3A_141 : i32
      %add3A_143 = arith.constant 1025 : i32
      %add3A_144 = arith.addi %add3A_143, %mul3A_142 : i32
      %get3A_145 = arith.index_cast %add3A_144 : i32 to index
      %get3A_146 = tpu.vector_load %arg12[%get3A_145] {strides = array<i32>} : memref<16400xf32, #tpu.memory_space<vmem>>, vector<16xf32>,
      %add3A_147 = arith.addf %add3A_133, %get3A_146 : vector<16xf32>
      %mul3A_148 = arith.constant 16 : i32
      %mul3A_149 = arith.muli %scan3A_114, %mul3A_148 : i32
      %add3A_150 = arith.constant 2050 : i32
      %add3A_151 = arith.addi %add3A_150, %mul3A_149 : i32
      %get3A_152 = arith.index_cast %add3A_151 : i32 to index
      %get3A_153 = tpu.vector_load %arg11[%get3A_152] {strides = array<i32>} : memref<16400xf32, #tpu.memory_space<vmem>>, vector<16xf32>,
      %add3A_154 = arith.addf %add3A_140, %get3A_153 : vector<16xf32>
      %mul3A_155 = arith.constant 16 : i32
      %mul3A_156 = arith.muli %scan3A_114, %mul3A_155 : i32
      %add3A_157 = arith.constant 2050 : i32
      %add3A_158 = arith.addi %add3A_157, %mul3A_156 : i32
      %get3A_159 = arith.index_cast %add3A_158 : i32 to index
      %get3A_160 = tpu.vector_load %arg12[%get3A_159] {strides = array<i32>} : memref<16400xf32, #tpu.memory_space<vmem>>, vector<16xf32>,
      %add3A_161 = arith.addf %add3A_147, %get3A_160 : vector<16xf32>
      %mul3A_162 = arith.constant 16 : i32
      %mul3A_163 = arith.muli %scan3A_114, %mul3A_162 : i32
      %add3A_164 = arith.constant 3075 : i32
      %add3A_165 = arith.addi %add3A_164, %mul3A_163 : i32
      %get3A_166 = arith.index_cast %add3A_165 : i32 to index
      %get3A_167 = tpu.vector_load %arg11[%get3A_166] {strides = array<i32>} : memref<16400xf32, #tpu.memory_space<vmem>>, vector<16xf32>,
      %add3A_168 = arith.addf %add3A_154, %get3A_167 : vector<16xf32>
      %mul3A_169 = arith.constant 16 : i32
      %mul3A_170 = arith.muli %scan3A_114, %mul3A_169 : i32
      %add3A_171 = arith.constant 3075 : i32
      %add3A_172 = arith.addi %add3A_171, %mul3A_170 : i32
      %get3A_173 = arith.index_cast %add3A_172 : i32 to index
      %get3A_174 = tpu.vector_load %arg12[%get3A_173] {strides = array<i32>} : memref<16400xf32, #tpu.memory_space<vmem>>, vector<16xf32>,
      %add3A_175 = arith.addf %add3A_161, %get3A_174 : vector<16xf32>
      %mul3A_176 = arith.constant 16 : i32
      %mul3A_177 = arith.muli %scan3A_114, %mul3A_176 : i32
      %add3A_178 = arith.constant 4100 : i32
      %add3A_179 = arith.addi %add3A_178, %mul3A_177 : i32
      %get3A_180 = arith.index_cast %add3A_179 : i32 to index
      %get3A_181 = tpu.vector_load %arg11[%get3A_180] {strides = array<i32>} : memref<16400xf32, #tpu.memory_space<vmem>>, vector<16xf32>,
      %add3A_182 = arith.addf %add3A_168, %get3A_181 : vector<16xf32>
      %mul3A_183 = arith.constant 16 : i32
      %mul3A_184 = arith.muli %scan3A_114, %mul3A_183 : i32
      %add3A_185 = arith.constant 4100 : i32
      %add3A_186 = arith.addi %add3A_185, %mul3A_184 : i32
      %get3A_187 = arith.index_cast %add3A_186 : i32 to index
      %get3A_188 = tpu.vector_load %arg12[%get3A_187] {strides = array<i32>} : memref<16400xf32, #tpu.memory_space<vmem>>, vector<16xf32>,
      %add3A_189 = arith.addf %add3A_175, %get3A_188 : vector<16xf32>
      %mul3A_190 = arith.constant 16 : i32
      %mul3A_191 = arith.muli %scan3A_114, %mul3A_190 : i32
      %add3A_192 = arith.constant 5125 : i32
      %add3A_193 = arith.addi %add3A_192, %mul3A_191 : i32
      %get3A_194 = arith.index_cast %add3A_193 : i32 to index
      %get3A_195 = tpu.vector_load %arg11[%get3A_194] {strides = array<i32>} : memref<16400xf32, #tpu.memory_space<vmem>>, vector<16xf32>,
      %add3A_196 = arith.addf %add3A_182, %get3A_195 : vector<16xf32>
      %mul3A_197 = arith.constant 16 : i32
      %mul3A_198 = arith.muli %scan3A_114, %mul3A_197 : i32
      %add3A_199 = arith.constant 5125 : i32
      %add3A_200 = arith.addi %add3A_199, %mul3A_198 : i32
      %get3A_201 = arith.index_cast %add3A_200 : i32 to index
      %get3A_202 = tpu.vector_load %arg12[%get3A_201] {strides = array<i32>} : memref<16400xf32, #tpu.memory_space<vmem>>, vector<16xf32>,
      %add3A_203 = arith.addf %add3A_189, %get3A_202 : vector<16xf32>
      %mul3A_204 = arith.constant 16 : i32
      %mul3A_205 = arith.muli %scan3A_114, %mul3A_204 : i32
      %add3A_206 = arith.constant 6150 : i32
      %add3A_207 = arith.addi %add3A_206, %mul3A_205 : i32
      %get3A_208 = arith.index_cast %add3A_207 : i32 to index
      %get3A_209 = tpu.vector_load %arg11[%get3A_208] {strides = array<i32>} : memref<16400xf32, #tpu.memory_space<vmem>>, vector<16xf32>,
      %add3A_210 = arith.addf %add3A_196, %get3A_209 : vector<16xf32>
      %mul3A_211 = arith.constant 16 : i32
      %mul3A_212 = arith.muli %scan3A_114, %mul3A_211 : i32
      %add3A_213 = arith.constant 6150 : i32
      %add3A_214 = arith.addi %add3A_213, %mul3A_212 : i32
      %get3A_215 = arith.index_cast %add3A_214 : i32 to index
      %get3A_216 = tpu.vector_load %arg12[%get3A_215] {strides = array<i32>} : memref<16400xf32, #tpu.memory_space<vmem>>, vector<16xf32>,
      %add3A_217 = arith.addf %add3A_203, %get3A_216 : vector<16xf32>
      %mul3A_218 = arith.constant 16 : i32
      %mul3A_219 = arith.muli %scan3A_114, %mul3A_218 : i32
      %add3A_220 = arith.constant 7175 : i32
      %add3A_221 = arith.addi %add3A_220, %mul3A_219 : i32
      %get3A_222 = arith.index_cast %add3A_221 : i32 to index
      %get3A_223 = tpu.vector_load %arg11[%get3A_222] {strides = array<i32>} : memref<16400xf32, #tpu.memory_space<vmem>>, vector<16xf32>,
      %add3A_224 = arith.addf %add3A_210, %get3A_223 : vector<16xf32>
      %mul3A_225 = arith.constant 16 : i32
      %mul3A_226 = arith.muli %scan3A_114, %mul3A_225 : i32
      %add3A_227 = arith.constant 7175 : i32
      %add3A_228 = arith.addi %add3A_227, %mul3A_226 : i32
      %get3A_229 = arith.index_cast %add3A_228 : i32 to index
      %get3A_230 = tpu.vector_load %arg12[%get3A_229] {strides = array<i32>} : memref<16400xf32, #tpu.memory_space<vmem>>, vector<16xf32>,
      %add3A_231 = arith.addf %add3A_217, %get3A_230 : vector<16xf32>
      %mul3A_232 = arith.constant 16 : i32
      %mul3A_233 = arith.muli %scan3A_114, %mul3A_232 : i32
      %add3A_234 = arith.constant 8200 : i32
      %add3A_235 = arith.addi %add3A_234, %mul3A_233 : i32
      %get3A_236 = arith.index_cast %add3A_235 : i32 to index
      %get3A_237 = tpu.vector_load %arg11[%get3A_236] {strides = array<i32>} : memref<16400xf32, #tpu.memory_space<vmem>>, vector<16xf32>,
      %add3A_238 = arith.addf %add3A_224, %get3A_237 : vector<16xf32>
      %mul3A_239 = arith.constant 16 : i32
      %mul3A_240 = arith.muli %scan3A_114, %mul3A_239 : i32
      %add3A_241 = arith.constant 8200 : i32
      %add3A_242 = arith.addi %add3A_241, %mul3A_240 : i32
      %get3A_243 = arith.index_cast %add3A_242 : i32 to index
      %get3A_244 = tpu.vector_load %arg12[%get3A_243] {strides = array<i32>} : memref<16400xf32, #tpu.memory_space<vmem>>, vector<16xf32>,
      %add3A_245 = arith.addf %add3A_231, %get3A_244 : vector<16xf32>
      %mul3A_246 = arith.constant 16 : i32
      %mul3A_247 = arith.muli %scan3A_114, %mul3A_246 : i32
      %add3A_248 = arith.constant 9225 : i32
      %add3A_249 = arith.addi %add3A_248, %mul3A_247 : i32
      %get3A_250 = arith.index_cast %add3A_249 : i32 to index
      %get3A_251 = tpu.vector_load %arg11[%get3A_250] {strides = array<i32>} : memref<16400xf32, #tpu.memory_space<vmem>>, vector<16xf32>,
      %add3A_252 = arith.addf %add3A_238, %get3A_251 : vector<16xf32>
      %mul3A_253 = arith.constant 16 : i32
      %mul3A_254 = arith.muli %scan3A_114, %mul3A_253 : i32
      %add3A_255 = arith.constant 9225 : i32
      %add3A_256 = arith.addi %add3A_255, %mul3A_254 : i32
      %get3A_257 = arith.index_cast %add3A_256 : i32 to index
      %get3A_258 = tpu.vector_load %arg12[%get3A_257] {strides = array<i32>} : memref<16400xf32, #tpu.memory_space<vmem>>, vector<16xf32>,
      %add3A_259 = arith.addf %add3A_245, %get3A_258 : vector<16xf32>
      %mul3A_260 = arith.constant 16 : i32
      %mul3A_261 = arith.muli %scan3A_114, %mul3A_260 : i32
      %add3A_262 = arith.constant 10250 : i32
      %add3A_263 = arith.addi %add3A_262, %mul3A_261 : i32
      %get3A_264 = arith.index_cast %add3A_263 : i32 to index
      %get3A_265 = tpu.vector_load %arg11[%get3A_264] {strides = array<i32>} : memref<16400xf32, #tpu.memory_space<vmem>>, vector<16xf32>,
      %add3A_266 = arith.addf %add3A_252, %get3A_265 : vector<16xf32>
      %mul3A_267 = arith.constant 16 : i32
      %mul3A_268 = arith.muli %scan3A_114, %mul3A_267 : i32
      %add3A_269 = arith.constant 10250 : i32
      %add3A_270 = arith.addi %add3A_269, %mul3A_268 : i32
      %get3A_271 = arith.index_cast %add3A_270 : i32 to index
      %get3A_272 = tpu.vector_load %arg12[%get3A_271] {strides = array<i32>} : memref<16400xf32, #tpu.memory_space<vmem>>, vector<16xf32>,
      %add3A_273 = arith.addf %add3A_259, %get3A_272 : vector<16xf32>
      %mul3A_274 = arith.constant 16 : i32
      %mul3A_275 = arith.muli %scan3A_114, %mul3A_274 : i32
      %add3A_276 = arith.constant 11275 : i32
      %add3A_277 = arith.addi %add3A_276, %mul3A_275 : i32
      %get3A_278 = arith.index_cast %add3A_277 : i32 to index
      %get3A_279 = tpu.vector_load %arg11[%get3A_278] {strides = array<i32>} : memref<16400xf32, #tpu.memory_space<vmem>>, vector<16xf32>,
      %add3A_280 = arith.addf %add3A_266, %get3A_279 : vector<16xf32>
      %mul3A_281 = arith.constant 16 : i32
      %mul3A_282 = arith.muli %scan3A_114, %mul3A_281 : i32
      %add3A_283 = arith.constant 11275 : i32
      %add3A_284 = arith.addi %add3A_283, %mul3A_282 : i32
      %get3A_285 = arith.index_cast %add3A_284 : i32 to index
      %get3A_286 = tpu.vector_load %arg12[%get3A_285] {strides = array<i32>} : memref<16400xf32, #tpu.memory_space<vmem>>, vector<16xf32>,
      %add3A_287 = arith.addf %add3A_273, %get3A_286 : vector<16xf32>
      %mul3A_288 = arith.constant 16 : i32
      %mul3A_289 = arith.muli %scan3A_114, %mul3A_288 : i32
      %add3A_290 = arith.constant 12300 : i32
      %add3A_291 = arith.addi %add3A_290, %mul3A_289 : i32
      %get3A_292 = arith.index_cast %add3A_291 : i32 to index
      %get3A_293 = tpu.vector_load %arg11[%get3A_292] {strides = array<i32>} : memref<16400xf32, #tpu.memory_space<vmem>>, vector<16xf32>,
      %add3A_294 = arith.addf %add3A_280, %get3A_293 : vector<16xf32>
      %mul3A_295 = arith.constant 16 : i32
      %mul3A_296 = arith.muli %scan3A_114, %mul3A_295 : i32
      %add3A_297 = arith.constant 12300 : i32
      %add3A_298 = arith.addi %add3A_297, %mul3A_296 : i32
      %get3A_299 = arith.index_cast %add3A_298 : i32 to index
      %get3A_300 = tpu.vector_load %arg12[%get3A_299] {strides = array<i32>} : memref<16400xf32, #tpu.memory_space<vmem>>, vector<16xf32>,
      %add3A_301 = arith.addf %add3A_287, %get3A_300 : vector<16xf32>
      %mul3A_302 = arith.constant 16 : i32
      %mul3A_303 = arith.muli %scan3A_114, %mul3A_302 : i32
      %add3A_304 = arith.constant 13325 : i32
      %add3A_305 = arith.addi %add3A_304, %mul3A_303 : i32
      %get3A_306 = arith.index_cast %add3A_305 : i32 to index
      %get3A_307 = tpu.vector_load %arg11[%get3A_306] {strides = array<i32>} : memref<16400xf32, #tpu.memory_space<vmem>>, vector<16xf32>,
      %add3A_308 = arith.addf %add3A_294, %get3A_307 : vector<16xf32>
      %mul3A_309 = arith.constant 16 : i32
      %mul3A_310 = arith.muli %scan3A_114, %mul3A_309 : i32
      %add3A_311 = arith.constant 13325 : i32
      %add3A_312 = arith.addi %add3A_311, %mul3A_310 : i32
      %get3A_313 = arith.index_cast %add3A_312 : i32 to index
      %get3A_314 = tpu.vector_load %arg12[%get3A_313] {strides = array<i32>} : memref<16400xf32, #tpu.memory_space<vmem>>, vector<16xf32>,
      %add3A_315 = arith.addf %add3A_301, %get3A_314 : vector<16xf32>
      %mul3A_316 = arith.constant 16 : i32
      %mul3A_317 = arith.muli %scan3A_114, %mul3A_316 : i32
      %add3A_318 = arith.constant 14350 : i32
      %add3A_319 = arith.addi %add3A_318, %mul3A_317 : i32
      %get3A_320 = arith.index_cast %add3A_319 : i32 to index
      %get3A_321 = tpu.vector_load %arg11[%get3A_320] {strides = array<i32>} : memref<16400xf32, #tpu.memory_space<vmem>>, vector<16xf32>,
      %add3A_322 = arith.addf %add3A_308, %get3A_321 : vector<16xf32>
      %mul3A_323 = arith.constant 16 : i32
      %mul3A_324 = arith.muli %scan3A_114, %mul3A_323 : i32
      %add3A_325 = arith.constant 14350 : i32
      %add3A_326 = arith.addi %add3A_325, %mul3A_324 : i32
      %get3A_327 = arith.index_cast %add3A_326 : i32 to index
      %get3A_328 = tpu.vector_load %arg12[%get3A_327] {strides = array<i32>} : memref<16400xf32, #tpu.memory_space<vmem>>, vector<16xf32>,
      %add3A_329 = arith.addf %add3A_315, %get3A_328 : vector<16xf32>
      %mul3A_330 = arith.constant 16 : i32
      %mul3A_331 = arith.muli %scan3A_114, %mul3A_330 : i32
      %add3A_332 = arith.constant 15375 : i32
      %add3A_333 = arith.addi %add3A_332, %mul3A_331 : i32
      %get3A_334 = arith.index_cast %add3A_333 : i32 to index
      %get3A_335 = tpu.vector_load %arg11[%get3A_334] {strides = array<i32>} : memref<16400xf32, #tpu.memory_space<vmem>>, vector<16xf32>,
      %add3A_336 = arith.addf %add3A_322, %get3A_335 : vector<16xf32>
      %mul3A_337 = arith.constant 16 : i32
      %mul3A_338 = arith.muli %scan3A_114, %mul3A_337 : i32
      %add3A_339 = arith.constant 15375 : i32
      %add3A_340 = arith.addi %add3A_339, %mul3A_338 : i32
      %get3A_341 = arith.index_cast %add3A_340 : i32 to index
      %get3A_342 = tpu.vector_load %arg12[%get3A_341] {strides = array<i32>} : memref<16400xf32, #tpu.memory_space<vmem>>, vector<16xf32>,
      %add3A_343 = arith.addf %add3A_329, %get3A_342 : vector<16xf32>
      %mul3A_344 = arith.constant 16 : i32
      %mul3A_345 = arith.muli %scan3A_114, %mul3A_344 : i32
      %swap3A = arith.index_cast %mul3A_345 : i32 to index
      %swap3A_346 = tpu.vector_load %arg13[%swap3A] {strides = array<i32>} : memref<2048xf32, #tpu.memory_space<vmem>>, vector<16xf32>,
      tpu.vector_store %arg13[%swap3A], %add3A_336 {strides = array<i32>} : memref<2048xf32, #tpu.memory_space<vmem>>, vector<16xf32>,
      %mul3A_347 = arith.constant 16 : i32
      %mul3A_348 = arith.muli %scan3A_114, %mul3A_347 : i32
      %add3A_349 = arith.constant 1024 : i32
      %add3A_350 = arith.addi %add3A_349, %mul3A_348 : i32
      %swap3A_351 = arith.index_cast %add3A_350 : i32 to index
      %swap3A_352 = tpu.vector_load %arg13[%swap3A_351] {strides = array<i32>} : memref<2048xf32, #tpu.memory_space<vmem>>, vector<16xf32>,
      tpu.vector_store %arg13[%swap3A_351], %add3A_343 {strides = array<i32>} : memref<2048xf32, #tpu.memory_space<vmem>>, vector<16xf32>,
      %scan3A_353 = arith.constant 0 : i32
      scf.yield %scan3A_353 : i32
    }
    %scan3A_109 = arith.constant 64 : i32
    %mul3A_110 = arith.constant 2 : i32
    %mul3A_111 = arith.muli %add3A, %mul3A_110 : i32
    %mul3A_112 = arith.constant 1024 : i32
    %mul3A_113 = arith.muli %mul3A_111, %mul3A_112 : i32
    "tpu.region"() ({
      %run_scoped3A = tpu.sem_alloc : memref<!tpu.dma_semaphore, #tpu.memory_space<semaphore_mem>>
      %dma_start3A = tpu.memref_slice %arg5[%mul3A_113] : memref<65536xf32, #tpu.memory_space<hbm>> -> memref<2048xf32, #tpu.memory_space<hbm>>
      %dma_start3A_114 = tpu.memref_slice %arg5[%mul3A_113] : memref<65536xf32, #tpu.memory_space<hbm>> -> memref<2048xf32, #tpu.memory_space<hbm>>
      tpu.enqueue_dma source(%arg13 : memref<2048xf32, #tpu.memory_space<vmem>>) target(%dma_start3A_114 : memref<2048xf32, #tpu.memory_space<hbm>>) target_semaphore(%run_scoped3A : memref<!tpu.dma_semaphore, #tpu.memory_space<semaphore_mem>>)
      %dma_wait3A = tpu.memref_slice %arg5[%mul3A_113] : memref<65536xf32, #tpu.memory_space<hbm>> -> memref<2048xf32, #tpu.memory_space<hbm>>
      %dma_wait3A_115 = tpu.memref_slice %arg5[%mul3A_113] : memref<65536xf32, #tpu.memory_space<hbm>> -> memref<2048xf32, #tpu.memory_space<hbm>>
      tpu.wait_dma2 semaphore(%run_scoped3A : memref<!tpu.dma_semaphore, #tpu.memory_space<semaphore_mem>>) src(%arg13 : memref<2048xf32, #tpu.memory_space<vmem>>) dst(%dma_wait3A_115 : memref<2048xf32, #tpu.memory_space<hbm>>)
      tpu.yield
    }) : () -> ()
    return
  }
}

#map = affine_map<(d0, d1) -> (0)>
module attributes {stable_mosaic.version = 14 : i64} {
  func.func @_k1_body(%arg0: i32, %arg1: i32, %arg2: memref<1000000xf32, #tpu.memory_space<hbm>>, %arg3: memref<1000000xf32, #tpu.memory_space<hbm>>, %arg4: memref<65536xf32, #tpu.memory_space<hbm>>, %arg5: memref<3904xf32, #tpu.memory_space<vmem>>, %arg6: memref<3904xf32, #tpu.memory_space<vmem>>, %arg7: memref<16400xf32, #tpu.memory_space<vmem>>, %arg8: memref<16400xf32, #tpu.memory_space<vmem>>, %arg9: memref<16400xf32, #tpu.memory_space<vmem>>, %arg10: memref<16400xf32, #tpu.memory_space<vmem>>, %arg11: memref<2048xf32, #tpu.memory_space<vmem>>) attributes {dimension_semantics = [#tpu.dimension_semantics<core_parallel>, #tpu.dimension_semantics<subcore_parallel>], iteration_bounds = array<i64: 2, 16>, scalar_prefetch = 0 : i64, scratch_operands = 7 : i64, tpu.core_type = #tpu.core_type<sc_vector_subcore>, window_params = [{transform_indices = #map}, {transform_indices = #map}, {transform_indices = #map}]} {
    %mul3A = arith.constant 16 : i32
    %mul3A_0 = arith.muli %arg0, %mul3A : i32
    %add3A = arith.addi %mul3A_0, %arg1 : i32
    %iota3A = tpu.iota {dimensions = array<i32: 0>} : vector<16xi32>
    %mul3A_1 = arith.constant 1025 : i32
    %mul3A_2 = vector.broadcast %mul3A_1 : i32 to vector<16xi32>
    %mul3A_3 = arith.muli %iota3A, %mul3A_2 : vector<16xi32>
    %broadcast_in_dim3A = arith.constant 0.000000e+00 : f32
    %broadcast_in_dim3A_4 = vector.broadcast %broadcast_in_dim3A : f32 to vector<16xf32>
    %add3A_5 = arith.constant 1.000000e+00 : f32
    %add3A_6 = vector.broadcast %add3A_5 : f32 to vector<16xf32>
    %add3A_7 = arith.addf %broadcast_in_dim3A_4, %add3A_6 : vector<16xf32>
    %broadcast_in_dim3A_8 = arith.constant 0.000000e+00 : f32
    %broadcast_in_dim3A_9 = vector.broadcast %broadcast_in_dim3A_8 : f32 to vector<16xf32>
    %scan3A = arith.constant 0 : i32
    %scan3A_10 = arith.constant 0 : i32
    %scan3A_11 = arith.constant 1025 : i32
    %scan3A_12 = arith.addi %scan3A_10, %scan3A_11 : i32
    %scan3A_13 = arith.constant 1 : i32
    %scan3A_14 = scf.for %scan3A_47 = %scan3A_10 to %scan3A_12 step %scan3A_13 iter_args(%scan3A_48 = %scan3A) -> (i32)  : i32 {
      %mul3A_49 = arith.constant 16 : i32
      %mul3A_50 = arith.muli %scan3A_47, %mul3A_49 : i32
      %swap3A = arith.index_cast %mul3A_50 : i32 to index
      %swap3A_51 = tpu.vector_load %arg7[%swap3A] {strides = array<i32>} : memref<16400xf32, #tpu.memory_space<vmem>>, vector<16xf32>,
      tpu.vector_store %arg7[%swap3A], %broadcast_in_dim3A_9 {strides = array<i32>} : memref<16400xf32, #tpu.memory_space<vmem>>, vector<16xf32>,
      %mul3A_52 = arith.constant 16 : i32
      %mul3A_53 = arith.muli %scan3A_47, %mul3A_52 : i32
      %swap3A_54 = arith.index_cast %mul3A_53 : i32 to index
      %swap3A_55 = tpu.vector_load %arg8[%swap3A_54] {strides = array<i32>} : memref<16400xf32, #tpu.memory_space<vmem>>, vector<16xf32>,
      tpu.vector_store %arg8[%swap3A_54], %broadcast_in_dim3A_9 {strides = array<i32>} : memref<16400xf32, #tpu.memory_space<vmem>>, vector<16xf32>,
      %scan3A_56 = arith.constant 0 : i32
      scf.yield %scan3A_56 : i32
    }
    %scan3A_15 = arith.constant 1025 : i32
    %broadcast_in_dim3A_16 = arith.constant 0.000000e+00 : f32
    %broadcast_in_dim3A_17 = vector.broadcast %broadcast_in_dim3A_16 : f32 to vector<16xf32>
    %scan3A_18 = arith.constant 0 : i32
    %scan3A_19 = arith.constant 0 : i32
    %scan3A_20 = arith.constant 1025 : i32
    %scan3A_21 = arith.addi %scan3A_19, %scan3A_20 : i32
    %scan3A_22 = arith.constant 1 : i32
    %scan3A_23 = scf.for %scan3A_47 = %scan3A_19 to %scan3A_21 step %scan3A_22 iter_args(%scan3A_48 = %scan3A_18) -> (i32)  : i32 {
      %mul3A_49 = arith.constant 16 : i32
      %mul3A_50 = arith.muli %scan3A_47, %mul3A_49 : i32
      %swap3A = arith.index_cast %mul3A_50 : i32 to index
      %swap3A_51 = tpu.vector_load %arg9[%swap3A] {strides = array<i32>} : memref<16400xf32, #tpu.memory_space<vmem>>, vector<16xf32>,
      tpu.vector_store %arg9[%swap3A], %broadcast_in_dim3A_17 {strides = array<i32>} : memref<16400xf32, #tpu.memory_space<vmem>>, vector<16xf32>,
      %mul3A_52 = arith.constant 16 : i32
      %mul3A_53 = arith.muli %scan3A_47, %mul3A_52 : i32
      %swap3A_54 = arith.index_cast %mul3A_53 : i32 to index
      %swap3A_55 = tpu.vector_load %arg10[%swap3A_54] {strides = array<i32>} : memref<16400xf32, #tpu.memory_space<vmem>>, vector<16xf32>,
      tpu.vector_store %arg10[%swap3A_54], %broadcast_in_dim3A_17 {strides = array<i32>} : memref<16400xf32, #tpu.memory_space<vmem>>, vector<16xf32>,
      %scan3A_56 = arith.constant 0 : i32
      scf.yield %scan3A_56 : i32
    }
    %scan3A_24 = arith.constant 1025 : i32
    %mul3A_25 = arith.constant 31232 : i32
    %mul3A_26 = arith.muli %add3A, %mul3A_25 : i32
    %scan3A_27 = arith.constant 0 : i32
    %scan3A_28 = arith.constant 0 : i32
    %scan3A_29 = arith.constant 8 : i32
    %scan3A_30 = arith.addi %scan3A_28, %scan3A_29 : i32
    %scan3A_31 = arith.constant 1 : i32
    %scan3A_32 = scf.for %scan3A_47 = %scan3A_28 to %scan3A_30 step %scan3A_31 iter_args(%scan3A_48 = %scan3A_27) -> (i32)  : i32 {
      %mul3A_49 = arith.constant 3904 : i32
      %mul3A_50 = arith.muli %scan3A_47, %mul3A_49 : i32
      %add3A_51 = arith.addi %mul3A_26, %mul3A_50 : i32
      "tpu.region"() ({
        %run_scoped3A = tpu.sem_alloc : memref<!tpu.dma_semaphore, #tpu.memory_space<semaphore_mem>>
        %dma_start3A = arith.constant 0 : i32
        %dma_start3A_55 = tpu.memref_slice %arg5[%dma_start3A] : memref<3904xf32, #tpu.memory_space<vmem>> -> memref<3904xf32, #tpu.memory_space<vmem>>
        %dma_start3A_56 = tpu.memref_slice %arg2[%add3A_51] : memref<1000000xf32, #tpu.memory_space<hbm>> -> memref<3904xf32, #tpu.memory_space<hbm>>
        %dma_start3A_57 = arith.constant 0 : i32
        %dma_start3A_58 = tpu.memref_slice %arg5[%dma_start3A_57] : memref<3904xf32, #tpu.memory_space<vmem>> -> memref<3904xf32, #tpu.memory_space<vmem>>
        %dma_start3A_59 = tpu.memref_slice %arg2[%add3A_51] : memref<1000000xf32, #tpu.memory_space<hbm>> -> memref<3904xf32, #tpu.memory_space<hbm>>
        tpu.enqueue_dma source(%dma_start3A_59 : memref<3904xf32, #tpu.memory_space<hbm>>) target(%dma_start3A_58 : memref<3904xf32, #tpu.memory_space<vmem>>) target_semaphore(%run_scoped3A : memref<!tpu.dma_semaphore, #tpu.memory_space<semaphore_mem>>)
        %dma_wait3A = arith.constant 0 : i32
        %dma_wait3A_60 = tpu.memref_slice %arg5[%dma_wait3A] : memref<3904xf32, #tpu.memory_space<vmem>> -> memref<3904xf32, #tpu.memory_space<vmem>>
        %dma_wait3A_61 = tpu.memref_slice %arg2[%add3A_51] : memref<1000000xf32, #tpu.memory_space<hbm>> -> memref<3904xf32, #tpu.memory_space<hbm>>
        %dma_wait3A_62 = arith.constant 0 : i32
        %dma_wait3A_63 = tpu.memref_slice %arg5[%dma_wait3A_62] : memref<3904xf32, #tpu.memory_space<vmem>> -> memref<3904xf32, #tpu.memory_space<vmem>>
        %dma_wait3A_64 = tpu.memref_slice %arg2[%add3A_51] : memref<1000000xf32, #tpu.memory_space<hbm>> -> memref<3904xf32, #tpu.memory_space<hbm>>
        tpu.wait_dma2 semaphore(%run_scoped3A : memref<!tpu.dma_semaphore, #tpu.memory_space<semaphore_mem>>) src(%dma_wait3A_64 : memref<3904xf32, #tpu.memory_space<hbm>>) dst(%dma_wait3A_63 : memref<3904xf32, #tpu.memory_space<vmem>>)
        tpu.yield
      }) : () -> ()
      "tpu.region"() ({
        %run_scoped3A = tpu.sem_alloc : memref<!tpu.dma_semaphore, #tpu.memory_space<semaphore_mem>>
        %dma_start3A = arith.constant 0 : i32
        %dma_start3A_55 = tpu.memref_slice %arg6[%dma_start3A] : memref<3904xf32, #tpu.memory_space<vmem>> -> memref<3904xf32, #tpu.memory_space<vmem>>
        %dma_start3A_56 = tpu.memref_slice %arg3[%add3A_51] : memref<1000000xf32, #tpu.memory_space<hbm>> -> memref<3904xf32, #tpu.memory_space<hbm>>
        %dma_start3A_57 = arith.constant 0 : i32
        %dma_start3A_58 = tpu.memref_slice %arg6[%dma_start3A_57] : memref<3904xf32, #tpu.memory_space<vmem>> -> memref<3904xf32, #tpu.memory_space<vmem>>
        %dma_start3A_59 = tpu.memref_slice %arg3[%add3A_51] : memref<1000000xf32, #tpu.memory_space<hbm>> -> memref<3904xf32, #tpu.memory_space<hbm>>
        tpu.enqueue_dma source(%dma_start3A_59 : memref<3904xf32, #tpu.memory_space<hbm>>) target(%dma_start3A_58 : memref<3904xf32, #tpu.memory_space<vmem>>) target_semaphore(%run_scoped3A : memref<!tpu.dma_semaphore, #tpu.memory_space<semaphore_mem>>)
        %dma_wait3A = arith.constant 0 : i32
        %dma_wait3A_60 = tpu.memref_slice %arg6[%dma_wait3A] : memref<3904xf32, #tpu.memory_space<vmem>> -> memref<3904xf32, #tpu.memory_space<vmem>>
        %dma_wait3A_61 = tpu.memref_slice %arg3[%add3A_51] : memref<1000000xf32, #tpu.memory_space<hbm>> -> memref<3904xf32, #tpu.memory_space<hbm>>
        %dma_wait3A_62 = arith.constant 0 : i32
        %dma_wait3A_63 = tpu.memref_slice %arg6[%dma_wait3A_62] : memref<3904xf32, #tpu.memory_space<vmem>> -> memref<3904xf32, #tpu.memory_space<vmem>>
        %dma_wait3A_64 = tpu.memref_slice %arg3[%add3A_51] : memref<1000000xf32, #tpu.memory_space<hbm>> -> memref<3904xf32, #tpu.memory_space<hbm>>
        tpu.wait_dma2 semaphore(%run_scoped3A : memref<!tpu.dma_semaphore, #tpu.memory_space<semaphore_mem>>) src(%dma_wait3A_64 : memref<3904xf32, #tpu.memory_space<hbm>>) dst(%dma_wait3A_63 : memref<3904xf32, #tpu.memory_space<vmem>>)
        tpu.yield
      }) : () -> ()
      %parallel_loop3A = arith.constant 0 : i32
      %parallel_loop3A_52 = arith.constant 122 : i32
      %parallel_loop3A_53 = arith.constant 1 : i32
      scf.for %parallel_loop3A_55 = %parallel_loop3A to %parallel_loop3A_52 step %parallel_loop3A_53  : i32 {
        %parallel_loop3A_56 = arith.constant 32 : i32
        %parallel_loop3A_57 = arith.muli %parallel_loop3A_55, %parallel_loop3A_56 : i32
        %parallel_loop3A_58 = arith.constant 0 : i32
        %parallel_loop3A_59 = arith.addi %parallel_loop3A_57, %parallel_loop3A_58 : i32
        %parallel_loop3A_60 = arith.index_cast %parallel_loop3A_59 : i32 to index
        %parallel_loop3A_61 = tpu.vector_load %arg5[%parallel_loop3A_60] {strides = array<i32>} : memref<3904xf32, #tpu.memory_space<vmem>>, vector<16xf32>,
        %parallel_loop3A_62 = arith.index_cast %parallel_loop3A_59 : i32 to index
        %parallel_loop3A_63 = tpu.vector_load %arg6[%parallel_loop3A_62] {strides = array<i32>} : memref<3904xf32, #tpu.memory_space<vmem>>, vector<16xf32>,
        %parallel_loop3A_64 = arith.subf %parallel_loop3A_63, %parallel_loop3A_61 : vector<16xf32>
        %parallel_loop3A_65 = arith.constant 5.120000e+02 : f32
        %parallel_loop3A_66 = vector.broadcast %parallel_loop3A_65 : f32 to vector<16xf32>
        %parallel_loop3A_67 = arith.mulf %parallel_loop3A_64, %parallel_loop3A_66 : vector<16xf32>
        %parallel_loop3A_68 = arith.fptosi %parallel_loop3A_67 : vector<16xf32> to vector<16xi32>
        %parallel_loop3A_69 = arith.addi %mul3A_3, %parallel_loop3A_68 : vector<16xi32>
        tpu.vector_store_idx %arg7[%parallel_loop3A_69], %add3A_7 {add = true} : memref<16400xf32, #tpu.memory_space<vmem>>[vector<16xi32>], vector<16xf32>,
        %parallel_loop3A_70 = arith.mulf %parallel_loop3A_64, %parallel_loop3A_64 : vector<16xf32>
        tpu.vector_store_idx %arg8[%parallel_loop3A_69], %parallel_loop3A_70 {add = true} : memref<16400xf32, #tpu.memory_space<vmem>>[vector<16xi32>], vector<16xf32>,
        %parallel_loop3A_71 = arith.constant 32 : i32
        %parallel_loop3A_72 = arith.muli %parallel_loop3A_55, %parallel_loop3A_71 : i32
        %parallel_loop3A_73 = arith.constant 16 : i32
        %parallel_loop3A_74 = arith.addi %parallel_loop3A_72, %parallel_loop3A_73 : i32
        %parallel_loop3A_75 = arith.index_cast %parallel_loop3A_74 : i32 to index
        %parallel_loop3A_76 = tpu.vector_load %arg5[%parallel_loop3A_75] {strides = array<i32>} : memref<3904xf32, #tpu.memory_space<vmem>>, vector<16xf32>,
        %parallel_loop3A_77 = arith.index_cast %parallel_loop3A_74 : i32 to index
        %parallel_loop3A_78 = tpu.vector_load %arg6[%parallel_loop3A_77] {strides = array<i32>} : memref<3904xf32, #tpu.memory_space<vmem>>, vector<16xf32>,
        %parallel_loop3A_79 = arith.subf %parallel_loop3A_78, %parallel_loop3A_76 : vector<16xf32>
        %parallel_loop3A_80 = arith.constant 5.120000e+02 : f32
        %parallel_loop3A_81 = vector.broadcast %parallel_loop3A_80 : f32 to vector<16xf32>
        %parallel_loop3A_82 = arith.mulf %parallel_loop3A_79, %parallel_loop3A_81 : vector<16xf32>
        %parallel_loop3A_83 = arith.fptosi %parallel_loop3A_82 : vector<16xf32> to vector<16xi32>
        %parallel_loop3A_84 = arith.addi %mul3A_3, %parallel_loop3A_83 : vector<16xi32>
        tpu.vector_store_idx %arg9[%parallel_loop3A_84], %add3A_7 {add = true} : memref<16400xf32, #tpu.memory_space<vmem>>[vector<16xi32>], vector<16xf32>,
        %parallel_loop3A_85 = arith.mulf %parallel_loop3A_79, %parallel_loop3A_79 : vector<16xf32>
        tpu.vector_store_idx %arg10[%parallel_loop3A_84], %parallel_loop3A_85 {add = true} : memref<16400xf32, #tpu.memory_space<vmem>>[vector<16xi32>], vector<16xf32>,
      } {sc.loop_unroll_factor = 2 : i64, sc.parallel_access}
      %scan3A_54 = arith.constant 0 : i32
      scf.yield %scan3A_54 : i32
    }
    %scan3A_33 = arith.constant 8 : i32
    %eq3A = arith.constant 31 : i32
    %eq3A_34 = arith.cmpi eq, %add3A, %eq3A : i32
    %convert_element_type3A = arith.extui %eq3A_34 : i1 to i32
    %cond3A = arith.constant 0 : i32
    %cond3A_35 = arith.cmpi ne, %convert_element_type3A, %cond3A : i32
    scf.if %cond3A_35 {
      %run_scoped3A = arith.constant 999424 : i32
      "tpu.region"() ({
        %run_scoped3A_50 = tpu.sem_alloc : memref<!tpu.dma_semaphore, #tpu.memory_space<semaphore_mem>>
        %dma_start3A = arith.constant 0 : i32
        %dma_start3A_51 = tpu.memref_slice %arg5[%dma_start3A] : memref<3904xf32, #tpu.memory_space<vmem>> -> memref<576xf32, #tpu.memory_space<vmem>>
        %dma_start3A_52 = tpu.memref_slice %arg2[%run_scoped3A] : memref<1000000xf32, #tpu.memory_space<hbm>> -> memref<576xf32, #tpu.memory_space<hbm>>
        %dma_start3A_53 = arith.constant 0 : i32
        %dma_start3A_54 = tpu.memref_slice %arg5[%dma_start3A_53] : memref<3904xf32, #tpu.memory_space<vmem>> -> memref<576xf32, #tpu.memory_space<vmem>>
        %dma_start3A_55 = tpu.memref_slice %arg2[%run_scoped3A] : memref<1000000xf32, #tpu.memory_space<hbm>> -> memref<576xf32, #tpu.memory_space<hbm>>
        tpu.enqueue_dma source(%dma_start3A_55 : memref<576xf32, #tpu.memory_space<hbm>>) target(%dma_start3A_54 : memref<576xf32, #tpu.memory_space<vmem>>) target_semaphore(%run_scoped3A_50 : memref<!tpu.dma_semaphore, #tpu.memory_space<semaphore_mem>>)
        %dma_wait3A = arith.constant 0 : i32
        %dma_wait3A_56 = tpu.memref_slice %arg5[%dma_wait3A] : memref<3904xf32, #tpu.memory_space<vmem>> -> memref<576xf32, #tpu.memory_space<vmem>>
        %dma_wait3A_57 = tpu.memref_slice %arg2[%run_scoped3A] : memref<1000000xf32, #tpu.memory_space<hbm>> -> memref<576xf32, #tpu.memory_space<hbm>>
        %dma_wait3A_58 = arith.constant 0 : i32
        %dma_wait3A_59 = tpu.memref_slice %arg5[%dma_wait3A_58] : memref<3904xf32, #tpu.memory_space<vmem>> -> memref<576xf32, #tpu.memory_space<vmem>>
        %dma_wait3A_60 = tpu.memref_slice %arg2[%run_scoped3A] : memref<1000000xf32, #tpu.memory_space<hbm>> -> memref<576xf32, #tpu.memory_space<hbm>>
        tpu.wait_dma2 semaphore(%run_scoped3A_50 : memref<!tpu.dma_semaphore, #tpu.memory_space<semaphore_mem>>) src(%dma_wait3A_60 : memref<576xf32, #tpu.memory_space<hbm>>) dst(%dma_wait3A_59 : memref<576xf32, #tpu.memory_space<vmem>>)
        tpu.yield
      }) : () -> ()
      %run_scoped3A_47 = arith.constant 999424 : i32
      "tpu.region"() ({
        %run_scoped3A_50 = tpu.sem_alloc : memref<!tpu.dma_semaphore, #tpu.memory_space<semaphore_mem>>
        %dma_start3A = arith.constant 0 : i32
        %dma_start3A_51 = tpu.memref_slice %arg6[%dma_start3A] : memref<3904xf32, #tpu.memory_space<vmem>> -> memref<576xf32, #tpu.memory_space<vmem>>
        %dma_start3A_52 = tpu.memref_slice %arg3[%run_scoped3A_47] : memref<1000000xf32, #tpu.memory_space<hbm>> -> memref<576xf32, #tpu.memory_space<hbm>>
        %dma_start3A_53 = arith.constant 0 : i32
        %dma_start3A_54 = tpu.memref_slice %arg6[%dma_start3A_53] : memref<3904xf32, #tpu.memory_space<vmem>> -> memref<576xf32, #tpu.memory_space<vmem>>
        %dma_start3A_55 = tpu.memref_slice %arg3[%run_scoped3A_47] : memref<1000000xf32, #tpu.memory_space<hbm>> -> memref<576xf32, #tpu.memory_space<hbm>>
        tpu.enqueue_dma source(%dma_start3A_55 : memref<576xf32, #tpu.memory_space<hbm>>) target(%dma_start3A_54 : memref<576xf32, #tpu.memory_space<vmem>>) target_semaphore(%run_scoped3A_50 : memref<!tpu.dma_semaphore, #tpu.memory_space<semaphore_mem>>)
        %dma_wait3A = arith.constant 0 : i32
        %dma_wait3A_56 = tpu.memref_slice %arg6[%dma_wait3A] : memref<3904xf32, #tpu.memory_space<vmem>> -> memref<576xf32, #tpu.memory_space<vmem>>
        %dma_wait3A_57 = tpu.memref_slice %arg3[%run_scoped3A_47] : memref<1000000xf32, #tpu.memory_space<hbm>> -> memref<576xf32, #tpu.memory_space<hbm>>
        %dma_wait3A_58 = arith.constant 0 : i32
        %dma_wait3A_59 = tpu.memref_slice %arg6[%dma_wait3A_58] : memref<3904xf32, #tpu.memory_space<vmem>> -> memref<576xf32, #tpu.memory_space<vmem>>
        %dma_wait3A_60 = tpu.memref_slice %arg3[%run_scoped3A_47] : memref<1000000xf32, #tpu.memory_space<hbm>> -> memref<576xf32, #tpu.memory_space<hbm>>
        tpu.wait_dma2 semaphore(%run_scoped3A_50 : memref<!tpu.dma_semaphore, #tpu.memory_space<semaphore_mem>>) src(%dma_wait3A_60 : memref<576xf32, #tpu.memory_space<hbm>>) dst(%dma_wait3A_59 : memref<576xf32, #tpu.memory_space<vmem>>)
        tpu.yield
      }) : () -> ()
      %parallel_loop3A = arith.constant 0 : i32
      %parallel_loop3A_48 = arith.constant 18 : i32
      %parallel_loop3A_49 = arith.constant 1 : i32
      scf.for %parallel_loop3A_50 = %parallel_loop3A to %parallel_loop3A_48 step %parallel_loop3A_49  : i32 {
        %parallel_loop3A_51 = arith.constant 32 : i32
        %parallel_loop3A_52 = arith.muli %parallel_loop3A_50, %parallel_loop3A_51 : i32
        %parallel_loop3A_53 = arith.constant 0 : i32
        %parallel_loop3A_54 = arith.addi %parallel_loop3A_52, %parallel_loop3A_53 : i32
        %parallel_loop3A_55 = arith.index_cast %parallel_loop3A_54 : i32 to index
        %parallel_loop3A_56 = tpu.vector_load %arg5[%parallel_loop3A_55] {strides = array<i32>} : memref<3904xf32, #tpu.memory_space<vmem>>, vector<16xf32>,
        %parallel_loop3A_57 = arith.index_cast %parallel_loop3A_54 : i32 to index
        %parallel_loop3A_58 = tpu.vector_load %arg6[%parallel_loop3A_57] {strides = array<i32>} : memref<3904xf32, #tpu.memory_space<vmem>>, vector<16xf32>,
        %parallel_loop3A_59 = arith.subf %parallel_loop3A_58, %parallel_loop3A_56 : vector<16xf32>
        %parallel_loop3A_60 = arith.constant 5.120000e+02 : f32
        %parallel_loop3A_61 = vector.broadcast %parallel_loop3A_60 : f32 to vector<16xf32>
        %parallel_loop3A_62 = arith.mulf %parallel_loop3A_59, %parallel_loop3A_61 : vector<16xf32>
        %parallel_loop3A_63 = arith.fptosi %parallel_loop3A_62 : vector<16xf32> to vector<16xi32>
        %parallel_loop3A_64 = arith.addi %mul3A_3, %parallel_loop3A_63 : vector<16xi32>
        tpu.vector_store_idx %arg7[%parallel_loop3A_64], %add3A_7 {add = true} : memref<16400xf32, #tpu.memory_space<vmem>>[vector<16xi32>], vector<16xf32>,
        %parallel_loop3A_65 = arith.mulf %parallel_loop3A_59, %parallel_loop3A_59 : vector<16xf32>
        tpu.vector_store_idx %arg8[%parallel_loop3A_64], %parallel_loop3A_65 {add = true} : memref<16400xf32, #tpu.memory_space<vmem>>[vector<16xi32>], vector<16xf32>,
        %parallel_loop3A_66 = arith.constant 32 : i32
        %parallel_loop3A_67 = arith.muli %parallel_loop3A_50, %parallel_loop3A_66 : i32
        %parallel_loop3A_68 = arith.constant 16 : i32
        %parallel_loop3A_69 = arith.addi %parallel_loop3A_67, %parallel_loop3A_68 : i32
        %parallel_loop3A_70 = arith.index_cast %parallel_loop3A_69 : i32 to index
        %parallel_loop3A_71 = tpu.vector_load %arg5[%parallel_loop3A_70] {strides = array<i32>} : memref<3904xf32, #tpu.memory_space<vmem>>, vector<16xf32>,
        %parallel_loop3A_72 = arith.index_cast %parallel_loop3A_69 : i32 to index
        %parallel_loop3A_73 = tpu.vector_load %arg6[%parallel_loop3A_72] {strides = array<i32>} : memref<3904xf32, #tpu.memory_space<vmem>>, vector<16xf32>,
        %parallel_loop3A_74 = arith.subf %parallel_loop3A_73, %parallel_loop3A_71 : vector<16xf32>
        %parallel_loop3A_75 = arith.constant 5.120000e+02 : f32
        %parallel_loop3A_76 = vector.broadcast %parallel_loop3A_75 : f32 to vector<16xf32>
        %parallel_loop3A_77 = arith.mulf %parallel_loop3A_74, %parallel_loop3A_76 : vector<16xf32>
        %parallel_loop3A_78 = arith.fptosi %parallel_loop3A_77 : vector<16xf32> to vector<16xi32>
        %parallel_loop3A_79 = arith.addi %mul3A_3, %parallel_loop3A_78 : vector<16xi32>
        tpu.vector_store_idx %arg9[%parallel_loop3A_79], %add3A_7 {add = true} : memref<16400xf32, #tpu.memory_space<vmem>>[vector<16xi32>], vector<16xf32>,
        %parallel_loop3A_80 = arith.mulf %parallel_loop3A_74, %parallel_loop3A_74 : vector<16xf32>
        tpu.vector_store_idx %arg10[%parallel_loop3A_79], %parallel_loop3A_80 {add = true} : memref<16400xf32, #tpu.memory_space<vmem>>[vector<16xi32>], vector<16xf32>,
      } {sc.loop_unroll_factor = 2 : i64, sc.parallel_access}
    } else {
    }
    %scan3A_36 = arith.constant 0 : i32
    %scan3A_37 = arith.constant 0 : i32
    %scan3A_38 = arith.constant 64 : i32
    %scan3A_39 = arith.addi %scan3A_37, %scan3A_38 : i32
    %scan3A_40 = arith.constant 1 : i32
    %scan3A_41 = scf.for %scan3A_47 = %scan3A_37 to %scan3A_39 step %scan3A_40 iter_args(%scan3A_48 = %scan3A_36) -> (i32)  : i32 {
      %broadcast_in_dim3A_49 = arith.constant 0.000000e+00 : f32
      %broadcast_in_dim3A_50 = vector.broadcast %broadcast_in_dim3A_49 : f32 to vector<16xf32>
      %broadcast_in_dim3A_51 = arith.constant 0.000000e+00 : f32
      %broadcast_in_dim3A_52 = vector.broadcast %broadcast_in_dim3A_51 : f32 to vector<16xf32>
      %mul3A_53 = arith.constant 16 : i32
      %mul3A_54 = arith.muli %scan3A_47, %mul3A_53 : i32
      %add3A_55 = arith.constant 0 : i32
      %add3A_56 = arith.addi %add3A_55, %mul3A_54 : i32
      %get3A = arith.index_cast %add3A_56 : i32 to index
      %get3A_57 = tpu.vector_load %arg7[%get3A] {strides = array<i32>} : memref<16400xf32, #tpu.memory_space<vmem>>, vector<16xf32>,
      %add3A_58 = arith.addf %broadcast_in_dim3A_50, %get3A_57 : vector<16xf32>
      %mul3A_59 = arith.constant 16 : i32
      %mul3A_60 = arith.muli %scan3A_47, %mul3A_59 : i32
      %add3A_61 = arith.constant 0 : i32
      %add3A_62 = arith.addi %add3A_61, %mul3A_60 : i32
      %get3A_63 = arith.index_cast %add3A_62 : i32 to index
      %get3A_64 = tpu.vector_load %arg8[%get3A_63] {strides = array<i32>} : memref<16400xf32, #tpu.memory_space<vmem>>, vector<16xf32>,
      %add3A_65 = arith.addf %broadcast_in_dim3A_52, %get3A_64 : vector<16xf32>
      %mul3A_66 = arith.constant 16 : i32
      %mul3A_67 = arith.muli %scan3A_47, %mul3A_66 : i32
      %add3A_68 = arith.constant 1025 : i32
      %add3A_69 = arith.addi %add3A_68, %mul3A_67 : i32
      %get3A_70 = arith.index_cast %add3A_69 : i32 to index
      %get3A_71 = tpu.vector_load %arg7[%get3A_70] {strides = array<i32>} : memref<16400xf32, #tpu.memory_space<vmem>>, vector<16xf32>,
      %add3A_72 = arith.addf %add3A_58, %get3A_71 : vector<16xf32>
      %mul3A_73 = arith.constant 16 : i32
      %mul3A_74 = arith.muli %scan3A_47, %mul3A_73 : i32
      %add3A_75 = arith.constant 1025 : i32
      %add3A_76 = arith.addi %add3A_75, %mul3A_74 : i32
      %get3A_77 = arith.index_cast %add3A_76 : i32 to index
      %get3A_78 = tpu.vector_load %arg8[%get3A_77] {strides = array<i32>} : memref<16400xf32, #tpu.memory_space<vmem>>, vector<16xf32>,
      %add3A_79 = arith.addf %add3A_65, %get3A_78 : vector<16xf32>
      %mul3A_80 = arith.constant 16 : i32
      %mul3A_81 = arith.muli %scan3A_47, %mul3A_80 : i32
      %add3A_82 = arith.constant 2050 : i32
      %add3A_83 = arith.addi %add3A_82, %mul3A_81 : i32
      %get3A_84 = arith.index_cast %add3A_83 : i32 to index
      %get3A_85 = tpu.vector_load %arg7[%get3A_84] {strides = array<i32>} : memref<16400xf32, #tpu.memory_space<vmem>>, vector<16xf32>,
      %add3A_86 = arith.addf %add3A_72, %get3A_85 : vector<16xf32>
      %mul3A_87 = arith.constant 16 : i32
      %mul3A_88 = arith.muli %scan3A_47, %mul3A_87 : i32
      %add3A_89 = arith.constant 2050 : i32
      %add3A_90 = arith.addi %add3A_89, %mul3A_88 : i32
      %get3A_91 = arith.index_cast %add3A_90 : i32 to index
      %get3A_92 = tpu.vector_load %arg8[%get3A_91] {strides = array<i32>} : memref<16400xf32, #tpu.memory_space<vmem>>, vector<16xf32>,
      %add3A_93 = arith.addf %add3A_79, %get3A_92 : vector<16xf32>
      %mul3A_94 = arith.constant 16 : i32
      %mul3A_95 = arith.muli %scan3A_47, %mul3A_94 : i32
      %add3A_96 = arith.constant 3075 : i32
      %add3A_97 = arith.addi %add3A_96, %mul3A_95 : i32
      %get3A_98 = arith.index_cast %add3A_97 : i32 to index
      %get3A_99 = tpu.vector_load %arg7[%get3A_98] {strides = array<i32>} : memref<16400xf32, #tpu.memory_space<vmem>>, vector<16xf32>,
      %add3A_100 = arith.addf %add3A_86, %get3A_99 : vector<16xf32>
      %mul3A_101 = arith.constant 16 : i32
      %mul3A_102 = arith.muli %scan3A_47, %mul3A_101 : i32
      %add3A_103 = arith.constant 3075 : i32
      %add3A_104 = arith.addi %add3A_103, %mul3A_102 : i32
      %get3A_105 = arith.index_cast %add3A_104 : i32 to index
      %get3A_106 = tpu.vector_load %arg8[%get3A_105] {strides = array<i32>} : memref<16400xf32, #tpu.memory_space<vmem>>, vector<16xf32>,
      %add3A_107 = arith.addf %add3A_93, %get3A_106 : vector<16xf32>
      %mul3A_108 = arith.constant 16 : i32
      %mul3A_109 = arith.muli %scan3A_47, %mul3A_108 : i32
      %add3A_110 = arith.constant 4100 : i32
      %add3A_111 = arith.addi %add3A_110, %mul3A_109 : i32
      %get3A_112 = arith.index_cast %add3A_111 : i32 to index
      %get3A_113 = tpu.vector_load %arg7[%get3A_112] {strides = array<i32>} : memref<16400xf32, #tpu.memory_space<vmem>>, vector<16xf32>,
      %add3A_114 = arith.addf %add3A_100, %get3A_113 : vector<16xf32>
      %mul3A_115 = arith.constant 16 : i32
      %mul3A_116 = arith.muli %scan3A_47, %mul3A_115 : i32
      %add3A_117 = arith.constant 4100 : i32
      %add3A_118 = arith.addi %add3A_117, %mul3A_116 : i32
      %get3A_119 = arith.index_cast %add3A_118 : i32 to index
      %get3A_120 = tpu.vector_load %arg8[%get3A_119] {strides = array<i32>} : memref<16400xf32, #tpu.memory_space<vmem>>, vector<16xf32>,
      %add3A_121 = arith.addf %add3A_107, %get3A_120 : vector<16xf32>
      %mul3A_122 = arith.constant 16 : i32
      %mul3A_123 = arith.muli %scan3A_47, %mul3A_122 : i32
      %add3A_124 = arith.constant 5125 : i32
      %add3A_125 = arith.addi %add3A_124, %mul3A_123 : i32
      %get3A_126 = arith.index_cast %add3A_125 : i32 to index
      %get3A_127 = tpu.vector_load %arg7[%get3A_126] {strides = array<i32>} : memref<16400xf32, #tpu.memory_space<vmem>>, vector<16xf32>,
      %add3A_128 = arith.addf %add3A_114, %get3A_127 : vector<16xf32>
      %mul3A_129 = arith.constant 16 : i32
      %mul3A_130 = arith.muli %scan3A_47, %mul3A_129 : i32
      %add3A_131 = arith.constant 5125 : i32
      %add3A_132 = arith.addi %add3A_131, %mul3A_130 : i32
      %get3A_133 = arith.index_cast %add3A_132 : i32 to index
      %get3A_134 = tpu.vector_load %arg8[%get3A_133] {strides = array<i32>} : memref<16400xf32, #tpu.memory_space<vmem>>, vector<16xf32>,
      %add3A_135 = arith.addf %add3A_121, %get3A_134 : vector<16xf32>
      %mul3A_136 = arith.constant 16 : i32
      %mul3A_137 = arith.muli %scan3A_47, %mul3A_136 : i32
      %add3A_138 = arith.constant 6150 : i32
      %add3A_139 = arith.addi %add3A_138, %mul3A_137 : i32
      %get3A_140 = arith.index_cast %add3A_139 : i32 to index
      %get3A_141 = tpu.vector_load %arg7[%get3A_140] {strides = array<i32>} : memref<16400xf32, #tpu.memory_space<vmem>>, vector<16xf32>,
      %add3A_142 = arith.addf %add3A_128, %get3A_141 : vector<16xf32>
      %mul3A_143 = arith.constant 16 : i32
      %mul3A_144 = arith.muli %scan3A_47, %mul3A_143 : i32
      %add3A_145 = arith.constant 6150 : i32
      %add3A_146 = arith.addi %add3A_145, %mul3A_144 : i32
      %get3A_147 = arith.index_cast %add3A_146 : i32 to index
      %get3A_148 = tpu.vector_load %arg8[%get3A_147] {strides = array<i32>} : memref<16400xf32, #tpu.memory_space<vmem>>, vector<16xf32>,
      %add3A_149 = arith.addf %add3A_135, %get3A_148 : vector<16xf32>
      %mul3A_150 = arith.constant 16 : i32
      %mul3A_151 = arith.muli %scan3A_47, %mul3A_150 : i32
      %add3A_152 = arith.constant 7175 : i32
      %add3A_153 = arith.addi %add3A_152, %mul3A_151 : i32
      %get3A_154 = arith.index_cast %add3A_153 : i32 to index
      %get3A_155 = tpu.vector_load %arg7[%get3A_154] {strides = array<i32>} : memref<16400xf32, #tpu.memory_space<vmem>>, vector<16xf32>,
      %add3A_156 = arith.addf %add3A_142, %get3A_155 : vector<16xf32>
      %mul3A_157 = arith.constant 16 : i32
      %mul3A_158 = arith.muli %scan3A_47, %mul3A_157 : i32
      %add3A_159 = arith.constant 7175 : i32
      %add3A_160 = arith.addi %add3A_159, %mul3A_158 : i32
      %get3A_161 = arith.index_cast %add3A_160 : i32 to index
      %get3A_162 = tpu.vector_load %arg8[%get3A_161] {strides = array<i32>} : memref<16400xf32, #tpu.memory_space<vmem>>, vector<16xf32>,
      %add3A_163 = arith.addf %add3A_149, %get3A_162 : vector<16xf32>
      %mul3A_164 = arith.constant 16 : i32
      %mul3A_165 = arith.muli %scan3A_47, %mul3A_164 : i32
      %add3A_166 = arith.constant 8200 : i32
      %add3A_167 = arith.addi %add3A_166, %mul3A_165 : i32
      %get3A_168 = arith.index_cast %add3A_167 : i32 to index
      %get3A_169 = tpu.vector_load %arg7[%get3A_168] {strides = array<i32>} : memref<16400xf32, #tpu.memory_space<vmem>>, vector<16xf32>,
      %add3A_170 = arith.addf %add3A_156, %get3A_169 : vector<16xf32>
      %mul3A_171 = arith.constant 16 : i32
      %mul3A_172 = arith.muli %scan3A_47, %mul3A_171 : i32
      %add3A_173 = arith.constant 8200 : i32
      %add3A_174 = arith.addi %add3A_173, %mul3A_172 : i32
      %get3A_175 = arith.index_cast %add3A_174 : i32 to index
      %get3A_176 = tpu.vector_load %arg8[%get3A_175] {strides = array<i32>} : memref<16400xf32, #tpu.memory_space<vmem>>, vector<16xf32>,
      %add3A_177 = arith.addf %add3A_163, %get3A_176 : vector<16xf32>
      %mul3A_178 = arith.constant 16 : i32
      %mul3A_179 = arith.muli %scan3A_47, %mul3A_178 : i32
      %add3A_180 = arith.constant 9225 : i32
      %add3A_181 = arith.addi %add3A_180, %mul3A_179 : i32
      %get3A_182 = arith.index_cast %add3A_181 : i32 to index
      %get3A_183 = tpu.vector_load %arg7[%get3A_182] {strides = array<i32>} : memref<16400xf32, #tpu.memory_space<vmem>>, vector<16xf32>,
      %add3A_184 = arith.addf %add3A_170, %get3A_183 : vector<16xf32>
      %mul3A_185 = arith.constant 16 : i32
      %mul3A_186 = arith.muli %scan3A_47, %mul3A_185 : i32
      %add3A_187 = arith.constant 9225 : i32
      %add3A_188 = arith.addi %add3A_187, %mul3A_186 : i32
      %get3A_189 = arith.index_cast %add3A_188 : i32 to index
      %get3A_190 = tpu.vector_load %arg8[%get3A_189] {strides = array<i32>} : memref<16400xf32, #tpu.memory_space<vmem>>, vector<16xf32>,
      %add3A_191 = arith.addf %add3A_177, %get3A_190 : vector<16xf32>
      %mul3A_192 = arith.constant 16 : i32
      %mul3A_193 = arith.muli %scan3A_47, %mul3A_192 : i32
      %add3A_194 = arith.constant 10250 : i32
      %add3A_195 = arith.addi %add3A_194, %mul3A_193 : i32
      %get3A_196 = arith.index_cast %add3A_195 : i32 to index
      %get3A_197 = tpu.vector_load %arg7[%get3A_196] {strides = array<i32>} : memref<16400xf32, #tpu.memory_space<vmem>>, vector<16xf32>,
      %add3A_198 = arith.addf %add3A_184, %get3A_197 : vector<16xf32>
      %mul3A_199 = arith.constant 16 : i32
      %mul3A_200 = arith.muli %scan3A_47, %mul3A_199 : i32
      %add3A_201 = arith.constant 10250 : i32
      %add3A_202 = arith.addi %add3A_201, %mul3A_200 : i32
      %get3A_203 = arith.index_cast %add3A_202 : i32 to index
      %get3A_204 = tpu.vector_load %arg8[%get3A_203] {strides = array<i32>} : memref<16400xf32, #tpu.memory_space<vmem>>, vector<16xf32>,
      %add3A_205 = arith.addf %add3A_191, %get3A_204 : vector<16xf32>
      %mul3A_206 = arith.constant 16 : i32
      %mul3A_207 = arith.muli %scan3A_47, %mul3A_206 : i32
      %add3A_208 = arith.constant 11275 : i32
      %add3A_209 = arith.addi %add3A_208, %mul3A_207 : i32
      %get3A_210 = arith.index_cast %add3A_209 : i32 to index
      %get3A_211 = tpu.vector_load %arg7[%get3A_210] {strides = array<i32>} : memref<16400xf32, #tpu.memory_space<vmem>>, vector<16xf32>,
      %add3A_212 = arith.addf %add3A_198, %get3A_211 : vector<16xf32>
      %mul3A_213 = arith.constant 16 : i32
      %mul3A_214 = arith.muli %scan3A_47, %mul3A_213 : i32
      %add3A_215 = arith.constant 11275 : i32
      %add3A_216 = arith.addi %add3A_215, %mul3A_214 : i32
      %get3A_217 = arith.index_cast %add3A_216 : i32 to index
      %get3A_218 = tpu.vector_load %arg8[%get3A_217] {strides = array<i32>} : memref<16400xf32, #tpu.memory_space<vmem>>, vector<16xf32>,
      %add3A_219 = arith.addf %add3A_205, %get3A_218 : vector<16xf32>
      %mul3A_220 = arith.constant 16 : i32
      %mul3A_221 = arith.muli %scan3A_47, %mul3A_220 : i32
      %add3A_222 = arith.constant 12300 : i32
      %add3A_223 = arith.addi %add3A_222, %mul3A_221 : i32
      %get3A_224 = arith.index_cast %add3A_223 : i32 to index
      %get3A_225 = tpu.vector_load %arg7[%get3A_224] {strides = array<i32>} : memref<16400xf32, #tpu.memory_space<vmem>>, vector<16xf32>,
      %add3A_226 = arith.addf %add3A_212, %get3A_225 : vector<16xf32>
      %mul3A_227 = arith.constant 16 : i32
      %mul3A_228 = arith.muli %scan3A_47, %mul3A_227 : i32
      %add3A_229 = arith.constant 12300 : i32
      %add3A_230 = arith.addi %add3A_229, %mul3A_228 : i32
      %get3A_231 = arith.index_cast %add3A_230 : i32 to index
      %get3A_232 = tpu.vector_load %arg8[%get3A_231] {strides = array<i32>} : memref<16400xf32, #tpu.memory_space<vmem>>, vector<16xf32>,
      %add3A_233 = arith.addf %add3A_219, %get3A_232 : vector<16xf32>
      %mul3A_234 = arith.constant 16 : i32
      %mul3A_235 = arith.muli %scan3A_47, %mul3A_234 : i32
      %add3A_236 = arith.constant 13325 : i32
      %add3A_237 = arith.addi %add3A_236, %mul3A_235 : i32
      %get3A_238 = arith.index_cast %add3A_237 : i32 to index
      %get3A_239 = tpu.vector_load %arg7[%get3A_238] {strides = array<i32>} : memref<16400xf32, #tpu.memory_space<vmem>>, vector<16xf32>,
      %add3A_240 = arith.addf %add3A_226, %get3A_239 : vector<16xf32>
      %mul3A_241 = arith.constant 16 : i32
      %mul3A_242 = arith.muli %scan3A_47, %mul3A_241 : i32
      %add3A_243 = arith.constant 13325 : i32
      %add3A_244 = arith.addi %add3A_243, %mul3A_242 : i32
      %get3A_245 = arith.index_cast %add3A_244 : i32 to index
      %get3A_246 = tpu.vector_load %arg8[%get3A_245] {strides = array<i32>} : memref<16400xf32, #tpu.memory_space<vmem>>, vector<16xf32>,
      %add3A_247 = arith.addf %add3A_233, %get3A_246 : vector<16xf32>
      %mul3A_248 = arith.constant 16 : i32
      %mul3A_249 = arith.muli %scan3A_47, %mul3A_248 : i32
      %add3A_250 = arith.constant 14350 : i32
      %add3A_251 = arith.addi %add3A_250, %mul3A_249 : i32
      %get3A_252 = arith.index_cast %add3A_251 : i32 to index
      %get3A_253 = tpu.vector_load %arg7[%get3A_252] {strides = array<i32>} : memref<16400xf32, #tpu.memory_space<vmem>>, vector<16xf32>,
      %add3A_254 = arith.addf %add3A_240, %get3A_253 : vector<16xf32>
      %mul3A_255 = arith.constant 16 : i32
      %mul3A_256 = arith.muli %scan3A_47, %mul3A_255 : i32
      %add3A_257 = arith.constant 14350 : i32
      %add3A_258 = arith.addi %add3A_257, %mul3A_256 : i32
      %get3A_259 = arith.index_cast %add3A_258 : i32 to index
      %get3A_260 = tpu.vector_load %arg8[%get3A_259] {strides = array<i32>} : memref<16400xf32, #tpu.memory_space<vmem>>, vector<16xf32>,
      %add3A_261 = arith.addf %add3A_247, %get3A_260 : vector<16xf32>
      %mul3A_262 = arith.constant 16 : i32
      %mul3A_263 = arith.muli %scan3A_47, %mul3A_262 : i32
      %add3A_264 = arith.constant 15375 : i32
      %add3A_265 = arith.addi %add3A_264, %mul3A_263 : i32
      %get3A_266 = arith.index_cast %add3A_265 : i32 to index
      %get3A_267 = tpu.vector_load %arg7[%get3A_266] {strides = array<i32>} : memref<16400xf32, #tpu.memory_space<vmem>>, vector<16xf32>,
      %add3A_268 = arith.addf %add3A_254, %get3A_267 : vector<16xf32>
      %mul3A_269 = arith.constant 16 : i32
      %mul3A_270 = arith.muli %scan3A_47, %mul3A_269 : i32
      %add3A_271 = arith.constant 15375 : i32
      %add3A_272 = arith.addi %add3A_271, %mul3A_270 : i32
      %get3A_273 = arith.index_cast %add3A_272 : i32 to index
      %get3A_274 = tpu.vector_load %arg8[%get3A_273] {strides = array<i32>} : memref<16400xf32, #tpu.memory_space<vmem>>, vector<16xf32>,
      %add3A_275 = arith.addf %add3A_261, %get3A_274 : vector<16xf32>
      %mul3A_276 = arith.constant 16 : i32
      %mul3A_277 = arith.muli %scan3A_47, %mul3A_276 : i32
      %add3A_278 = arith.constant 0 : i32
      %add3A_279 = arith.addi %add3A_278, %mul3A_277 : i32
      %get3A_280 = arith.index_cast %add3A_279 : i32 to index
      %get3A_281 = tpu.vector_load %arg9[%get3A_280] {strides = array<i32>} : memref<16400xf32, #tpu.memory_space<vmem>>, vector<16xf32>,
      %add3A_282 = arith.addf %add3A_268, %get3A_281 : vector<16xf32>
      %mul3A_283 = arith.constant 16 : i32
      %mul3A_284 = arith.muli %scan3A_47, %mul3A_283 : i32
      %add3A_285 = arith.constant 0 : i32
      %add3A_286 = arith.addi %add3A_285, %mul3A_284 : i32
      %get3A_287 = arith.index_cast %add3A_286 : i32 to index
      %get3A_288 = tpu.vector_load %arg10[%get3A_287] {strides = array<i32>} : memref<16400xf32, #tpu.memory_space<vmem>>, vector<16xf32>,
      %add3A_289 = arith.addf %add3A_275, %get3A_288 : vector<16xf32>
      %mul3A_290 = arith.constant 16 : i32
      %mul3A_291 = arith.muli %scan3A_47, %mul3A_290 : i32
      %add3A_292 = arith.constant 1025 : i32
      %add3A_293 = arith.addi %add3A_292, %mul3A_291 : i32
      %get3A_294 = arith.index_cast %add3A_293 : i32 to index
      %get3A_295 = tpu.vector_load %arg9[%get3A_294] {strides = array<i32>} : memref<16400xf32, #tpu.memory_space<vmem>>, vector<16xf32>,
      %add3A_296 = arith.addf %add3A_282, %get3A_295 : vector<16xf32>
      %mul3A_297 = arith.constant 16 : i32
      %mul3A_298 = arith.muli %scan3A_47, %mul3A_297 : i32
      %add3A_299 = arith.constant 1025 : i32
      %add3A_300 = arith.addi %add3A_299, %mul3A_298 : i32
      %get3A_301 = arith.index_cast %add3A_300 : i32 to index
      %get3A_302 = tpu.vector_load %arg10[%get3A_301] {strides = array<i32>} : memref<16400xf32, #tpu.memory_space<vmem>>, vector<16xf32>,
      %add3A_303 = arith.addf %add3A_289, %get3A_302 : vector<16xf32>
      %mul3A_304 = arith.constant 16 : i32
      %mul3A_305 = arith.muli %scan3A_47, %mul3A_304 : i32
      %add3A_306 = arith.constant 2050 : i32
      %add3A_307 = arith.addi %add3A_306, %mul3A_305 : i32
      %get3A_308 = arith.index_cast %add3A_307 : i32 to index
      %get3A_309 = tpu.vector_load %arg9[%get3A_308] {strides = array<i32>} : memref<16400xf32, #tpu.memory_space<vmem>>, vector<16xf32>,
      %add3A_310 = arith.addf %add3A_296, %get3A_309 : vector<16xf32>
      %mul3A_311 = arith.constant 16 : i32
      %mul3A_312 = arith.muli %scan3A_47, %mul3A_311 : i32
      %add3A_313 = arith.constant 2050 : i32
      %add3A_314 = arith.addi %add3A_313, %mul3A_312 : i32
      %get3A_315 = arith.index_cast %add3A_314 : i32 to index
      %get3A_316 = tpu.vector_load %arg10[%get3A_315] {strides = array<i32>} : memref<16400xf32, #tpu.memory_space<vmem>>, vector<16xf32>,
      %add3A_317 = arith.addf %add3A_303, %get3A_316 : vector<16xf32>
      %mul3A_318 = arith.constant 16 : i32
      %mul3A_319 = arith.muli %scan3A_47, %mul3A_318 : i32
      %add3A_320 = arith.constant 3075 : i32
      %add3A_321 = arith.addi %add3A_320, %mul3A_319 : i32
      %get3A_322 = arith.index_cast %add3A_321 : i32 to index
      %get3A_323 = tpu.vector_load %arg9[%get3A_322] {strides = array<i32>} : memref<16400xf32, #tpu.memory_space<vmem>>, vector<16xf32>,
      %add3A_324 = arith.addf %add3A_310, %get3A_323 : vector<16xf32>
      %mul3A_325 = arith.constant 16 : i32
      %mul3A_326 = arith.muli %scan3A_47, %mul3A_325 : i32
      %add3A_327 = arith.constant 3075 : i32
      %add3A_328 = arith.addi %add3A_327, %mul3A_326 : i32
      %get3A_329 = arith.index_cast %add3A_328 : i32 to index
      %get3A_330 = tpu.vector_load %arg10[%get3A_329] {strides = array<i32>} : memref<16400xf32, #tpu.memory_space<vmem>>, vector<16xf32>,
      %add3A_331 = arith.addf %add3A_317, %get3A_330 : vector<16xf32>
      %mul3A_332 = arith.constant 16 : i32
      %mul3A_333 = arith.muli %scan3A_47, %mul3A_332 : i32
      %add3A_334 = arith.constant 4100 : i32
      %add3A_335 = arith.addi %add3A_334, %mul3A_333 : i32
      %get3A_336 = arith.index_cast %add3A_335 : i32 to index
      %get3A_337 = tpu.vector_load %arg9[%get3A_336] {strides = array<i32>} : memref<16400xf32, #tpu.memory_space<vmem>>, vector<16xf32>,
      %add3A_338 = arith.addf %add3A_324, %get3A_337 : vector<16xf32>
      %mul3A_339 = arith.constant 16 : i32
      %mul3A_340 = arith.muli %scan3A_47, %mul3A_339 : i32
      %add3A_341 = arith.constant 4100 : i32
      %add3A_342 = arith.addi %add3A_341, %mul3A_340 : i32
      %get3A_343 = arith.index_cast %add3A_342 : i32 to index
      %get3A_344 = tpu.vector_load %arg10[%get3A_343] {strides = array<i32>} : memref<16400xf32, #tpu.memory_space<vmem>>, vector<16xf32>,
      %add3A_345 = arith.addf %add3A_331, %get3A_344 : vector<16xf32>
      %mul3A_346 = arith.constant 16 : i32
      %mul3A_347 = arith.muli %scan3A_47, %mul3A_346 : i32
      %add3A_348 = arith.constant 5125 : i32
      %add3A_349 = arith.addi %add3A_348, %mul3A_347 : i32
      %get3A_350 = arith.index_cast %add3A_349 : i32 to index
      %get3A_351 = tpu.vector_load %arg9[%get3A_350] {strides = array<i32>} : memref<16400xf32, #tpu.memory_space<vmem>>, vector<16xf32>,
      %add3A_352 = arith.addf %add3A_338, %get3A_351 : vector<16xf32>
      %mul3A_353 = arith.constant 16 : i32
      %mul3A_354 = arith.muli %scan3A_47, %mul3A_353 : i32
      %add3A_355 = arith.constant 5125 : i32
      %add3A_356 = arith.addi %add3A_355, %mul3A_354 : i32
      %get3A_357 = arith.index_cast %add3A_356 : i32 to index
      %get3A_358 = tpu.vector_load %arg10[%get3A_357] {strides = array<i32>} : memref<16400xf32, #tpu.memory_space<vmem>>, vector<16xf32>,
      %add3A_359 = arith.addf %add3A_345, %get3A_358 : vector<16xf32>
      %mul3A_360 = arith.constant 16 : i32
      %mul3A_361 = arith.muli %scan3A_47, %mul3A_360 : i32
      %add3A_362 = arith.constant 6150 : i32
      %add3A_363 = arith.addi %add3A_362, %mul3A_361 : i32
      %get3A_364 = arith.index_cast %add3A_363 : i32 to index
      %get3A_365 = tpu.vector_load %arg9[%get3A_364] {strides = array<i32>} : memref<16400xf32, #tpu.memory_space<vmem>>, vector<16xf32>,
      %add3A_366 = arith.addf %add3A_352, %get3A_365 : vector<16xf32>
      %mul3A_367 = arith.constant 16 : i32
      %mul3A_368 = arith.muli %scan3A_47, %mul3A_367 : i32
      %add3A_369 = arith.constant 6150 : i32
      %add3A_370 = arith.addi %add3A_369, %mul3A_368 : i32
      %get3A_371 = arith.index_cast %add3A_370 : i32 to index
      %get3A_372 = tpu.vector_load %arg10[%get3A_371] {strides = array<i32>} : memref<16400xf32, #tpu.memory_space<vmem>>, vector<16xf32>,
      %add3A_373 = arith.addf %add3A_359, %get3A_372 : vector<16xf32>
      %mul3A_374 = arith.constant 16 : i32
      %mul3A_375 = arith.muli %scan3A_47, %mul3A_374 : i32
      %add3A_376 = arith.constant 7175 : i32
      %add3A_377 = arith.addi %add3A_376, %mul3A_375 : i32
      %get3A_378 = arith.index_cast %add3A_377 : i32 to index
      %get3A_379 = tpu.vector_load %arg9[%get3A_378] {strides = array<i32>} : memref<16400xf32, #tpu.memory_space<vmem>>, vector<16xf32>,
      %add3A_380 = arith.addf %add3A_366, %get3A_379 : vector<16xf32>
      %mul3A_381 = arith.constant 16 : i32
      %mul3A_382 = arith.muli %scan3A_47, %mul3A_381 : i32
      %add3A_383 = arith.constant 7175 : i32
      %add3A_384 = arith.addi %add3A_383, %mul3A_382 : i32
      %get3A_385 = arith.index_cast %add3A_384 : i32 to index
      %get3A_386 = tpu.vector_load %arg10[%get3A_385] {strides = array<i32>} : memref<16400xf32, #tpu.memory_space<vmem>>, vector<16xf32>,
      %add3A_387 = arith.addf %add3A_373, %get3A_386 : vector<16xf32>
      %mul3A_388 = arith.constant 16 : i32
      %mul3A_389 = arith.muli %scan3A_47, %mul3A_388 : i32
      %add3A_390 = arith.constant 8200 : i32
      %add3A_391 = arith.addi %add3A_390, %mul3A_389 : i32
      %get3A_392 = arith.index_cast %add3A_391 : i32 to index
      %get3A_393 = tpu.vector_load %arg9[%get3A_392] {strides = array<i32>} : memref<16400xf32, #tpu.memory_space<vmem>>, vector<16xf32>,
      %add3A_394 = arith.addf %add3A_380, %get3A_393 : vector<16xf32>
      %mul3A_395 = arith.constant 16 : i32
      %mul3A_396 = arith.muli %scan3A_47, %mul3A_395 : i32
      %add3A_397 = arith.constant 8200 : i32
      %add3A_398 = arith.addi %add3A_397, %mul3A_396 : i32
      %get3A_399 = arith.index_cast %add3A_398 : i32 to index
      %get3A_400 = tpu.vector_load %arg10[%get3A_399] {strides = array<i32>} : memref<16400xf32, #tpu.memory_space<vmem>>, vector<16xf32>,
      %add3A_401 = arith.addf %add3A_387, %get3A_400 : vector<16xf32>
      %mul3A_402 = arith.constant 16 : i32
      %mul3A_403 = arith.muli %scan3A_47, %mul3A_402 : i32
      %add3A_404 = arith.constant 9225 : i32
      %add3A_405 = arith.addi %add3A_404, %mul3A_403 : i32
      %get3A_406 = arith.index_cast %add3A_405 : i32 to index
      %get3A_407 = tpu.vector_load %arg9[%get3A_406] {strides = array<i32>} : memref<16400xf32, #tpu.memory_space<vmem>>, vector<16xf32>,
      %add3A_408 = arith.addf %add3A_394, %get3A_407 : vector<16xf32>
      %mul3A_409 = arith.constant 16 : i32
      %mul3A_410 = arith.muli %scan3A_47, %mul3A_409 : i32
      %add3A_411 = arith.constant 9225 : i32
      %add3A_412 = arith.addi %add3A_411, %mul3A_410 : i32
      %get3A_413 = arith.index_cast %add3A_412 : i32 to index
      %get3A_414 = tpu.vector_load %arg10[%get3A_413] {strides = array<i32>} : memref<16400xf32, #tpu.memory_space<vmem>>, vector<16xf32>,
      %add3A_415 = arith.addf %add3A_401, %get3A_414 : vector<16xf32>
      %mul3A_416 = arith.constant 16 : i32
      %mul3A_417 = arith.muli %scan3A_47, %mul3A_416 : i32
      %add3A_418 = arith.constant 10250 : i32
      %add3A_419 = arith.addi %add3A_418, %mul3A_417 : i32
      %get3A_420 = arith.index_cast %add3A_419 : i32 to index
      %get3A_421 = tpu.vector_load %arg9[%get3A_420] {strides = array<i32>} : memref<16400xf32, #tpu.memory_space<vmem>>, vector<16xf32>,
      %add3A_422 = arith.addf %add3A_408, %get3A_421 : vector<16xf32>
      %mul3A_423 = arith.constant 16 : i32
      %mul3A_424 = arith.muli %scan3A_47, %mul3A_423 : i32
      %add3A_425 = arith.constant 10250 : i32
      %add3A_426 = arith.addi %add3A_425, %mul3A_424 : i32
      %get3A_427 = arith.index_cast %add3A_426 : i32 to index
      %get3A_428 = tpu.vector_load %arg10[%get3A_427] {strides = array<i32>} : memref<16400xf32, #tpu.memory_space<vmem>>, vector<16xf32>,
      %add3A_429 = arith.addf %add3A_415, %get3A_428 : vector<16xf32>
      %mul3A_430 = arith.constant 16 : i32
      %mul3A_431 = arith.muli %scan3A_47, %mul3A_430 : i32
      %add3A_432 = arith.constant 11275 : i32
      %add3A_433 = arith.addi %add3A_432, %mul3A_431 : i32
      %get3A_434 = arith.index_cast %add3A_433 : i32 to index
      %get3A_435 = tpu.vector_load %arg9[%get3A_434] {strides = array<i32>} : memref<16400xf32, #tpu.memory_space<vmem>>, vector<16xf32>,
      %add3A_436 = arith.addf %add3A_422, %get3A_435 : vector<16xf32>
      %mul3A_437 = arith.constant 16 : i32
      %mul3A_438 = arith.muli %scan3A_47, %mul3A_437 : i32
      %add3A_439 = arith.constant 11275 : i32
      %add3A_440 = arith.addi %add3A_439, %mul3A_438 : i32
      %get3A_441 = arith.index_cast %add3A_440 : i32 to index
      %get3A_442 = tpu.vector_load %arg10[%get3A_441] {strides = array<i32>} : memref<16400xf32, #tpu.memory_space<vmem>>, vector<16xf32>,
      %add3A_443 = arith.addf %add3A_429, %get3A_442 : vector<16xf32>
      %mul3A_444 = arith.constant 16 : i32
      %mul3A_445 = arith.muli %scan3A_47, %mul3A_444 : i32
      %add3A_446 = arith.constant 12300 : i32
      %add3A_447 = arith.addi %add3A_446, %mul3A_445 : i32
      %get3A_448 = arith.index_cast %add3A_447 : i32 to index
      %get3A_449 = tpu.vector_load %arg9[%get3A_448] {strides = array<i32>} : memref<16400xf32, #tpu.memory_space<vmem>>, vector<16xf32>,
      %add3A_450 = arith.addf %add3A_436, %get3A_449 : vector<16xf32>
      %mul3A_451 = arith.constant 16 : i32
      %mul3A_452 = arith.muli %scan3A_47, %mul3A_451 : i32
      %add3A_453 = arith.constant 12300 : i32
      %add3A_454 = arith.addi %add3A_453, %mul3A_452 : i32
      %get3A_455 = arith.index_cast %add3A_454 : i32 to index
      %get3A_456 = tpu.vector_load %arg10[%get3A_455] {strides = array<i32>} : memref<16400xf32, #tpu.memory_space<vmem>>, vector<16xf32>,
      %add3A_457 = arith.addf %add3A_443, %get3A_456 : vector<16xf32>
      %mul3A_458 = arith.constant 16 : i32
      %mul3A_459 = arith.muli %scan3A_47, %mul3A_458 : i32
      %add3A_460 = arith.constant 13325 : i32
      %add3A_461 = arith.addi %add3A_460, %mul3A_459 : i32
      %get3A_462 = arith.index_cast %add3A_461 : i32 to index
      %get3A_463 = tpu.vector_load %arg9[%get3A_462] {strides = array<i32>} : memref<16400xf32, #tpu.memory_space<vmem>>, vector<16xf32>,
      %add3A_464 = arith.addf %add3A_450, %get3A_463 : vector<16xf32>
      %mul3A_465 = arith.constant 16 : i32
      %mul3A_466 = arith.muli %scan3A_47, %mul3A_465 : i32
      %add3A_467 = arith.constant 13325 : i32
      %add3A_468 = arith.addi %add3A_467, %mul3A_466 : i32
      %get3A_469 = arith.index_cast %add3A_468 : i32 to index
      %get3A_470 = tpu.vector_load %arg10[%get3A_469] {strides = array<i32>} : memref<16400xf32, #tpu.memory_space<vmem>>, vector<16xf32>,
      %add3A_471 = arith.addf %add3A_457, %get3A_470 : vector<16xf32>
      %mul3A_472 = arith.constant 16 : i32
      %mul3A_473 = arith.muli %scan3A_47, %mul3A_472 : i32
      %add3A_474 = arith.constant 14350 : i32
      %add3A_475 = arith.addi %add3A_474, %mul3A_473 : i32
      %get3A_476 = arith.index_cast %add3A_475 : i32 to index
      %get3A_477 = tpu.vector_load %arg9[%get3A_476] {strides = array<i32>} : memref<16400xf32, #tpu.memory_space<vmem>>, vector<16xf32>,
      %add3A_478 = arith.addf %add3A_464, %get3A_477 : vector<16xf32>
      %mul3A_479 = arith.constant 16 : i32
      %mul3A_480 = arith.muli %scan3A_47, %mul3A_479 : i32
      %add3A_481 = arith.constant 14350 : i32
      %add3A_482 = arith.addi %add3A_481, %mul3A_480 : i32
      %get3A_483 = arith.index_cast %add3A_482 : i32 to index
      %get3A_484 = tpu.vector_load %arg10[%get3A_483] {strides = array<i32>} : memref<16400xf32, #tpu.memory_space<vmem>>, vector<16xf32>,
      %add3A_485 = arith.addf %add3A_471, %get3A_484 : vector<16xf32>
      %mul3A_486 = arith.constant 16 : i32
      %mul3A_487 = arith.muli %scan3A_47, %mul3A_486 : i32
      %add3A_488 = arith.constant 15375 : i32
      %add3A_489 = arith.addi %add3A_488, %mul3A_487 : i32
      %get3A_490 = arith.index_cast %add3A_489 : i32 to index
      %get3A_491 = tpu.vector_load %arg9[%get3A_490] {strides = array<i32>} : memref<16400xf32, #tpu.memory_space<vmem>>, vector<16xf32>,
      %add3A_492 = arith.addf %add3A_478, %get3A_491 : vector<16xf32>
      %mul3A_493 = arith.constant 16 : i32
      %mul3A_494 = arith.muli %scan3A_47, %mul3A_493 : i32
      %add3A_495 = arith.constant 15375 : i32
      %add3A_496 = arith.addi %add3A_495, %mul3A_494 : i32
      %get3A_497 = arith.index_cast %add3A_496 : i32 to index
      %get3A_498 = tpu.vector_load %arg10[%get3A_497] {strides = array<i32>} : memref<16400xf32, #tpu.memory_space<vmem>>, vector<16xf32>,
      %add3A_499 = arith.addf %add3A_485, %get3A_498 : vector<16xf32>
      %mul3A_500 = arith.constant 16 : i32
      %mul3A_501 = arith.muli %scan3A_47, %mul3A_500 : i32
      %swap3A = arith.index_cast %mul3A_501 : i32 to index
      %swap3A_502 = tpu.vector_load %arg11[%swap3A] {strides = array<i32>} : memref<2048xf32, #tpu.memory_space<vmem>>, vector<16xf32>,
      tpu.vector_store %arg11[%swap3A], %add3A_492 {strides = array<i32>} : memref<2048xf32, #tpu.memory_space<vmem>>, vector<16xf32>,
      %mul3A_503 = arith.constant 16 : i32
      %mul3A_504 = arith.muli %scan3A_47, %mul3A_503 : i32
      %add3A_505 = arith.constant 1024 : i32
      %add3A_506 = arith.addi %add3A_505, %mul3A_504 : i32
      %swap3A_507 = arith.index_cast %add3A_506 : i32 to index
      %swap3A_508 = tpu.vector_load %arg11[%swap3A_507] {strides = array<i32>} : memref<2048xf32, #tpu.memory_space<vmem>>, vector<16xf32>,
      tpu.vector_store %arg11[%swap3A_507], %add3A_499 {strides = array<i32>} : memref<2048xf32, #tpu.memory_space<vmem>>, vector<16xf32>,
      %scan3A_509 = arith.constant 0 : i32
      scf.yield %scan3A_509 : i32
    }
    %scan3A_42 = arith.constant 64 : i32
    %mul3A_43 = arith.constant 2 : i32
    %mul3A_44 = arith.muli %add3A, %mul3A_43 : i32
    %mul3A_45 = arith.constant 1024 : i32
    %mul3A_46 = arith.muli %mul3A_44, %mul3A_45 : i32
    "tpu.region"() ({
      %run_scoped3A = tpu.sem_alloc : memref<!tpu.dma_semaphore, #tpu.memory_space<semaphore_mem>>
      %dma_start3A = tpu.memref_slice %arg4[%mul3A_46] : memref<65536xf32, #tpu.memory_space<hbm>> -> memref<2048xf32, #tpu.memory_space<hbm>>
      %dma_start3A_47 = tpu.memref_slice %arg4[%mul3A_46] : memref<65536xf32, #tpu.memory_space<hbm>> -> memref<2048xf32, #tpu.memory_space<hbm>>
      tpu.enqueue_dma source(%arg11 : memref<2048xf32, #tpu.memory_space<vmem>>) target(%dma_start3A_47 : memref<2048xf32, #tpu.memory_space<hbm>>) target_semaphore(%run_scoped3A : memref<!tpu.dma_semaphore, #tpu.memory_space<semaphore_mem>>)
      %dma_wait3A = tpu.memref_slice %arg4[%mul3A_46] : memref<65536xf32, #tpu.memory_space<hbm>> -> memref<2048xf32, #tpu.memory_space<hbm>>
      %dma_wait3A_48 = tpu.memref_slice %arg4[%mul3A_46] : memref<65536xf32, #tpu.memory_space<hbm>> -> memref<2048xf32, #tpu.memory_space<hbm>>
      tpu.wait_dma2 semaphore(%run_scoped3A : memref<!tpu.dma_semaphore, #tpu.memory_space<semaphore_mem>>) src(%arg11 : memref<2048xf32, #tpu.memory_space<vmem>>) dst(%dma_wait3A_48 : memref<2048xf32, #tpu.memory_space<hbm>>)
      tpu.yield
    }) : () -> ()
    return
  }
}

</mosaic_0001>

<sc_bundles>
// kernel: kernel.11.cloned.1.call-start
scs
__scs_entry_jumppad:
0x0: {  	(pc) =	sbr.rel $0x88, $3  }
0x1: {  	(tag) =	ssettag $0x0;
	lr =	simm.s32 $0x1  }
0x2: {  	[smem:$0x3FA0] =	sst lr;
	_ =	strace $0xD0000000  }
0x3: {  	_ = 	snop  }
0x4: {  	_ = 	snop  }
0x5: {  	_ = 	snop  }
0x6: {  	_ = 	snop  }
0x7: {  	_ = 	snop  }
__scs_overlays_trampoline_lowered:
0x8: {  	[smem:$0x3FAF] =	sst s0  }
0x9: {  	[smem:$0x3FB0] =	sst s1  }
0xa: {  	[smem:$0x3FB1] =	sst s2  }
0xb: {  	[smem:$0x3FB2] =	sst s3  }
0xc: {  	[smem:$0x3FB3] =	sst s4  }
0xd: {  	[smem:$0x3FB4] =	sst s5  }
0xe: {  	[smem:$0x3FB5] =	sst s6  }
0xf: {  	[smem:$0x3FB6] =	sst s7  }
0x10: {  	[smem:$0x3FB7] =	sst s8  }
0x11: {  	[smem:$0x3FB8] =	sst s9;
	s0 =	simm.s32 @!p0 $0x0  }
0x12: {  	s1 =	sld [smem:$0x3F9E];
	s0 =	simm.s32 @p0 $0x1  }
0x13: {  	[smem:$0x3FB9] =	sst s0;
	s0 =	simm.s32 @!p1 $0x0  }
0x14: {  	s2 =	sld [smem:$0x3F9D];
	s0 =	simm.s32 @p1 $0x1  }
0x15: {  	[smem:$0x3FBA] =	sst s0;
	s0 =	simm.s32 @!p2 $0x0  }
0x16: {  	s3 =	sld [smem:$0x3FDB];
	s0 =	simm.s32 @p2 $0x1  }
0x17: {  	s4 =	simm.s32 $0x1BF5;
	[smem:$0x3FBC] =	sst s0  }
0x18: {  	s0 =	sld [smem:$0x3F9F];
	_ =	swait.ge [sflag:s4], $0x0  }
0x19: {  	s7 =	sld [smem:$0x3FA0]  }
0x1a: {  	s8 =	sadd.s32 $0xFFFFE003, lr  }
0x1b: {  	s9 =	sadd.s32 $0xFFFFFEF7, lr;
	s5 =	simm.s32 $0xFFFFFFFF;
	p2 =	slt.u32 s8, $0xFFFFF086  }
0x1c: {  	p1 =	slt.u32 s9, $0xF7A;
	s5 =	simm.s32 @!p2 $0x0  }
0x1d: {  	s5 =	simm.s32 @p1 $0x1;
	p0 =	seq.s32 s7, s2  }
0x1e: {  	s7 =	smul.u32 @!p0 $0xF7A, s2;
	p2 =	seq.s32 @!p0 s5, $0x0  }
0x1f: {  	s9 =	smul.u32 $0xF7A, s1;
	s8 =	simm.s32 @!p0 $0x1BF5;
	p2 =	por !p2, p0  }
0x20: {  	[sflag:s8] =	ssyncset.s32 @!p0 $0xFFFFF086;
	s6 =	sadd.s32 @!p0 s3, s7;
	s7 =	simm.s32 @!p0 $0x108  }
0x21: {  	s3 =	sadd.s32 s3, s9;
	s6 =	sadd.s32 @!p0 $0x88, s6;
	s7 =	simm.s32 @p2 $0x1082  }
0x22: {  	[simem:s7], [sflag:s8] =	dma.local @!p0 [hbm:s6], $0xF7A  }
0x23: {  	s9 =	sor.u32 $0xD0000000, s2;
	s6 =	simm.s32 $0x108;
	_ =	swait.ge @!p0 [sflag:s8], $0x0  }
0x24: {  	s3 =	sadd.s32 $0x88, s3;
	s6 =	simm.s32 @!p1 $0x1082;
	[sflag:s4] =	ssyncset.s32 $0xFFFFF086  }
0x25: {  	[simem:s6], [sflag:s4] =	dma.local [hbm:s3], $0xF7A  }
0x26: {  	[smem:$0x3FA0] =	sst s1;
	(tag) =	ssettag s2;
	_ =	strace s9  }
0x27: {  	s1 =	sld [smem:$0x3FB0]  }
0x28: {  	s2 =	sld [smem:$0x3FB1]  }
0x29: {  	s4 =	sld [smem:$0x3FB3]  }
0x2a: {  	p0 =	seq.s32 s5, $0x0;
	s5 =	sld [smem:$0x3FB4]  }
0x2b: {  	s6 =	sld [smem:$0x3FB5]  }
0x2c: {  	s7 =	sld [smem:$0x3FB6]  }
0x2d: {  	s3 =	simm.s32 $0x108;
	s8 =	sld [smem:$0x3FB7]  }
0x2e: {  	s3 =	simm.s32 @!p0 $0x1082;
	s9 =	sld [smem:$0x3FB8]  }
0x2f: {  	lr =	sadd.s32 s0, s3;
	s0 =	sld [smem:$0x3FAF]  }
0x30: {  	s3 =	sld [smem:$0x3FB2]  }
0x31: {  	[smem:$0x3FBB] =	sst s10  }
0x32: {  	s10 =	sld [smem:$0x3FB9];
	_ =	sdelay $0x3  }
0x33: {  	p0 =	seq.s32 s10, $0x1;
	s10 =	sld [smem:$0x3FBB];
	_ =	sdelay $0x3  }
0x34: {  	[smem:$0x3FBB] =	sst s10  }
0x35: {  	s10 =	sld [smem:$0x3FBA];
	_ =	sdelay $0x3  }
0x36: {  	p1 =	seq.s32 s10, $0x1;
	s10 =	sld [smem:$0x3FBB];
	_ =	sdelay $0x3  }
0x37: {  	[smem:$0x3FBB] =	sst s10  }
0x38: {  	s10 =	sld [smem:$0x3FBC]  }
0x39: {  	_ = 	snop;
	(pc) =	sbr.ind lr, $3  }
0x3a: {  	_ = 	snop  }
0x3b: {  	_ = 	snop  }
0x3c: {  	p2 =	seq.s32 s10, $0x1;
	s10 =	sld [smem:$0x3FBB]  }
0x3d: {  	_ =	shalt  }
0x3e: {  	_ =	shalt  }
0x3f: {  	_ =	shalt  }
0x40: {  	_ =	shalt  }
0x41: {  	_ =	shalt  }
0x42: {  	_ =	shalt  }
0x43: {  	_ =	shalt  }
0x44: {  	_ =	shalt  }
0x45: {  	_ =	shalt  }
0x46: {  	_ =	shalt  }
0x47: {  	_ =	shalt  }
0x48: {  	_ =	shalt  }
0x49: {  	_ =	shalt  }
0x4a: {  	_ =	shalt  }
0x4b: {  	_ =	shalt  }
0x4c: {  	_ =	shalt  }
0x4d: {  	_ =	shalt  }
0x4e: {  	_ =	shalt  }
0x4f: {  	_ =	shalt  }
0x50: {  	_ =	shalt  }
0x51: {  	_ =	shalt  }
0x52: {  	_ =	shalt  }
0x53: {  	_ =	shalt  }
0x54: {  	_ =	shalt  }
0x55: {  	_ =	shalt  }
0x56: {  	_ =	shalt  }
0x57: {  	_ =	shalt  }
0x58: {  	_ =	shalt  }
0x59: {  	_ =	shalt  }
0x5a: {  	_ =	shalt  }
0x5b: {  	_ =	shalt  }
0x5c: {  	_ =	shalt  }
0x5d: {  	_ =	shalt  }
0x5e: {  	_ =	shalt  }
0x5f: {  	_ =	shalt  }
0x60: {  	_ =	shalt  }
0x61: {  	_ =	shalt  }
0x62: {  	_ =	shalt  }
0x63: {  	_ =	shalt  }
0x64: {  	_ =	shalt  }
0x65: {  	_ =	shalt  }
0x66: {  	_ =	shalt  }
0x67: {  	_ =	shalt  }
0x68: {  	_ =	shalt  }
0x69: {  	_ =	shalt  }
0x6a: {  	_ =	shalt  }
0x6b: {  	_ =	shalt  }
0x6c: {  	_ =	shalt  }
0x6d: {  	_ =	shalt  }
0x6e: {  	_ =	shalt  }
0x6f: {  	_ =	shalt  }
0x70: {  	_ =	shalt  }
0x71: {  	_ =	shalt  }
0x72: {  	_ =	shalt  }
0x73: {  	_ =	shalt  }
0x74: {  	_ =	shalt  }
0x75: {  	_ =	shalt  }
0x76: {  	_ =	shalt  }
0x77: {  	_ =	shalt  }
0x78: {  	_ =	shalt  }
0x79: {  	_ =	shalt  }
0x7a: {  	_ =	shalt  }
0x7b: {  	_ =	shalt  }
0x7c: {  	_ =	shalt  }
0x7d: {  	_ =	shalt  }
0x7e: {  	_ =	shalt  }
0x7f: {  	_ =	shalt  }
0x80: {  	_ =	shalt  }
0x81: {  	_ =	shalt  }
0x82: {  	_ =	shalt  }
0x83: {  	_ =	shalt  }
0x84: {  	_ =	shalt  }
0x85: {  	_ =	shalt  }
0x86: {  	_ =	shalt  }
0x87: {  	_ =	shalt  }
.Lfunc_end0:
.L_simem_size_0:
called_computation.2_lowered:
.L_overlay_start_0:
0x88: {  	s0 =	sld [smem:$0x3FD9]  }
0x89: {  	s1 =	sld [smem:$0x3FFE];
	_ =	sdelay $0x3  }
0x8a: {  	s0 =	sadd.s32 s1, s0  }
0x8b: {  	[smem:$0x3FC7] =	sst s0  }
0x8c: {  	_ = 	snop  }
0x8d: {  	s0 =	sld [smem:$0x3FD0];
	(tm) =	ssettm $0x1  }
0x8e: {  	s16 =	sld [smem:$0x3FFB];
	_ =	sdelay $0x3  }
0x8f: {  	_ =	strace s16  }
0x90: {  	s1 =	sld [smem:$0x3FFC];
	_ =	sdelay $0x3  }
0x91: {  	_ =	strace s1  }
0x92: {  	s1 =	sld [smem:$0x3FFD];
	_ =	sdelay $0x3  }
0x93: {  	_ =	strace s1  }
0x94: {  	_ =	strace $0x8FFFFFFF  }
0x95: {  	s17 =	sld [smem:$0x3FDB];
	_ =	sdelay $0x1  }
0x96: {  	s2 =	simm.s32 $_scs_section_size  }
0x97: {  	s3 =	simm.s32 $_size__tile_overlayer_lowered;
	s4 =	simm.s32 $_tile_overlayer_lowered  }
0x98: {  	s20 =	simm.s32 $0x1BFF;
	s19 =	sshll.u32 s4, $0x1;
	s1 =	sadd.s32 s2, s17  }
0x99: {  	s5 =	simm.s32 $0x0;
	s18 =	sshll.u32 s3, $0x1;
	s3 =	sadd.s32 s19, s1  }
0x9a: {  	[timem:s5], [sflag:s20] =	dma.local [hbm:s3], s18  }
0x9b: {  	_ =	swait.ge [sflag:s20], s18  }
0x9c: {  	s2 =	ssub.s32 $0x0, s18;
	[sflag:s20] =	ssyncset.done $0x0  }
0x9d: {  	[sflag:s20] =	ssyncadd.s32 s2;
	_ =	sdelay $0x1  }
0x9e: {  	s21 =	simm.s32 $0x1B8B  }
0x9f: {  	_ =	swait.ge [sflag:s21], $0x1  }
0xa0: {  	[sflag:s21] =	ssyncset.done $0x0  }
0xa1: {  	s23 =	simm.s32 $0x1B8E;
	s22 =	sld [smem:$0x3FFE];
	[sflag:s21] =	ssyncadd.s32 $0xFFFFFFFF  }
0xa2: {  	s24 =	simm.s32 $execute0_lowered;
	[smem:$0x3FD2] =	sst s23  }
0xa3: {  	s3 =	sshll.u32 s24, $0x1;
	_ =	strace $0x8000004C;
	[dreg:$0x1] =	wrdreg $0xFFFFFFFF  }
0xa4: {  	s25 =	simm.s32 $_size_execute0_lowered;
	s1 =	sadd.s32 s1, s3;
	[dreg:$0x0] =	wrdreg $0x0  }
0xa5: {  	s3 =	sshll.u32 s25, $0x1;
	[dreg:$0x2] =	wrdreg s1  }
0xa6: {  	[dreg:$0x3] =	wrdreg s3  }
0xa7: {  	[dreg:$0x4] =	wrdreg $0xC0  }
0xa8: {  	_ =	task [dreg:s5], $0x5FFFF  }
0xa9: {  	[dreg:$0x1] =	wrdreg $0xFFFFFFFF  }
0xaa: {  	[dreg:$0x0] =	wrdreg $0x60  }
0xab: {  	[dreg:$0x2] =	wrdreg s22  }
0xac: {  	[dreg:$0x3] =	wrdreg s0  }
0xad: {  	[dreg:$0x4] =	wrdreg $0x9  }
0xae: {  	_ =	task.clear_ibuf [dreg:s5], $0x5FFFF;
	_ =	strace $0x9000004C  }
0xaf: {  	s26 =	simm.s32 $0x9;
	_ =	strace $0x8000004E  }
0xb0: {  	_ =	swait.ge [sflag:s26], $0x1  }
0xb1: {  	[sflag:s26] =	ssyncadd.s32 $0xFFFFFFFF  }
0xb2: {  	_ =	strace $0x9000004E  }
0xb3: {  	_ =	sfence  }
0xb4: {  	s28 =	sld [smem:$0x0];
	_ =	sdelay $0x1  }
0xb5: {  	s29 =	srdreg.scid  }
0xb6: {  	s30 =	sshll.u32 s29, $0xD;
	s31 =	sshrl.u32 s29, $0x2  }
0xb7: {  	s2 =	sand.u32 $0x4000, s30;
	s1 =	sand.u32 $0x1, s29;
	s0 =	sadd.s32 s31, s28  }
0xb8: {  	s1 =	sor.u32 s2, s1;
	s0 =	sshll.u32 s0, $0x11  }
0xb9: {  	s0 =	sor.u32 s0, s1  }
0xba: {  	s0 =	sadd.s32 $0x8F2B, s0  }
0xbb: {  	[sflag:s0] =	ssyncadd.remote.s32 $0x1  }
0xbc: {  	_ =	sfence.sel $0xFFFF  }
0xbd: {  	[dreg:$0x0] =	wrdreg $0xFFFFFFFF;
	(pc) =	sbr.abs _section_cstart, $3  }
0xbe: {  	[dreg:$0x1] =	wrdreg $0xFFFFFFFF  }
0xbf: {  	_ =	task.clear_ibuf [dreg:s5], $0x2FFFF;
	_ =	strace $0x9FFFFFFF  }
0xc0: {  	(tm) =	ssettm $0x7FFFFFFF  }
0xc1: {  	_ =	shalt  }
tec
execute0_lowered:
.L_overlay_start_1:
0x0: {  	(tag) =	ssettag $0x1  }
0x1: {  	s3 =	rddreg [dreg:$0x0]  }
0x2: {  	s1 =	rddreg [dreg:$0x1];
	s2 =	simm.s32 $0x0  }
0x3: {  	s4 =	stileid.u32;
	[smem:$0x7FF] =	sst s2  }
0x4: {  	s0 =	rddreg [dreg:$0x2];
	p0 =	sne.s32 s4, $0x0;
	_ =	strace $0x8000004D  }
0x5: {  	_ =	sfence.sel @p0 $0x180000  }
0x6: {  	[bflag:$0x0] =	sbarrier.arrive @p0 $0xFFFF  }
0x7: {  	_ =	strace @p0 $0x9000004D  }
0x8: {  	[bflag:$0x2] =	sbarrier.arrive @p0 $0xFFFF  }
0x9: {  	_ =	shalt @p0  }
.LBB2_1:
0xa: {  	s2 =	sadd.s32 $0x3D800, s3  }
0xb: {  	s3 =	sadd.s32 $0x3F800, s3;
	v0 =	vimm.f32 $0.0e+00;
	s4 =	simm.s32 $0x40;
	s5 =	simm.s32 $0x0  }
.LBB2_2:
0xc: {  	p0 =	sne.s32 s4, $0xFC0;
	[tilespmem:s5+$0x8000] =	vst v0;
	s6 =	smov.u32 s4;
	s4 =	sadd.s32 $0x40, s4  }
.Ltmp0:
0xd: {  	[tilespmem:s5+$0x8400] =	vst v0;
	(pc) =	sbr.rel @p0 .LBB2_2-.Ltmp0, $2  }
0xe: {  	_ =	sdelay $0x2  }
0xf: {  	s5 =	sshra.s32 s6, $0x2  }
0x10: {  	[tilespmem:s5+$0x8000] =	vst v0  }
0x11: {  	[tilespmem:s5+$0x8400] =	vst v0;
	s4 =	simm.s32 $0x0;
	s31 =	simm.s32 $0x1  }
0x12: {  	[tilespmem:s4], [sflag:$0x1] =	stream.linear.gather [hbm4b:s2+s4], $0x8000, $0x38;
	[tilespmem:$0x8880] =	vst v63  }
0x13: {  	_ =	swait.ge [sflag:s31], $0x8000  }
0x14: {  	[sflag:s31] =	ssyncset.done $0x0  }
0x15: {  	s5 =	simm.s32 $0x0;
	[sflag:s31] =	ssyncadd.s32 $0xFFFF8000  }
.LBB2_4:
0x16: {  	s6 =	sshll.u32 s5, $0xB  }
0x17: {  	s8 =	sand.u32 $0x380, s4;
	s6 =	sand.u32 $0x3FFFF800, s6  }
0x18: {  	s7 =	simm.s32 $0x8000;
	s9 =	sand.u32 $0x70, s4;
	s8 =	sadd.s32 s8, s6  }
0x19: {  	v0 =	vld [tilespmem:s7+$0x0];
	s8 =	sadd.s32 s9, s8  }
0x1a: {  	v1 =	vld [tilespmem:s8+$0x0];
	_ =	sdelay $0x4  }
0x1b: {  	v0 =	vadd.f32 v1, v0;
	_ =	sdelay $0x1  }
0x1c: {  	s9 =	simm.s32 $0x8400;
	[tilespmem:s7+$0x0] =	vst v0  }
0x1d: {  	v0 =	vld [tilespmem:s9+$0x0]  }
0x1e: {  	v1 =	vld [tilespmem:s8+$0x400];
	_ =	sdelay $0x4  }
0x1f: {  	s10 =	simm.s32 $0x10;
	s11 =	simm.s32 $0x20;
	s8 =	simm.s32 $0x8410;
	v0 =	vadd.f32 v1, v0  }
.LBB2_5:
0x20: {  	s12 =	sand.u32 $0x380, s10  }
0x21: {  	s7 =	sadd.s32 $0x10, s7;
	s13 =	smov.u32 s11;
	s14 =	sadd.s32 $0x10, s11  }
0x22: {  	p0 =	sne.s32 s11, $0x3F0;
	s10 =	sand.u32 $0x70, s10;
	s11 =	sadd.s32 s12, s6;
	[tilespmem:s9+$0x0] =	vst v0  }
0x23: {  	s9 =	smov.u32 s8;
	v0 =	vld [tilespmem:s7+$0x0];
	s11 =	sadd.s32 s10, s11;
	s10 =	smov.u32 s13  }
0x24: {  	v1 =	vld [tilespmem:s11+$0x0];
	_ =	sdelay $0x4  }
0x25: {  	v0 =	vadd.f32 v1, v0;
	_ =	sdelay $0x1  }
0x26: {  	[tilespmem:s7+$0x0] =	vst v0  }
0x27: {  	v0 =	vld [tilespmem:s8+$0x0]  }
0x28: {  	v1 =	vld [tilespmem:s11+$0x400]  }
.Ltmp1:
0x29: {  	(pc) =	sbr.rel @p0 .LBB2_5-.Ltmp1, $2  }
0x2a: {  	_ =	sdelay $0x2  }
0x2b: {  	s8 =	sadd.s32 $0x10, s8;
	s11 =	smov.u32 s14;
	v0 =	vadd.f32 v1, v0  }
0x2c: {  	s11 =	sand.u32 $0x380, s10  }
0x2d: {  	s7 =	sadd.s32 $0x10, s7;
	s31 =	sand.u32 $0x70, s10;
	s6 =	sadd.s32 s11, s6;
	[tilespmem:s9+$0x0] =	vst v0  }
0x2e: {  	v0 =	vld [tilespmem:s7+$0x0];
	s6 =	sadd.s32 s31, s6  }
0x2f: {  	v1 =	vld [tilespmem:s6+$0x0];
	_ =	sdelay $0x4  }
0x30: {  	v0 =	vadd.f32 v1, v0;
	_ =	sdelay $0x1  }
0x31: {  	[tilespmem:s7+$0x0] =	vst v0  }
0x32: {  	v0 =	vld [tilespmem:s8+$0x0]  }
0x33: {  	v63 =	vld [tilespmem:s6+$0x400]  }
0x34: {  	s5 =	sadd.s32 $0x1, s5  }
0x35: {  	p0 =	sne.s32 s5, $0x10  }
.Ltmp2:
0x36: {  	_ = 	snop;
	(pc) =	sbr.rel @p0 .LBB2_4-.Ltmp2, $3  }
0x37: {  	_ = 	snop  }
0x38: {  	v0 =	vadd.f32 v63, v0;
	_ =	sdelay $0x1  }
0x39: {  	[tilespmem:s8+$0x0] =	vst v0  }
0x3a: {  	s4 =	sadd.s32 $0x1000, s2;
	s2 =	simm.s32 $0x0;
	s31 =	simm.s32 $0x1  }
0x3b: {  	[tilespmem:s2], [sflag:$0x1] =	stream.linear.gather [hbm4b:s4+s2], $0x8000, $0x38;
	[tilespmem:$0x8880] =	vst v63  }
0x3c: {  	_ =	swait.ge [sflag:s31], $0x8000  }
0x3d: {  	[sflag:s31] =	ssyncset.done $0x0  }
0x3e: {  	s4 =	simm.s32 $0x0;
	[sflag:s31] =	ssyncadd.s32 $0xFFFF8000  }
.LBB2_8:
0x3f: {  	s5 =	sshll.u32 s4, $0xB  }
0x40: {  	s6 =	sand.u32 $0x380, s2;
	s5 =	sand.u32 $0x3FFFF800, s5  }
0x41: {  	s7 =	simm.s32 $0x8000;
	s8 =	sand.u32 $0x70, s2;
	s6 =	sadd.s32 s6, s5  }
0x42: {  	v0 =	vld [tilespmem:s7+$0x0];
	s8 =	sadd.s32 s8, s6  }
0x43: {  	v1 =	vld [tilespmem:s8+$0x0];
	_ =	sdelay $0x4  }
0x44: {  	v0 =	vadd.f32 v1, v0;
	_ =	sdelay $0x1  }
0x45: {  	s6 =	simm.s32 $0x8400;
	[tilespmem:s7+$0x0] =	vst v0  }
0x46: {  	v0 =	vld [tilespmem:s6+$0x0]  }
0x47: {  	v1 =	vld [tilespmem:s8+$0x400];
	_ =	sdelay $0x3  }
0x48: {  	s10 =	simm.s32 $0x20  }
0x49: {  	s9 =	simm.s32 $0x8400;
	s7 =	simm.s32 $0x8010;
	s8 =	simm.s32 $0x10;
	v0 =	vadd.f32 v1, v0  }
.LBB2_9:
0x4a: {  	s11 =	sand.u32 $0x380, s8  }
0x4b: {  	s6 =	sadd.s32 $0x10, s6;
	s12 =	smov.u32 s10;
	s13 =	sadd.s32 $0x10, s10  }
0x4c: {  	p0 =	sne.s32 s10, $0x3F0;
	s8 =	sand.u32 $0x70, s8;
	s10 =	sadd.s32 s11, s5;
	[tilespmem:s9+$0x0] =	vst v0  }
0x4d: {  	s9 =	smov.u32 s6;
	v0 =	vld [tilespmem:s7+$0x0];
	s10 =	sadd.s32 s8, s10;
	s8 =	smov.u32 s12  }
0x4e: {  	v1 =	vld [tilespmem:s10+$0x0];
	_ =	sdelay $0x4  }
0x4f: {  	v0 =	vadd.f32 v1, v0;
	_ =	sdelay $0x1  }
0x50: {  	[tilespmem:s7+$0x0] =	vst v0  }
0x51: {  	v0 =	vld [tilespmem:s6+$0x0]  }
0x52: {  	v1 =	vld [tilespmem:s10+$0x400]  }
.Ltmp3:
0x53: {  	(pc) =	sbr.rel @p0 .LBB2_9-.Ltmp3, $2  }
0x54: {  	_ =	sdelay $0x2  }
0x55: {  	s7 =	sadd.s32 $0x10, s7;
	s10 =	smov.u32 s13;
	v0 =	vadd.f32 v1, v0  }
0x56: {  	s10 =	sand.u32 $0x380, s8  }
0x57: {  	s31 =	sand.u32 $0x70, s8;
	s5 =	sadd.s32 s10, s5;
	[tilespmem:s9+$0x0] =	vst v0  }
0x58: {  	v0 =	vld [tilespmem:s7+$0x0];
	s5 =	sadd.s32 s31, s5  }
0x59: {  	v1 =	vld [tilespmem:s5+$0x0];
	_ =	sdelay $0x4  }
0x5a: {  	v0 =	vadd.f32 v1, v0;
	_ =	sdelay $0x1  }
0x5b: {  	s6 =	sadd.s32 $0x10, s6;
	[tilespmem:s7+$0x0] =	vst v0  }
0x5c: {  	v0 =	vld [tilespmem:s6+$0x0]  }
0x5d: {  	v63 =	vld [tilespmem:s5+$0x400]  }
0x5e: {  	s4 =	sadd.s32 $0x1, s4  }
0x5f: {  	p0 =	sne.s32 s4, $0x10  }
.Ltmp4:
0x60: {  	_ = 	snop;
	(pc) =	sbr.rel @p0 .LBB2_8-.Ltmp4, $3  }
0x61: {  	_ = 	snop  }
0x62: {  	v0 =	vadd.f32 v63, v0;
	_ =	sdelay $0x1  }
0x63: {  	[tilespmem:s6+$0x0] =	vst v0  }
0x64: {  	s2 =	simm.s32 $0x83F0  }
0x65: {  	v0 =	vld [tilespmem:s2+$0x0];
	_ =	sdelay $0x3  }
0x66: {  	s24 =	simm.s32 $0x83E0  }
0x67: {  	(xrf2) =	vadd.scan.msk.f32 $0xffff, v0;
	v0 =	vld [tilespmem:s24+$0x0];
	_ =	sdelay $0x4  }
0x68: {  	(xrf2) =	vadd.scan.msk.f32 $0xffff, v0;
	_ =	sdelay $0x5  }
0x69: {  	s25 =	simm.s32 $0x87F0;
	v0, _, _ =	vpop (xrf2)  }
0x6a: {  	(v2sf) =	vpush v0, $0xF;
	v0 =	vld [tilespmem:s25+$0x0]  }
0x6b: {  	s26 =	simm.s32 $0x83D0  }
0x6c: {  	s28 =	simm.s32 $0x87E0;
	v1 =	vld [tilespmem:s26+$0x0]  }
0x6d: {  	s29 =	simm.s32 $0x83C0;
	v2 =	vld [tilespmem:s28+$0x0];
	v3, _, _ =	vpop (xrf2)  }
0x6e: {  	(v2sf) =	vpush v3, $0xF;
	v3 =	vld [tilespmem:s29+$0x0]  }
0x6f: {  	(xrf2) =	vadd.scan.msk.f32 $0xffff, v0;
	_ =	sdelay $0x1  }
0x70: {  	(xrf2) =	vadd.scan.msk.f32 $0xffff, v1  }
0x71: {  	(xrf2) =	vadd.scan.msk.f32 $0xffff, v2  }
0x72: {  	(xrf2) =	vadd.scan.msk.f32 $0xffff, v3;
	_ =	sdelay $0x5  }
0x73: {  	s5 =	simm.s32 $0x87D0;
	v2, _, _ =	vpop (xrf2)  }
0x74: {  	v0 =	vld [tilespmem:s5+$0x0];
	s30 =	spop (v2sf);
	(v2sf) =	vpush v2, $0xF  }
0x75: {  	v2, _, _ =	vpop (xrf2)  }
0x76: {  	s6 =	simm.f32 $0.0e+00;
	s31 =	simm.s32 $0x83B0;
	(v2sf) =	vpush v2, $0xF;
	v2, _, _ =	vpop (xrf2)  }
0x77: {  	s4 =	simm.s32 $0x0;
	s11 =	simm.s32 $0x3E;
	v1 =	vld [tilespmem:s31+$0x0];
	s7 =	sadd.f32 s30, s6;
	(v2sf) =	vpush v2, $0xF;
	v2, _, _ =	vpop (xrf2)  }
0x78: {  	p1 =	por $0x1, $0x1;
	s9 =	simm.s32 $0x3D;
	s13 =	spop (v2sf);
	(v2sf) =	vpush v2, $0xF  }
0x79: {  	s12 =	simm.s32 $0x3C;
	s10 =	simm.s32 $0x3B;
	(xrf2) =	vadd.scan.msk.f32 $0xffff, v0;
	p0 =	sge.f32 s7, $1.000000000e+05  }
0x7a: {  	s8 =	simm.s32 $0x0;
	s14 =	simm.s32 $0x3A;
	s15 =	simm.s32 $0x87C0  }
0x7b: {  	s16 =	simm.s32 $0x83A0;
	s17 =	simm.s32 $0x39;
	p0 =	por !p1, !p0  }
0x7c: {  	s2 =	simm.s32 $0x3F;
	s5 =	simm.f32 $0.0e+00;
	v0 =	vld [tilespmem:s15+$0x0];
	(xrf2) =	vadd.scan.msk.f32 $0xffff, v1;
	p0 =	por !p0, !p0  }
0x7d: {  	s13 =	sadd.f32 s13, s7;
	s8 =	smov.u32 @p0 s2;
	s2 =	simm.f32 $0.0e+00  }
0x7e: {  	v1 =	vld [tilespmem:s16+$0x0];
	s4 =	simm.s32 @p0 $0x1;
	s5 =	smov.u32 @p0 s5;
	s2 =	smov.u32 @p0 s2  }
.LBB2_12:
0x7f: {  	p0 =	sne.s32 s17, $0x0  }
0x80: {  	s18 =	smov.u32 s9;
	s9 =	smov.u32 s12;
	s12 =	smov.u32 s10  }
0x81: {  	s10 =	smov.u32 s14;
	p2 =	seq.s32 s4, $0x0;
	(xrf2) =	vadd.scan.msk.f32 $0xffff, v0;
	p1 =	sge.f32 s13, $1.000000000e+05  }
0x82: {  	s14 =	smov.u32 s17;
	s19 =	smov.u32 s7;
	s15 =	sadd.s32 $0xFFFFFFF0, s15  }
.Ltmp5:
0x83: {  	v2, _, _ =	vpop (xrf2);
	p1 =	por !p2, !p1;
	s7 =	spop (v2sf);
	(pc) =	sbr.rel @p0 .LBB2_12-.Ltmp5, $4  }
0x84: {  	(xrf2) =	vadd.scan.msk.f32 $0xffff, v1;
	v0 =	vld [tilespmem:s15+$0x0];
	(v2sf) =	vpush v2, $0xF;
	p1 =	por !p1, !p1;
	s6 =	sadd.f32 s7, s6;
	s7 =	smov.u32 s13  }
0x85: {  	s8 =	smov.u32 @p1 s11;
	s4 =	simm.s32 @p1 $0x1;
	s11 =	smov.u32 s18  }
0x86: {  	s16 =	sadd.s32 $0xFFFFFFF0, s16;
	s5 =	smov.u32 @p1 s19;
	v2, _, _ =	vpop (xrf2);
	s18 =	spop (v2sf)  }
0x87: {  	s17 =	sadd.s32 $0xFFFFFFFF, s17;
	s2 =	smov.u32 @p1 s6;
	v1 =	vld [tilespmem:s16+$0x0];
	(v2sf) =	vpush v2, $0xF;
	s13 =	sadd.f32 s18, s13  }
0x88: {  	_ =	sdelay $0x2  }
0x89: {  	(xrf2) =	vadd.scan.msk.f32 $0xffff, v0  }
0x8a: {  	(xrf2) =	vadd.scan.msk.f32 $0xffff, v1;
	_ =	sdelay $0x4  }
0x8b: {  	v0, _, _ =	vpop (xrf2)  }
0x8c: {  	(v2sf) =	vpush v0, $0xF;
	v0, _, _ =	vpop (xrf2)  }
0x8d: {  	(v2sf) =	vpush v0, $0xF;
	_ =	sdelay $0x1  }
0x8e: {  	v0, _, _ =	vpop (xrf2)  }
0x8f: {  	(v2sf) =	vpush v0, $0xF;
	v0, _, _ =	vpop (xrf2)  }
0x90: {  	(v2sf) =	vpush v0, $0xF;
	_ =	sdelay $0x1  }
0x91: {  	s16 =	spop (v2sf);
	p0 =	sge.f32 s13, $1.000000000e+05  }
0x92: {  	p1 =	seq.s32 s4, $0x0;
	s17 =	spop (v2sf)  }
0x93: {  	s17 =	sadd.f32 s17, s13;
	p0 =	por !p1, !p0  }
0x94: {  	p0 =	por !p0, !p0  }
0x95: {  	p3 =	sge.f32 s17, $1.000000000e+05;
	s4 =	simm.s32 @p0 $0x1;
	s18 =	spop (v2sf)  }
0x96: {  	s15 =	sadd.s32 $0xFFFFFFF0, s15;
	p2 =	seq.s32 s4, $0x0;
	s19 =	spop (v2sf)  }
0x97: {  	p1 =	por !p2, !p3;
	s19 =	sadd.f32 s19, s17;
	v0 =	vld [tilespmem:s15+$0x0]  }
0x98: {  	p1 =	por !p1, !p1;
	s15 =	sadd.s32 $0xFFFFFFF0, s15  }
0x99: {  	s4 =	simm.s32 @p1 $0x1;
	v1 =	vld [tilespmem:s15+$0x0];
	p4 =	sge.f32 s19, $1.000000000e+05;
	s20 =	spop (v2sf)  }
0x9a: {  	p3 =	seq.s32 s4, $0x0;
	s29 =	spop (v2sf)  }
0x9b: {  	p2 =	por !p3, !p4;
	s15 =	sadd.f32 s29, s19  }
0x9c: {  	p2 =	por !p2, !p2;
	(xrf2) =	vadd.scan.msk.f32 $0xffff, v0  }
0x9d: {  	s4 =	simm.s32 @p2 $0x1;
	p5 =	sge.f32 s15, $1.000000000e+05;
	s21 =	spop (v2sf)  }
0x9e: {  	(xrf2) =	vadd.scan.msk.f32 $0xffff, v1;
	p4 =	seq.s32 s4, $0x0;
	s22 =	spop (v2sf)  }
0x9f: {  	p3 =	por !p4, !p5;
	s22 =	sadd.f32 s22, s15  }
0xa0: {  	p3 =	por !p3, !p3  }
0xa1: {  	s8 =	smov.u32 @p0 s11;
	s4 =	simm.s32 @p3 $0x1;
	p6 =	sge.f32 s22, $1.000000000e+05  }
0xa2: {  	s8 =	smov.u32 @p1 s9;
	p5 =	seq.s32 s4, $0x0  }
0xa3: {  	s8 =	smov.u32 @p2 s12;
	p4 =	por !p5, !p6  }
0xa4: {  	s8 =	smov.u32 @p3 s10;
	p4 =	por !p4, !p4  }
0xa5: {  	s8 =	smov.u32 @p4 s14  }
0xa6: {  	v0, _, _ =	vpop (xrf2);
	s4 =	sshll.u32 s8, $0x4  }
0xa7: {  	(v2sf) =	vpush v0, $0xF;
	v1 =	vld [tilespmem:s4+$0x8000]  }
0xa8: {  	v0 =	vlaneseq.u32;
	v2, _, _ =	vpop (xrf2)  }
0xa9: {  	v0 =	vmul.u32 $0xFFFFFFFF, v0;
	(v2sf) =	vpush v2, $0xF;
	_ =	sdelay $0x1  }
0xaa: {  	v2 =	vadd.s32 $0xF, v0  }
0xab: {  	v0 =	vperm.xlane v1, v2;
	_ =	sdelay $0x1  }
0xac: {  	(xrf2) =	vadd.scan.msk.f32 $0xffff, v0  }
0xad: {  	s6 =	sadd.f32 s16, s6;
	_ =	sdelay $0x1  }
0xae: {  	s8 =	sadd.f32 s18, s6;
	_ =	sdelay $0x1  }
0xaf: {  	s2 =	smov.u32 @p0 s6;
	s6 =	sadd.f32 s20, s8  }
0xb0: {  	s5 =	smov.u32 @p0 s7  }
0xb1: {  	s5 =	smov.u32 @p1 s13;
	s7 =	sadd.f32 s21, s6  }
0xb2: {  	s5 =	smov.u32 @p2 s17;
	s2 =	smov.u32 @p1 s8;
	s30 =	spop (v2sf)  }
0xb3: {  	s5 =	smov.u32 @p3 s19;
	s2 =	smov.u32 @p2 s6;
	s6 =	sadd.f32 s30, s7  }
0xb4: {  	s5 =	smov.u32 @p4 s15;
	s2 =	smov.u32 @p3 s7;
	s31 =	spop (v2sf);
	v3, _, _ =	vpop (xrf2)  }
0xb5: {  	v0 =	vld [tilespmem:s4+$0x8400];
	s7 =	simm.s32 $0x0;
	s2 =	smov.u32 @p4 s6;
	s6 =	simm.s32 $0x40;
	v2 =	vperm.xlane v3, v2;
	v3 =	vimm.f32 $0.0e+00  }
.LBB2_14:
0xb6: {  	p0 =	seq.s32 s6, $0xFC0;
	[tilespmem:s7+$0x8000] =	vst v3;
	s8 =	smov.u32 s6;
	s6 =	sadd.s32 $0x40, s6  }
.Ltmp6:
0xb7: {  	[tilespmem:s7+$0x8400] =	vst v3;
	(pc) =	sbr.rel @!p0 .LBB2_14-.Ltmp6, $2  }
0xb8: {  	_ =	sdelay $0x2  }
0xb9: {  	s7 =	sshra.s32 s8, $0x2  }
0xba: {  	[tilespmem:s7+$0x8000] =	vst v3  }
0xbb: {  	[tilespmem:s7+$0x8400] =	vst v3;
	s6 =	simm.s32 $0x0;
	s31 =	simm.s32 $0x1  }
0xbc: {  	[tilespmem:s6], [sflag:$0x1] =	stream.linear.gather [hbm4b:s3+s6], $0x8000, $0x38;
	[tilespmem:$0x8880] =	vst v63  }
0xbd: {  	_ =	swait.ge [sflag:s31], $0x8000  }
0xbe: {  	[sflag:s31] =	ssyncset.done $0x0  }
0xbf: {  	s7 =	simm.s32 $0x0;
	[sflag:s31] =	ssyncadd.s32 $0xFFFF8000  }
.LBB2_16:
0xc0: {  	s8 =	sshll.u32 s7, $0xB  }
0xc1: {  	s10 =	sand.u32 $0x380, s6;
	s8 =	sand.u32 $0x3FFFF800, s8  }
0xc2: {  	s9 =	simm.s32 $0x8000;
	s11 =	sand.u32 $0x70, s6;
	s10 =	sadd.s32 s10, s8  }
0xc3: {  	v3 =	vld [tilespmem:s9+$0x0];
	s10 =	sadd.s32 s11, s10  }
0xc4: {  	v4 =	vld [tilespmem:s10+$0x0];
	_ =	sdelay $0x4  }
0xc5: {  	v3 =	vadd.f32 v4, v3;
	_ =	sdelay $0x1  }
0xc6: {  	s11 =	simm.s32 $0x8400;
	[tilespmem:s9+$0x0] =	vst v3  }
0xc7: {  	v3 =	vld [tilespmem:s11+$0x0]  }
0xc8: {  	v4 =	vld [tilespmem:s10+$0x400];
	_ =	sdelay $0x4  }
0xc9: {  	s12 =	simm.s32 $0x10;
	s13 =	simm.s32 $0x20;
	s10 =	simm.s32 $0x8410;
	v3 =	vadd.f32 v4, v3  }
.LBB2_17:
0xca: {  	s14 =	sand.u32 $0x380, s12  }
0xcb: {  	s9 =	sadd.s32 $0x10, s9;
	s15 =	smov.u32 s13;
	s16 =	sadd.s32 $0x10, s13  }
0xcc: {  	p0 =	sne.s32 s13, $0x3F0;
	s12 =	sand.u32 $0x70, s12;
	s13 =	sadd.s32 s14, s8;
	[tilespmem:s11+$0x0] =	vst v3  }
0xcd: {  	s11 =	smov.u32 s10;
	v3 =	vld [tilespmem:s9+$0x0];
	s13 =	sadd.s32 s12, s13;
	s12 =	smov.u32 s15  }
0xce: {  	v4 =	vld [tilespmem:s13+$0x0];
	_ =	sdelay $0x4  }
0xcf: {  	v3 =	vadd.f32 v4, v3;
	_ =	sdelay $0x1  }
0xd0: {  	[tilespmem:s9+$0x0] =	vst v3  }
0xd1: {  	v3 =	vld [tilespmem:s10+$0x0]  }
0xd2: {  	v4 =	vld [tilespmem:s13+$0x400]  }
.Ltmp7:
0xd3: {  	(pc) =	sbr.rel @p0 .LBB2_17-.Ltmp7, $2  }
0xd4: {  	_ =	sdelay $0x2  }
0xd5: {  	s10 =	sadd.s32 $0x10, s10;
	s13 =	smov.u32 s16;
	v3 =	vadd.f32 v4, v3  }
0xd6: {  	s13 =	sand.u32 $0x380, s12  }
0xd7: {  	s9 =	sadd.s32 $0x10, s9;
	s31 =	sand.u32 $0x70, s12;
	s8 =	sadd.s32 s13, s8;
	[tilespmem:s11+$0x0] =	vst v3  }
0xd8: {  	v3 =	vld [tilespmem:s9+$0x0];
	s8 =	sadd.s32 s31, s8  }
0xd9: {  	v4 =	vld [tilespmem:s8+$0x0];
	_ =	sdelay $0x4  }
0xda: {  	v3 =	vadd.f32 v4, v3;
	_ =	sdelay $0x1  }
0xdb: {  	[tilespmem:s9+$0x0] =	vst v3  }
0xdc: {  	v3 =	vld [tilespmem:s10+$0x0]  }
0xdd: {  	v63 =	vld [tilespmem:s8+$0x400]  }
0xde: {  	s7 =	sadd.s32 $0x1, s7  }
0xdf: {  	p0 =	sne.s32 s7, $0x10  }
.Ltmp8:
0xe0: {  	_ = 	snop;
	(pc) =	sbr.rel @p0 .LBB2_16-.Ltmp8, $3  }
0xe1: {  	_ = 	snop  }
0xe2: {  	v3 =	vadd.f32 v63, v3;
	_ =	sdelay $0x1  }
0xe3: {  	[tilespmem:s10+$0x0] =	vst v3  }
0xe4: {  	s6 =	sadd.s32 $0x1000, s3;
	s3 =	simm.s32 $0x0;
	s31 =	simm.s32 $0x1  }
0xe5: {  	[tilespmem:s3], [sflag:$0x1] =	stream.linear.gather [hbm4b:s6+s3], $0x8000, $0x38;
	[tilespmem:$0x8880] =	vst v63  }
0xe6: {  	_ =	swait.ge [sflag:s31], $0x8000  }
0xe7: {  	[sflag:s31] =	ssyncset.done $0x0  }
0xe8: {  	s6 =	simm.s32 $0x0;
	[sflag:s31] =	ssyncadd.s32 $0xFFFF8000  }
.LBB2_20:
0xe9: {  	s7 =	sshll.u32 s6, $0xB  }
0xea: {  	s8 =	sand.u32 $0x380, s3;
	s7 =	sand.u32 $0x3FFFF800, s7  }
0xeb: {  	s9 =	simm.s32 $0x8000;
	s10 =	sand.u32 $0x70, s3;
	s8 =	sadd.s32 s8, s7  }
0xec: {  	v3 =	vld [tilespmem:s9+$0x0];
	s10 =	sadd.s32 s10, s8  }
0xed: {  	v4 =	vld [tilespmem:s10+$0x0];
	_ =	sdelay $0x4  }
0xee: {  	v3 =	vadd.f32 v4, v3;
	_ =	sdelay $0x1  }
0xef: {  	s8 =	simm.s32 $0x8400;
	[tilespmem:s9+$0x0] =	vst v3  }
0xf0: {  	v3 =	vld [tilespmem:s8+$0x0]  }
0xf1: {  	v4 =	vld [tilespmem:s10+$0x400];
	_ =	sdelay $0x3  }
0xf2: {  	s12 =	simm.s32 $0x20  }
0xf3: {  	s11 =	simm.s32 $0x8400;
	s9 =	simm.s32 $0x8010;
	s10 =	simm.s32 $0x10;
	v3 =	vadd.f32 v4, v3  }
.LBB2_21:
0xf4: {  	s13 =	sand.u32 $0x380, s10  }
0xf5: {  	s8 =	sadd.s32 $0x10, s8;
	s14 =	smov.u32 s12;
	s15 =	sadd.s32 $0x10, s12  }
0xf6: {  	p0 =	sne.s32 s12, $0x3F0;
	s10 =	sand.u32 $0x70, s10;
	s12 =	sadd.s32 s13, s7;
	[tilespmem:s11+$0x0] =	vst v3  }
0xf7: {  	s11 =	smov.u32 s8;
	v3 =	vld [tilespmem:s9+$0x0];
	s12 =	sadd.s32 s10, s12;
	s10 =	smov.u32 s14  }
0xf8: {  	v4 =	vld [tilespmem:s12+$0x0];
	_ =	sdelay $0x4  }
0xf9: {  	v3 =	vadd.f32 v4, v3;
	_ =	sdelay $0x1  }
0xfa: {  	[tilespmem:s9+$0x0] =	vst v3  }
0xfb: {  	v3 =	vld [tilespmem:s8+$0x0]  }
0xfc: {  	v4 =	vld [tilespmem:s12+$0x400]  }
.Ltmp9:
0xfd: {  	(pc) =	sbr.rel @p0 .LBB2_21-.Ltmp9, $2  }
0xfe: {  	_ =	sdelay $0x2  }
0xff: {  	s9 =	sadd.s32 $0x10, s9;
	s12 =	smov.u32 s15;
	v3 =	vadd.f32 v4, v3  }
0x100: {  	s12 =	sand.u32 $0x380, s10  }
0x101: {  	s31 =	sand.u32 $0x70, s10;
	s7 =	sadd.s32 s12, s7;
	[tilespmem:s11+$0x0] =	vst v3  }
0x102: {  	v3 =	vld [tilespmem:s9+$0x0];
	s7 =	sadd.s32 s31, s7  }
0x103: {  	v4 =	vld [tilespmem:s7+$0x0];
	_ =	sdelay $0x4  }
0x104: {  	v3 =	vadd.f32 v4, v3;
	_ =	sdelay $0x1  }
0x105: {  	s8 =	sadd.s32 $0x10, s8;
	[tilespmem:s9+$0x0] =	vst v3  }
0x106: {  	v3 =	vld [tilespmem:s8+$0x0]  }
0x107: {  	v63 =	vld [tilespmem:s7+$0x400]  }
0x108: {  	s6 =	sadd.s32 $0x1, s6  }
0x109: {  	p0 =	sne.s32 s6, $0x10  }
.Ltmp10:
0x10a: {  	_ = 	snop;
	(pc) =	sbr.rel @p0 .LBB2_20-.Ltmp10, $3  }
0x10b: {  	_ = 	snop  }
0x10c: {  	v3 =	vadd.f32 v63, v3;
	_ =	sdelay $0x1  }
0x10d: {  	[tilespmem:s8+$0x0] =	vst v3  }
0x10e: {  	v2 =	vadd.f32 s5, v2;
	_ =	sdelay $0x1  }
0x10f: {  	vm0 =	vge.f32 v2, $1.000000000e+05;
	v2 =	vimm.s32 $0x0  }
0x110: {  	v2 =	vsel vm0, $0x1, v2  }
0x111: {  	(xrf0) =	vadd.scan.msk.s32 $0xffff, v2;
	_ =	sdelay $0x5  }
0x112: {  	v2, _, _ =	vpop (xrf0)  }
0x113: {  	(v2sf) =	vpush v2, $0xF;
	_ =	sdelay $0xe  }
0x114: {  	s3 =	spop (v2sf)  }
0x115: {  	s3 =	sadd.s32 $0xFFFFFFFF, s3  }
0x116: {  	v3 =	vlaneseq.u32;
	s6 =	simm.s32 $0x83F0;
	v2 =	vmov s3  }
0x117: {  	vm15 =	vlt.s32 v2, v3;
	v3 =	vld [tilespmem:s6+$0x0];
	_ =	sdelay $0x2  }
0x118: {  	s23 =	simm.s32 $0x83E0;
	v1 =	vnsel vm15, $0x0, v1  }
0x119: {  	(xrf2) =	vadd.scan.msk.f32 $0xffff, v1;
	v1 =	vld [tilespmem:s23+$0x0]  }
0x11a: {  	(xrf2) =	vadd.scan.msk.f32 $0xffff, v3;
	_ =	sdelay $0x3  }
0x11b: {  	(xrf2) =	vadd.scan.msk.f32 $0xffff, v1;
	_ =	sdelay $0x4  }
0x11c: {  	v3, _, _ =	vpop (xrf2)  }
0x11d: {  	s24 =	simm.s32 $0x87F0;
	(v2sf) =	vpush v3, $0xF;
	v1, _, _ =	vpop (xrf2)  }
0x11e: {  	(v2sf) =	vpush v1, $0xF;
	v1 =	vld [tilespmem:s24+$0x0]  }
0x11f: {  	s25 =	simm.s32 $0x83D0  }
0x120: {  	s26 =	simm.s32 $0x87E0;
	v3 =	vld [tilespmem:s25+$0x0]  }
0x121: {  	s28 =	simm.s32 $0x83C0;
	v4 =	vld [tilespmem:s26+$0x0];
	v5, _, _ =	vpop (xrf2)  }
0x122: {  	(v2sf) =	vpush v5, $0xF;
	v5 =	vld [tilespmem:s28+$0x0]  }
0x123: {  	(xrf2) =	vadd.scan.msk.f32 $0xffff, v1;
	_ =	sdelay $0x1  }
0x124: {  	(xrf2) =	vadd.scan.msk.f32 $0xffff, v3  }
0x125: {  	(xrf2) =	vadd.scan.msk.f32 $0xffff, v4  }
0x126: {  	(xrf2) =	vadd.scan.msk.f32 $0xffff, v5;
	_ =	sdelay $0x5  }
0x127: {  	s8 =	simm.s32 $0x87D0;
	s29 =	spop (v2sf);
	v4, _, _ =	vpop (xrf2)  }
0x128: {  	v1 =	vld [tilespmem:s8+$0x0];
	s30 =	sadd.f32 s29, s5;
	(v2sf) =	vpush v4, $0xF  }
0x129: {  	s31 =	simm.s32 $0x83B0;
	v4, _, _ =	vpop (xrf2)  }
0x12a: {  	s6 =	simm.f32 $0.0e+00;
	s5 =	ssub.f32 $1.000000000e+05, s30;
	s7 =	spop (v2sf);
	(v2sf) =	vpush v4, $0xF;
	v4, _, _ =	vpop (xrf2)  }
0x12b: {  	s10 =	simm.s32 $0x0;
	s14 =	simm.s32 $0x3E;
	v3 =	vld [tilespmem:s31+$0x0];
	s9 =	sadd.f32 s7, s6;
	(v2sf) =	vpush v4, $0xF;
	v4, _, _ =	vpop (xrf2)  }
0x12c: {  	p1 =	por $0x1, $0x1;
	s12 =	simm.s32 $0x3D;
	s16 =	spop (v2sf);
	(v2sf) =	vpush v4, $0xF  }
0x12d: {  	s15 =	simm.s32 $0x3C;
	s13 =	simm.s32 $0x3B;
	(xrf2) =	vadd.scan.msk.f32 $0xffff, v1;
	p0 =	sge.f32 s9, s5  }
0x12e: {  	s11 =	simm.s32 $0x0;
	s17 =	simm.s32 $0x3A;
	s18 =	simm.s32 $0x87C0  }
0x12f: {  	s19 =	simm.s32 $0x83A0;
	s20 =	simm.s32 $0x39;
	p0 =	por !p1, !p0  }
0x130: {  	s8 =	simm.f32 $0.0e+00;
	v1 =	vld [tilespmem:s18+$0x0];
	s7 =	simm.s32 $0x3F;
	(xrf2) =	vadd.scan.msk.f32 $0xffff, v3;
	p0 =	por !p0, !p0  }
0x131: {  	s16 =	sadd.f32 s16, s9;
	s11 =	smov.u32 @p0 s7;
	s7 =	simm.f32 $0.0e+00  }
0x132: {  	v3 =	vld [tilespmem:s19+$0x0];
	s10 =	simm.s32 @p0 $0x1;
	s8 =	smov.u32 @p0 s8;
	s7 =	smov.u32 @p0 s7  }
.LBB2_24:
0x133: {  	p0 =	sne.s32 s20, $0x0  }
0x134: {  	s21 =	smov.u32 s12;
	s12 =	smov.u32 s15;
	s15 =	smov.u32 s13  }
0x135: {  	s13 =	smov.u32 s17;
	p2 =	seq.s32 s10, $0x0;
	(xrf2) =	vadd.scan.msk.f32 $0xffff, v1;
	p1 =	sge.f32 s16, s5  }
0x136: {  	s17 =	smov.u32 s20;
	s22 =	smov.u32 s9;
	s18 =	sadd.s32 $0xFFFFFFF0, s18  }
.Ltmp11:
0x137: {  	v4, _, _ =	vpop (xrf2);
	p1 =	por !p2, !p1;
	s9 =	spop (v2sf);
	(pc) =	sbr.rel @p0 .LBB2_24-.Ltmp11, $4  }
0x138: {  	(xrf2) =	vadd.scan.msk.f32 $0xffff, v3;
	v1 =	vld [tilespmem:s18+$0x0];
	(v2sf) =	vpush v4, $0xF;
	p1 =	por !p1, !p1;
	s6 =	sadd.f32 s9, s6;
	s9 =	smov.u32 s16  }
0x139: {  	s11 =	smov.u32 @p1 s14;
	s10 =	simm.s32 @p1 $0x1;
	s14 =	smov.u32 s21  }
0x13a: {  	s19 =	sadd.s32 $0xFFFFFFF0, s19;
	s8 =	smov.u32 @p1 s22;
	v4, _, _ =	vpop (xrf2);
	s21 =	spop (v2sf)  }
0x13b: {  	s20 =	sadd.s32 $0xFFFFFFFF, s20;
	s7 =	smov.u32 @p1 s6;
	v3 =	vld [tilespmem:s19+$0x0];
	(v2sf) =	vpush v4, $0xF;
	s16 =	sadd.f32 s21, s16  }
0x13c: {  	_ =	sdelay $0x2  }
0x13d: {  	(xrf2) =	vadd.scan.msk.f32 $0xffff, v1  }
0x13e: {  	(xrf2) =	vadd.scan.msk.f32 $0xffff, v3;
	_ =	sdelay $0x4  }
0x13f: {  	v44, _, _ =	vpop (xrf2)  }
0x140: {  	(v2sf) =	vpush v44, $0xF;
	v45, _, _ =	vpop (xrf2)  }
0x141: {  	(v2sf) =	vpush v45, $0xF;
	_ =	sdelay $0x1  }
0x142: {  	v46, _, _ =	vpop (xrf2)  }
0x143: {  	(v2sf) =	vpush v46, $0xF;
	v47, _, _ =	vpop (xrf2)  }
0x144: {  	(v2sf) =	vpush v47, $0xF;
	_ =	sdelay $0x1  }
0x145: {  	s19 =	spop (v2sf);
	p0 =	sge.f32 s16, s5  }
0x146: {  	p1 =	seq.s32 s10, $0x0;
	s20 =	spop (v2sf)  }
0x147: {  	s23 =	sadd.f32 s20, s16;
	p0 =	por !p1, !p0  }
0x148: {  	p0 =	por !p0, !p0  }
0x149: {  	p3 =	sge.f32 s23, s5;
	s10 =	simm.s32 @p0 $0x1;
	s29 =	spop (v2sf)  }
0x14a: {  	p2 =	seq.s32 s10, $0x0;
	s21 =	spop (v2sf)  }
0x14b: {  	p1 =	por !p2, !p3;
	s24 =	sadd.f32 s21, s23  }
0x14c: {  	p2 =	por !p1, !p1  }
0x14d: {  	s10 =	simm.s32 @p2 $0x1;
	p4 =	sge.f32 s24, s5;
	s30 =	spop (v2sf)  }
0x14e: {  	p3 =	seq.s32 s10, $0x0;
	s22 =	spop (v2sf)  }
0x14f: {  	p1 =	por !p3, !p4;
	s25 =	sadd.f32 s22, s24  }
0x150: {  	p1 =	por !p1, !p1  }
0x151: {  	s10 =	simm.s32 @p1 $0x1;
	p5 =	sge.f32 s25, s5;
	s31 =	spop (v2sf)  }
0x152: {  	p4 =	seq.s32 s10, $0x0;
	s26 =	spop (v2sf)  }
0x153: {  	p3 =	por !p4, !p5;
	s26 =	sadd.f32 s26, s25  }
0x154: {  	p3 =	por !p3, !p3  }
0x155: {  	s11 =	smov.u32 @p0 s14;
	s10 =	simm.s32 @p3 $0x1;
	p6 =	sge.f32 s26, s5  }
0x156: {  	s11 =	smov.u32 @p2 s12;
	p5 =	seq.s32 s10, $0x0  }
0x157: {  	s11 =	smov.u32 @p1 s15;
	p4 =	por !p5, !p6  }
0x158: {  	s14 =	sadd.s32 $0xFFFFFFF0, s18;
	s11 =	smov.u32 @p3 s13;
	p4 =	por !p4, !p4  }
0x159: {  	v48 =	vld [tilespmem:s14+$0x0];
	s10 =	sadd.s32 $0xFFFFFFF0, s14;
	s11 =	smov.u32 @p4 s17  }
0x15a: {  	v49 =	vld [tilespmem:s10+$0x0];
	s15 =	sshll.u32 s11, $0x4  }
0x15b: {  	v4 =	vld [tilespmem:s15+$0x8000]  }
0x15c: {  	v5 =	vlaneseq.u32  }
0x15d: {  	v6 =	vmul.u32 $0xFFFFFFFF, v5;
	_ =	sdelay $0x1  }
0x15e: {  	vm0 =	vlt.s32 v2, v5;
	v50 =	vadd.s32 $0xF, v6;
	(xrf2) =	vadd.scan.msk.f32 $0xffff, v48  }
0x15f: {  	v0 =	vnsel vm0, $0x0, v0;
	(xrf2) =	vadd.scan.msk.f32 $0xffff, v49;
	v51 =	vperm.xlane v4, v50  }
0x160: {  	(xrf2) =	vadd.scan.msk.f32 $0xffff, v0  }
0x161: {  	(xrf2) =	vadd.scan.msk.f32 $0xffff, v51;
	_ =	sdelay $0x6  }
0x162: {  	v52, _, _ =	vpop (xrf2)  }
0x163: {  	s8 =	smov.u32 @p0 s9;
	v53, _, _ =	vpop (xrf2)  }
0x164: {  	s8 =	smov.u32 @p2 s16;
	v54, _, _ =	vpop (xrf2)  }
0x165: {  	s8 =	smov.u32 @p1 s23;
	v55, _, _ =	vpop (xrf2)  }
0x166: {  	s8 =	smov.u32 @p3 s24;
	v1 =	vperm.xlane v55, v50  }
0x167: {  	s8 =	smov.u32 @p4 s25  }
0x168: {  	v1 =	vadd.f32 s8, v1;
	_ =	sdelay $0x1  }
0x169: {  	v56 =	vimm.s32 $0x0;
	vm14 =	vge.f32 v1, s5  }
0x16a: {  	v1 =	vsel vm14, $0x1, v56  }
0x16b: {  	(xrf0) =	vadd.scan.msk.s32 $0xffff, v1;
	_ =	sdelay $0x3  }
0x16c: {  	(v2sf) =	vpush v52, $0xF  }
0x16d: {  	(v2sf) =	vpush v53, $0xF  }
0x16e: {  	(v2sf) =	vpush v54, $0xF;
	v57, _, _ =	vpop (xrf0)  }
0x16f: {  	(v2sf) =	vpush v57, $0xF;
	_ =	sdelay $0xb  }
0x170: {  	s17 =	spop (v2sf)  }
0x171: {  	s18 =	spop (v2sf)  }
0x172: {  	s11 =	spop (v2sf)  }
0x173: {  	s23 =	spop (v2sf)  }
0x174: {  	s12 =	sadd.s32 $0xFFFFFFFF, s23  }
0x175: {  	v58 =	vmov s12  }
0x176: {  	v59 =	vld [tilespmem:s15+$0x8400];
	vm15 =	vlt.s32 v58, v5  }
0x177: {  	v60 =	vnsel vm15, $0x0, v4  }
0x178: {  	(xrf2) =	vadd.scan.msk.f32 $0xffff, v60;
	_ =	sdelay $0x2  }
0x179: {  	v0 =	vnsel vm15, $0x0, v59  }
0x17a: {  	(xrf2) =	vadd.scan.msk.f32 $0xffff, v0;
	_ =	sdelay $0x5  }
0x17b: {  	v61, _, _ =	vpop (xrf2)  }
0x17c: {  	(v2sf) =	vpush v61, $0xF;
	_ =	sdelay $0x2  }
0x17d: {  	v62, _, _ =	vpop (xrf2)  }
0x17e: {  	(v2sf) =	vpush v62, $0xF;
	_ =	sdelay $0x3  }
0x17f: {  	s6 =	sadd.f32 s19, s6;
	_ =	sdelay $0x1  }
0x180: {  	s13 =	sadd.f32 s29, s6;
	s10 =	sadd.s32 s15, s12  }
0x181: {  	s24 =	scvt.s32.f32 s10  }
0x182: {  	s3 =	sadd.s32 s4, s3;
	s14 =	sadd.f32 s30, s13  }
0x183: {  	s3 =	scvt.s32.f32 s3;
	s4 =	smul.f32 $9.765625000e-04, s24  }
0x184: {  	s7 =	smov.u32 @p0 s6;
	s6 =	sadd.f32 s31, s14  }
0x185: {  	s3 =	sadd.f32 s3, s4;
	s25 =	spop (v2sf)  }
0x186: {  	s7 =	smov.u32 @p2 s13;
	s8 =	sadd.f32 s25, s8  }
0x187: {  	s7 =	smov.u32 @p1 s14;
	s9 =	sadd.f32 s17, s6  }
0x188: {  	s7 =	smov.u32 @p3 s6;
	s3 =	smul.f32 $1.953125000e-03, s3;
	s26 =	ssub.f32 s5, s8  }
0x189: {  	s7 =	smov.u32 @p4 s9;
	s2 =	sadd.f32 s11, s2;
	s28 =	spop (v2sf)  }
0x18a: {  	s5 =	sadd.f32 s28, s7;
	s4 =	smul.f32 s26, s3  }
0x18b: {  	_ = 	snop  }
0x18c: {  	s2 =	sadd.f32 s5, s2;
	s3 =	smul.f32 s4, s3  }
0x18d: {  	_ = 	snop  }
0x18e: {  	s2 =	sadd.f32 s3, s2;
	_ =	sdelay $0x1  }
0x18f: {  	v63 =	vmov s2  }
0x190: {  	s29 =	simm.s32 $0x0;
	s30 =	simm.s32 $0x8800;
	s31 =	simm.s32 $0x1;
	[tilespmem:$0x8800] =	vst v63  }
0x191: {  	[hbm4b:s1+s29] =	stream.linear.scatter [tilespmem:s30], [sflag:$0x1], $0x80, $0x38;
	[tilespmem:$0x8880] =	vst v63  }
0x192: {  	_ =	swait.ge [sflag:s31], $0x80  }
0x193: {  	[sflag:s31] =	ssyncset.done $0x0  }
0x194: {  	[sflag:s31] =	ssyncadd.s32 $0xFFFFFF80  }
0x195: {  	_ =	sfence.sel $0x180000  }
0x196: {  	[bflag:$0x0] =	sbarrier.arrive $0xFFFF  }
0x197: {  	_ =	strace $0x9000004D  }
0x198: {  	s0 =	sadd.s32 $0x100000, s0;
	[bflag:$0x2] =	sbarrier.arrive $0xFFFF  }
0x199: {  	[sflag:s0] =	ssyncadd.tile.s32 $0x1;
	_ =	shalt  }
.Lfunc_end2:
_tile_overlayer_lowered:
.L_overlay_start_2:
0x19a: {  	(tag) =	ssettag $0x2  }
0x19b: {  	s0 =	rddreg [dreg:$0x0];
	s2 =	stileid.u32  }
0x19c: {  	s1 =	rddreg [dreg:$0x1];
	p0 =	sne.s32 s2, $0x0  }
0x19d: {  	s3 =	rddreg [dreg:$0x2];
	[bflag:$0x3] =	sbarrier.arrive $0xFFFF;
	s2 =	simm.s32 @!p0 $0x1C01  }
0x19e: {  	[timem:s3], [sflag:s2] =	dma.local @!p0 [hbm:s0], s1  }
0x19f: {  	s0 =	simm.s32 @!p0 $0x1  }
0x1a0: {  	_ =	swait.ge @!p0 [sflag:s0], s1  }
0x1a1: {  	s1 =	ssub.s32 @!p0 $0x0, s1;
	[sflag:s0] =	ssyncset.done @!p0 $0x0  }
0x1a2: {  	[sflag:s0] =	ssyncadd.s32 @!p0 s1  }
0x1a3: {  	[bflag:$0x3] =	sbarrier.arrive $0xFFFF  }
0x1a4: {  	_ =	shalt  }

// kernel: kernel.5.cloned.1.call-start
scs
__scs_entry_jumppad:
0x0: {  	(pc) =	sbr.rel $0x88, $3  }
0x1: {  	(tag) =	ssettag $0x0;
	lr =	simm.s32 $0x1  }
0x2: {  	[smem:$0x3FA0] =	sst lr;
	_ =	strace $0xD0000000  }
0x3: {  	_ = 	snop  }
0x4: {  	_ = 	snop  }
0x5: {  	_ = 	snop  }
0x6: {  	_ = 	snop  }
0x7: {  	_ = 	snop  }
__scs_overlays_trampoline_lowered:
0x8: {  	[smem:$0x3FAF] =	sst s0  }
0x9: {  	[smem:$0x3FB0] =	sst s1  }
0xa: {  	[smem:$0x3FB1] =	sst s2  }
0xb: {  	[smem:$0x3FB2] =	sst s3  }
0xc: {  	[smem:$0x3FB3] =	sst s4  }
0xd: {  	[smem:$0x3FB4] =	sst s5  }
0xe: {  	[smem:$0x3FB5] =	sst s6  }
0xf: {  	[smem:$0x3FB6] =	sst s7  }
0x10: {  	[smem:$0x3FB7] =	sst s8  }
0x11: {  	[smem:$0x3FB8] =	sst s9;
	s0 =	simm.s32 @!p0 $0x0  }
0x12: {  	s1 =	sld [smem:$0x3F9E];
	s0 =	simm.s32 @p0 $0x1  }
0x13: {  	[smem:$0x3FB9] =	sst s0;
	s0 =	simm.s32 @!p1 $0x0  }
0x14: {  	s2 =	sld [smem:$0x3F9D];
	s0 =	simm.s32 @p1 $0x1  }
0x15: {  	[smem:$0x3FBA] =	sst s0;
	s0 =	simm.s32 @!p2 $0x0  }
0x16: {  	s3 =	sld [smem:$0x3FDB];
	s0 =	simm.s32 @p2 $0x1  }
0x17: {  	s4 =	simm.s32 $0x1BF5;
	[smem:$0x3FBC] =	sst s0  }
0x18: {  	s0 =	sld [smem:$0x3F9F];
	_ =	swait.ge [sflag:s4], $0x0  }
0x19: {  	s7 =	sld [smem:$0x3FA0]  }
0x1a: {  	s8 =	sadd.s32 $0xFFFFE003, lr  }
0x1b: {  	s9 =	sadd.s32 $0xFFFFFEF7, lr;
	s5 =	simm.s32 $0xFFFFFFFF;
	p2 =	slt.u32 s8, $0xFFFFF086  }
0x1c: {  	p1 =	slt.u32 s9, $0xF7A;
	s5 =	simm.s32 @!p2 $0x0  }
0x1d: {  	s5 =	simm.s32 @p1 $0x1;
	p0 =	seq.s32 s7, s2  }
0x1e: {  	s7 =	smul.u32 @!p0 $0xF7A, s2;
	p2 =	seq.s32 @!p0 s5, $0x0  }
0x1f: {  	s9 =	smul.u32 $0xF7A, s1;
	s8 =	simm.s32 @!p0 $0x1BF5;
	p2 =	por !p2, p0  }
0x20: {  	[sflag:s8] =	ssyncset.s32 @!p0 $0xFFFFF086;
	s6 =	sadd.s32 @!p0 s3, s7;
	s7 =	simm.s32 @!p0 $0x108  }
0x21: {  	s3 =	sadd.s32 s3, s9;
	s6 =	sadd.s32 @!p0 $0x88, s6;
	s7 =	simm.s32 @p2 $0x1082  }
0x22: {  	[simem:s7], [sflag:s8] =	dma.local @!p0 [hbm:s6], $0xF7A  }
0x23: {  	s9 =	sor.u32 $0xD0000000, s2;
	s6 =	simm.s32 $0x108;
	_ =	swait.ge @!p0 [sflag:s8], $0x0  }
0x24: {  	s3 =	sadd.s32 $0x88, s3;
	s6 =	simm.s32 @!p1 $0x1082;
	[sflag:s4] =	ssyncset.s32 $0xFFFFF086  }
0x25: {  	[simem:s6], [sflag:s4] =	dma.local [hbm:s3], $0xF7A  }
0x26: {  	[smem:$0x3FA0] =	sst s1;
	(tag) =	ssettag s2;
	_ =	strace s9  }
0x27: {  	s1 =	sld [smem:$0x3FB0]  }
0x28: {  	s2 =	sld [smem:$0x3FB1]  }
0x29: {  	s4 =	sld [smem:$0x3FB3]  }
0x2a: {  	p0 =	seq.s32 s5, $0x0;
	s5 =	sld [smem:$0x3FB4]  }
0x2b: {  	s6 =	sld [smem:$0x3FB5]  }
0x2c: {  	s7 =	sld [smem:$0x3FB6]  }
0x2d: {  	s3 =	simm.s32 $0x108;
	s8 =	sld [smem:$0x3FB7]  }
0x2e: {  	s3 =	simm.s32 @!p0 $0x1082;
	s9 =	sld [smem:$0x3FB8]  }
0x2f: {  	lr =	sadd.s32 s0, s3;
	s0 =	sld [smem:$0x3FAF]  }
0x30: {  	s3 =	sld [smem:$0x3FB2]  }
0x31: {  	[smem:$0x3FBB] =	sst s10  }
0x32: {  	s10 =	sld [smem:$0x3FB9];
	_ =	sdelay $0x3  }
0x33: {  	p0 =	seq.s32 s10, $0x1;
	s10 =	sld [smem:$0x3FBB];
	_ =	sdelay $0x3  }
0x34: {  	[smem:$0x3FBB] =	sst s10  }
0x35: {  	s10 =	sld [smem:$0x3FBA];
	_ =	sdelay $0x3  }
0x36: {  	p1 =	seq.s32 s10, $0x1;
	s10 =	sld [smem:$0x3FBB];
	_ =	sdelay $0x3  }
0x37: {  	[smem:$0x3FBB] =	sst s10  }
0x38: {  	s10 =	sld [smem:$0x3FBC]  }
0x39: {  	_ = 	snop;
	(pc) =	sbr.ind lr, $3  }
0x3a: {  	_ = 	snop  }
0x3b: {  	_ = 	snop  }
0x3c: {  	p2 =	seq.s32 s10, $0x1;
	s10 =	sld [smem:$0x3FBB]  }
0x3d: {  	_ =	shalt  }
0x3e: {  	_ =	shalt  }
0x3f: {  	_ =	shalt  }
0x40: {  	_ =	shalt  }
0x41: {  	_ =	shalt  }
0x42: {  	_ =	shalt  }
0x43: {  	_ =	shalt  }
0x44: {  	_ =	shalt  }
0x45: {  	_ =	shalt  }
0x46: {  	_ =	shalt  }
0x47: {  	_ =	shalt  }
0x48: {  	_ =	shalt  }
0x49: {  	_ =	shalt  }
0x4a: {  	_ =	shalt  }
0x4b: {  	_ =	shalt  }
0x4c: {  	_ =	shalt  }
0x4d: {  	_ =	shalt  }
0x4e: {  	_ =	shalt  }
0x4f: {  	_ =	shalt  }
0x50: {  	_ =	shalt  }
0x51: {  	_ =	shalt  }
0x52: {  	_ =	shalt  }
0x53: {  	_ =	shalt  }
0x54: {  	_ =	shalt  }
0x55: {  	_ =	shalt  }
0x56: {  	_ =	shalt  }
0x57: {  	_ =	shalt  }
0x58: {  	_ =	shalt  }
0x59: {  	_ =	shalt  }
0x5a: {  	_ =	shalt  }
0x5b: {  	_ =	shalt  }
0x5c: {  	_ =	shalt  }
0x5d: {  	_ =	shalt  }
0x5e: {  	_ =	shalt  }
0x5f: {  	_ =	shalt  }
0x60: {  	_ =	shalt  }
0x61: {  	_ =	shalt  }
0x62: {  	_ =	shalt  }
0x63: {  	_ =	shalt  }
0x64: {  	_ =	shalt  }
0x65: {  	_ =	shalt  }
0x66: {  	_ =	shalt  }
0x67: {  	_ =	shalt  }
0x68: {  	_ =	shalt  }
0x69: {  	_ =	shalt  }
0x6a: {  	_ =	shalt  }
0x6b: {  	_ =	shalt  }
0x6c: {  	_ =	shalt  }
0x6d: {  	_ =	shalt  }
0x6e: {  	_ =	shalt  }
0x6f: {  	_ =	shalt  }
0x70: {  	_ =	shalt  }
0x71: {  	_ =	shalt  }
0x72: {  	_ =	shalt  }
0x73: {  	_ =	shalt  }
0x74: {  	_ =	shalt  }
0x75: {  	_ =	shalt  }
0x76: {  	_ =	shalt  }
0x77: {  	_ =	shalt  }
0x78: {  	_ =	shalt  }
0x79: {  	_ =	shalt  }
0x7a: {  	_ =	shalt  }
0x7b: {  	_ =	shalt  }
0x7c: {  	_ =	shalt  }
0x7d: {  	_ =	shalt  }
0x7e: {  	_ =	shalt  }
0x7f: {  	_ =	shalt  }
0x80: {  	_ =	shalt  }
0x81: {  	_ =	shalt  }
0x82: {  	_ =	shalt  }
0x83: {  	_ =	shalt  }
0x84: {  	_ =	shalt  }
0x85: {  	_ =	shalt  }
0x86: {  	_ =	shalt  }
0x87: {  	_ =	shalt  }
.Lfunc_end0:
.L_simem_size_0:
called_computation_lowered:
.L_overlay_start_0:
0x88: {  	s2 =	sld [smem:$0x3FD9]  }
0x89: {  	s3 =	sld [smem:$0x3FFE];
	_ =	sdelay $0x1  }
0x8a: {  	s1 =	srdreg.scid  }
0x8b: {  	s0 =	sand.u32 $0x1, s1  }
0x8c: {  	s16 =	sshll.u32 s0, $0xA;
	s2 =	sadd.s32 s3, s2  }
0x8d: {  	s2 =	sadd.s32 s2, s16  }
0x8e: {  	[smem:$0x3FC7] =	sst s2  }
0x8f: {  	_ = 	snop  }
0x90: {  	(tm) =	ssettm $0x1  }
0x91: {  	s17 =	sld [smem:$0x3FFB];
	_ =	sdelay $0x3  }
0x92: {  	_ =	strace s17  }
0x93: {  	s2 =	sld [smem:$0x3FFC];
	_ =	sdelay $0x3  }
0x94: {  	_ =	strace s2  }
0x95: {  	s2 =	sld [smem:$0x3FFD];
	_ =	sdelay $0x3  }
0x96: {  	_ =	strace s2  }
0x97: {  	_ =	strace $0x8FFFFFFF  }
0x98: {  	s18 =	sld [smem:$0x3FDB];
	_ =	sdelay $0x1  }
0x99: {  	s19 =	simm.s32 $_scs_section_size  }
0x9a: {  	s4 =	simm.s32 $_size__tile_overlayer_lowered;
	s5 =	simm.s32 $_tile_overlayer_lowered  }
0x9b: {  	s22 =	simm.s32 $0x1BFF;
	s21 =	sshll.u32 s5, $0x1;
	s2 =	sadd.s32 s19, s18  }
0x9c: {  	s6 =	simm.s32 $0x0;
	s20 =	sshll.u32 s4, $0x1;
	s4 =	sadd.s32 s21, s2  }
0x9d: {  	[timem:s6], [sflag:s22] =	dma.local [hbm:s4], s20  }
0x9e: {  	_ =	swait.ge [sflag:s22], s20  }
0x9f: {  	s3 =	ssub.s32 $0x0, s20;
	[sflag:s22] =	ssyncset.done $0x0  }
0xa0: {  	[sflag:s22] =	ssyncadd.s32 s3;
	_ =	sdelay $0x1  }
0xa1: {  	s23 =	simm.s32 $0x1B8B  }
0xa2: {  	_ =	swait.ge [sflag:s23], $0x1  }
0xa3: {  	[sflag:s23] =	ssyncset.done $0x0  }
0xa4: {  	s25 =	simm.s32 $0x1B8E;
	s24 =	sld [smem:$0x3FFE];
	[sflag:s23] =	ssyncadd.s32 $0xFFFFFFFF  }
0xa5: {  	s26 =	simm.s32 $execute0_lowered;
	[smem:$0x3FD2] =	sst s25  }
0xa6: {  	s4 =	sshll.u32 s26, $0x1;
	_ =	strace $0x80000046;
	[dreg:$0x1] =	wrdreg $0xFFFFFFFF  }
0xa7: {  	s28 =	simm.s32 $_size_execute0_lowered;
	s2 =	sadd.s32 s2, s4;
	[dreg:$0x0] =	wrdreg $0x0  }
0xa8: {  	s4 =	sshll.u32 s28, $0x1;
	[dreg:$0x2] =	wrdreg s2  }
0xa9: {  	[dreg:$0x3] =	wrdreg s4  }
0xaa: {  	[dreg:$0x4] =	wrdreg $0xC0  }
0xab: {  	_ =	task [dreg:s6], $0x5FFFF  }
0xac: {  	[dreg:$0x1] =	wrdreg $0xFFFFFFFF  }
0xad: {  	[dreg:$0x0] =	wrdreg $0x60  }
0xae: {  	[dreg:$0x2] =	wrdreg s24  }
0xaf: {  	[dreg:$0x3] =	wrdreg $0x9  }
0xb0: {  	_ =	task.clear_ibuf [dreg:s6], $0x4FFFF;
	_ =	strace $0x90000046  }
0xb1: {  	s29 =	simm.s32 $0x9;
	_ =	strace $0x80000048  }
0xb2: {  	_ =	swait.ge [sflag:s29], $0x1  }
0xb3: {  	[sflag:s29] =	ssyncadd.s32 $0xFFFFFFFF  }
0xb4: {  	_ =	strace $0x90000048  }
0xb5: {  	_ =	sfence  }
0xb6: {  	s30 =	sld [smem:$0x0];
	_ =	sdelay $0x2  }
0xb7: {  	s31 =	sshll.u32 s1, $0xD;
	s1 =	sshrl.u32 s1, $0x2  }
0xb8: {  	s3 =	sand.u32 $0x4000, s31;
	s1 =	sadd.s32 s1, s30  }
0xb9: {  	s0 =	sor.u32 s3, s0;
	s1 =	sshll.u32 s1, $0x11  }
0xba: {  	s0 =	sor.u32 s1, s0  }
0xbb: {  	s0 =	sadd.s32 $0x8F2B, s0  }
0xbc: {  	[sflag:s0] =	ssyncadd.remote.s32 $0x1  }
0xbd: {  	_ =	sfence.sel $0xFFFF  }
0xbe: {  	[dreg:$0x0] =	wrdreg $0xFFFFFFFF;
	(pc) =	sbr.abs _section_cstart, $3  }
0xbf: {  	[dreg:$0x1] =	wrdreg $0xFFFFFFFF  }
0xc0: {  	_ =	task.clear_ibuf [dreg:s6], $0x2FFFF;
	_ =	strace $0x9FFFFFFF  }
0xc1: {  	(tm) =	ssettm $0x7FFFFFFF  }
tec
execute0_lowered:
.L_overlay_start_1:
0x0: {  	(tag) =	ssettag $0x1  }
0x1: {  	s7 =	rddreg [dreg:$0x0]  }
0x2: {  	s1 =	srdreg.scid;
	s0 =	rddreg [dreg:$0x1];
	s2 =	simm.s32 $0x0  }
0x3: {  	s10 =	simm.s32 $0x1;
	s11 =	simm.s32 $0xF80;
	s12 =	simm.s32 $0x1F00  }
0x4: {  	s13 =	simm.s32 $0x5F80;
	s14 =	simm.s32 $0xA000;
	s15 =	simm.s32 $0xE080  }
0x5: {  	s17 =	simm.s32 $0x0;
	s4 =	sand.u32 $0x1, s1;
	[smem:$0x7FF] =	sst s2  }
0x6: {  	s1 =	stileid.u32;
	s3 =	sshll.u32 s4, $0x4;
	_ =	strace $0x80000047  }
0x7: {  	s6 =	ssub.s32 $0x2, s4;
	s4 =	sadd.s32 $0x400, s7;
	s16 =	sor.u32 s1, s3  }
0x8: {  	s3 =	sadd.s32 $0x1EE00, s7;
	s31 =	sshrl.u32 s6, $0x1;
	s5 =	sshll.u32 s16, $0x8  }
0x9: {  	s9 =	ssub.s32 s6, s31;
	s6 =	sadd.s32 $0x3D600, s7;
	p0 =	sne.s32 s16, $0x1F  }
0xa: {  	v1 =	vlaneseq.u32;
	s8 =	sadd.s32 s5, s7;
	s5 =	smul.u32 $0x7A00, s16;
	s7 =	sadd.s32 $0x1EC00, s7  }
0xb: {  	v0 =	vimm.f32 $0.0e+00;
	v2 =	vimm.f32 $1.000000000e+00;
	v1 =	vmul.u32 $0x401, v1;
	s9 =	smax.u32 s9, $0x1;
	s16 =	simm.s32 $0x12100;
	s8 =	sadd.s32 $0x3D800, s8  }
.LBB2_1:
0xc: {  	s18 =	simm.s32 $0x40;
	s19 =	simm.s32 $0x0  }
.LBB2_2:
0xd: {  	p1 =	sne.s32 s18, $0x10000;
	[tilespmem:s19+$0x1F00] =	vst v0;
	s20 =	smov.u32 s18;
	s18 =	sadd.s32 $0x40, s18  }
.Ltmp0:
0xe: {  	[tilespmem:s19+$0x5F80] =	vst v0;
	(pc) =	sbr.rel @p1 .LBB2_2-.Ltmp0, $2  }
0xf: {  	_ =	sdelay $0x2  }
0x10: {  	s19 =	sshra.s32 s20, $0x2  }
0x11: {  	[tilespmem:s19+$0x1F00] =	vst v0  }
0x12: {  	s18 =	simm.s32 $0x0;
	[tilespmem:s19+$0x5F80] =	vst v0;
	s19 =	simm.s32 $0x40;
	s20 =	simm.s32 $0x0  }
.LBB2_4:
0x13: {  	p1 =	sne.s32 s19, $0x10000;
	[tilespmem:s20+$0xA000] =	vst v0;
	s21 =	smov.u32 s19;
	s19 =	sadd.s32 $0x40, s19  }
.Ltmp1:
0x14: {  	[tilespmem:s20+$0xE080] =	vst v0;
	(pc) =	sbr.rel @p1 .LBB2_4-.Ltmp1, $2  }
0x15: {  	_ =	sdelay $0x2  }
0x16: {  	s20 =	sshra.s32 s21, $0x2  }
0x17: {  	[tilespmem:s20+$0xA000] =	vst v0  }
0x18: {  	[tilespmem:s20+$0xE080] =	vst v0  }
.LBB2_6:
0x19: {  	s19 =	smul.u32 $0xF40, s18;
	_ =	sdelay $0x1  }
0x1a: {  	s19 =	sadd.s32 s5, s19  }
0x1b: {  	s19 =	sshrl.u32 s19, $0x3  }
0x1c: {  	s20 =	sadd.s32 s3, s19  }
0x1d: {  	[tilespmem:s2], [sflag:$0x1] =	stream.linear.gather [hbm4b:s20+s2], $0xF40, $0x38;
	[tilespmem:$0x12900] =	vst v63  }
0x1e: {  	_ =	swait.ge [sflag:s10], $0xF40  }
0x1f: {  	[sflag:s10] =	ssyncset.done $0x0  }
0x20: {  	s19 =	sadd.s32 s4, s19;
	[sflag:s10] =	ssyncadd.s32 $0xFFFFF0C0  }
0x21: {  	[tilespmem:s11], [sflag:$0x1] =	stream.linear.gather [hbm4b:s19+s2], $0xF40, $0x38;
	[tilespmem:$0x12900] =	vst v63  }
0x22: {  	_ =	swait.ge [sflag:s10], $0xF40  }
0x23: {  	[sflag:s10] =	ssyncset.done $0x0  }
0x24: {  	s21 =	simm.s32 $0x20;
	[sflag:s10] =	ssyncadd.s32 $0xFFFFF0C0  }
0x25: {  	s23 =	simm.s32 $0xFA0;
	v3 =	vld [tilespmem:s21+$0x0]  }
0x26: {  	v4 =	vld [tilespmem:s23+$0x0];
	_ =	sdelay $0x4  }
0x27: {  	v3 =	vsub.f32 v4, v3;
	_ =	sdelay $0x1  }
0x28: {  	v4 =	vmul.f32 $5.120000000e+02, v3  }
0x29: {  	v5 =	vld [tilespmem:s23+$0xFFFFFFE0]  }
0x2a: {  	v6 =	vld [tilespmem:s21+$0xFFFFFFE0];
	v4 =	vtrunc.f32 v4  }
0x2b: {  	v4 =	vcvt.f32.s32 v4;
	_ =	sdelay $0x1  }
0x2c: {  	v4 =	vadd.s32 v1, v4;
	_ =	sdelay $0x1  }
0x2d: {  	s20 =	simm.s32 $0xFE0;
	v5 =	vsub.f32 v5, v6  }
0x2e: {  	s19 =	simm.s32 $0x60;
	v7 =	vld [tilespmem:s20+$0x0]  }
0x2f: {  	v6 =	vld [tilespmem:s19+$0x0];
	v3 =	vmul.f32 v3, v3;
	v8 =	vmul.f32 $5.120000000e+02, v5  }
0x30: {  	[tilespmem:v4+s12+$0x0] =	vst.idx.add.f32.msk $0xffff, v2  }
0x31: {  	[tilespmem:v4+s13+$0x0] =	vst.idx.add.f32.msk $0xffff, v3;
	v3 =	vtrunc.f32 v8  }
0x32: {  	v8 =	vld [tilespmem:s21+$0x10];
	v3 =	vcvt.f32.s32 v3  }
0x33: {  	v9 =	vld [tilespmem:s23+$0x10]  }
0x34: {  	v10 =	vadd.s32 v1, v3  }
0x35: {  	v4 =	vsub.f32 v7, v6;
	_ =	sdelay $0x1  }
0x36: {  	v11 =	vld [tilespmem:s20+$0xFFFFFFE0];
	v6 =	vmul.f32 $5.120000000e+02, v4  }
0x37: {  	v12 =	vld [tilespmem:s19+$0xFFFFFFE0];
	v5 =	vmul.f32 v5, v5;
	v3 =	vsub.f32 v9, v8  }
0x38: {  	v6 =	vtrunc.f32 v6;
	[tilespmem:v10+s12+$0x0] =	vst.idx.add.f32.msk $0xffff, v2  }
0x39: {  	v6 =	vcvt.f32.s32 v6;
	v7 =	vmul.f32 $5.120000000e+02, v3;
	[tilespmem:v10+s13+$0x0] =	vst.idx.add.f32.msk $0xffff, v5  }
0x3a: {  	v5 =	vld [tilespmem:s21+$0xFFFFFFF0]  }
0x3b: {  	v8 =	vtrunc.f32 v7;
	v7 =	vadd.s32 v1, v6;
	v6 =	vld [tilespmem:s23+$0xFFFFFFF0]  }
0x3c: {  	v9 =	vsub.f32 v11, v12  }
0x3d: {  	s22 =	simm.s32 $0x2;
	s23 =	simm.s32 $0xA0;
	s21 =	simm.s32 $0xFE0;
	v8 =	vcvt.f32.s32 v8  }
.LBB2_7:
0x3e: {  	v10 =	vld [tilespmem:s23+$0x0];
	v11 =	vmul.f32 $5.120000000e+02, v9;
	v9 =	vmul.f32 v9, v9;
	s20 =	sadd.s32 $0x40, s20  }
0x3f: {  	v4 =	vmul.f32 v4, v4;
	v12 =	vld [tilespmem:s20+$0x0];
	v8 =	vadd.s32 v1, v8  }
0x40: {  	v11 =	vtrunc.f32 v11;
	[tilespmem:v7+s12+$0x0] =	vst.idx.add.f32.msk $0xffff, v2;
	v5 =	vsub.f32 v6, v5  }
0x41: {  	v6 =	vcvt.f32.s32 v11;
	[tilespmem:v7+s13+$0x0] =	vst.idx.add.f32.msk $0xffff, v4  }
0x42: {  	s22 =	sadd.s32 $0x2, s22;
	v7 =	vld [tilespmem:s19+$0x10];
	v11 =	vmul.f32 $5.120000000e+02, v5;
	v13 =	vmul.f32 v5, v5  }
0x43: {  	v3 =	vmul.f32 v3, v3;
	p1 =	slt.u32 s22, $0x78;
	v5 =	vadd.s32 v1, v6;
	v6 =	vld [tilespmem:s21+$0x10]  }
0x44: {  	v4 =	vsub.f32 v12, v10;
	v10 =	vtrunc.f32 v11;
	[tilespmem:v8+s14+$0x0] =	vst.idx.add.f32.msk $0xffff, v2  }
0x45: {  	v10 =	vcvt.f32.s32 v10;
	[tilespmem:v8+s15+$0x0] =	vst.idx.add.f32.msk $0xffff, v3  }
0x46: {  	v8 =	vld [tilespmem:s20+$0xFFFFFFE0];
	v3 =	vmul.f32 $5.120000000e+02, v4  }
0x47: {  	v11 =	vld [tilespmem:s23+$0xFFFFFFE0];
	v10 =	vadd.s32 v1, v10  }
0x48: {  	v12 =	vtrunc.f32 v3;
	[tilespmem:v5+s12+$0x0] =	vst.idx.add.f32.msk $0xffff, v2;
	v3 =	vsub.f32 v6, v7  }
.Ltmp2:
0x49: {  	v6 =	vcvt.f32.s32 v12;
	[tilespmem:v5+s13+$0x0] =	vst.idx.add.f32.msk $0xffff, v9;
	(pc) =	sbr.rel @p1 .LBB2_7-.Ltmp2, $4  }
0x4a: {  	v5 =	vld [tilespmem:s19+$0xFFFFFFF0];
	v12 =	vmul.f32 $5.120000000e+02, v3;
	s19 =	smov.u32 s23  }
0x4b: {  	v7 =	vadd.s32 v1, v6;
	v6 =	vld [tilespmem:s21+$0xFFFFFFF0];
	s21 =	smov.u32 s20  }
0x4c: {  	v9 =	vsub.f32 v8, v11;
	v8 =	vtrunc.f32 v12;
	[tilespmem:v10+s14+$0x0] =	vst.idx.add.f32.msk $0xffff, v2  }
0x4d: {  	s23 =	sadd.s32 $0x40, s23;
	v8 =	vcvt.f32.s32 v8;
	[tilespmem:v10+s15+$0x0] =	vst.idx.add.f32.msk $0xffff, v13  }
0x4e: {  	v10 =	vmul.f32 $5.120000000e+02, v9;
	_ =	sdelay $0x1  }
0x4f: {  	v10 =	vtrunc.f32 v10  }
0x50: {  	v10 =	vcvt.f32.s32 v10;
	_ =	sdelay $0x1  }
0x51: {  	v4 =	vmul.f32 v4, v4;
	v10 =	vadd.s32 v1, v10  }
0x52: {  	[tilespmem:v7+s12+$0x0] =	vst.idx.add.f32.msk $0xffff, v2  }
0x53: {  	[tilespmem:v7+s13+$0x0] =	vst.idx.add.f32.msk $0xffff, v4  }
0x54: {  	v4 =	vld [tilespmem:s19+$0x10]  }
0x55: {  	v61 =	vmul.f32 v9, v9;
	v62 =	vld [tilespmem:s21+$0x10]  }
0x56: {  	[tilespmem:v10+s12+$0x0] =	vst.idx.add.f32.msk $0xffff, v2  }
0x57: {  	[tilespmem:v10+s13+$0x0] =	vst.idx.add.f32.msk $0xffff, v61  }
0x58: {  	v7 =	vld [tilespmem:s19+$0xFFFFFFF0]  }
0x59: {  	v10 =	vld [tilespmem:s21+$0xFFFFFFF0]  }
0x5a: {  	v5 =	vsub.f32 v6, v5;
	_ =	sdelay $0x1  }
0x5b: {  	v6 =	vmul.f32 $5.120000000e+02, v5;
	v4 =	vsub.f32 v62, v4;
	_ =	sdelay $0x1  }
0x5c: {  	v6 =	vtrunc.f32 v6;
	v9 =	vmul.f32 $5.120000000e+02, v4;
	v7 =	vsub.f32 v10, v7  }
0x5d: {  	v8 =	vadd.s32 v1, v8;
	v6 =	vcvt.f32.s32 v6  }
0x5e: {  	v9 =	vtrunc.f32 v9;
	v10 =	vmul.f32 $5.120000000e+02, v7  }
0x5f: {  	v6 =	vadd.s32 v1, v6;
	v9 =	vcvt.f32.s32 v9  }
0x60: {  	v10 =	vtrunc.f32 v10  }
0x61: {  	v3 =	vmul.f32 v3, v3;
	v9 =	vadd.s32 v1, v9;
	v10 =	vcvt.f32.s32 v10  }
0x62: {  	[tilespmem:v8+s14+$0x0] =	vst.idx.add.f32.msk $0xffff, v2  }
0x63: {  	s18 =	sadd.s32 $0x1, s18;
	v5 =	vmul.f32 v5, v5;
	[tilespmem:v8+s15+$0x0] =	vst.idx.add.f32.msk $0xffff, v3;
	v3 =	vadd.s32 v1, v10  }
0x64: {  	p1 =	sne.s32 s18, $0x8;
	[tilespmem:v6+s14+$0x0] =	vst.idx.add.f32.msk $0xffff, v2  }
.Ltmp3:
0x65: {  	v4 =	vmul.f32 v4, v4;
	[tilespmem:v6+s15+$0x0] =	vst.idx.add.f32.msk $0xffff, v5;
	(pc) =	sbr.rel @p1 .LBB2_6-.Ltmp3, $4  }
0x66: {  	[tilespmem:v9+s14+$0x0] =	vst.idx.add.f32.msk $0xffff, v2  }
0x67: {  	v63 =	vmul.f32 v7, v7;
	[tilespmem:v9+s15+$0x0] =	vst.idx.add.f32.msk $0xffff, v4  }
0x68: {  	[tilespmem:v3+s14+$0x0] =	vst.idx.add.f32.msk $0xffff, v2  }
0x69: {  	[tilespmem:v3+s15+$0x0] =	vst.idx.add.f32.msk $0xffff, v63  }
.Ltmp4:
0x6a: {  	(pc) =	sbr.rel @p0 .LBB2_13-.Ltmp4, $1  }
0x6b: {  	_ =	sdelay $0x3  }
0x6c: {  	[tilespmem:s2], [sflag:$0x1] =	stream.linear.gather [hbm4b:s6+s2], $0x240, $0x38;
	[tilespmem:$0x12900] =	vst v63  }
0x6d: {  	_ =	swait.ge [sflag:s10], $0x240  }
0x6e: {  	[sflag:s10] =	ssyncset.done $0x0  }
0x6f: {  	[sflag:s10] =	ssyncadd.s32 $0xFFFFFDC0  }
0x70: {  	[tilespmem:s11], [sflag:$0x1] =	stream.linear.gather [hbm4b:s7+s2], $0x240, $0x38;
	[tilespmem:$0x12900] =	vst v63  }
0x71: {  	_ =	swait.ge [sflag:s10], $0x240  }
0x72: {  	[sflag:s10] =	ssyncset.done $0x0  }
0x73: {  	s20 =	simm.s32 $0x20;
	[sflag:s10] =	ssyncadd.s32 $0xFFFFFDC0  }
0x74: {  	s22 =	simm.s32 $0xFA0;
	v3 =	vld [tilespmem:s20+$0x0]  }
0x75: {  	v4 =	vld [tilespmem:s22+$0x0];
	_ =	sdelay $0x4  }
0x76: {  	v3 =	vsub.f32 v4, v3;
	_ =	sdelay $0x1  }
0x77: {  	v4 =	vmul.f32 $5.120000000e+02, v3  }
0x78: {  	v5 =	vld [tilespmem:s22+$0xFFFFFFE0]  }
0x79: {  	v6 =	vld [tilespmem:s20+$0xFFFFFFE0];
	v4 =	vtrunc.f32 v4  }
0x7a: {  	v4 =	vcvt.f32.s32 v4;
	_ =	sdelay $0x1  }
0x7b: {  	v4 =	vadd.s32 v1, v4;
	_ =	sdelay $0x1  }
0x7c: {  	s19 =	simm.s32 $0xFE0;
	v5 =	vsub.f32 v5, v6  }
0x7d: {  	s18 =	simm.s32 $0x60;
	v7 =	vld [tilespmem:s19+$0x0]  }
0x7e: {  	v6 =	vld [tilespmem:s18+$0x0];
	v3 =	vmul.f32 v3, v3;
	v8 =	vmul.f32 $5.120000000e+02, v5  }
0x7f: {  	[tilespmem:v4+s12+$0x0] =	vst.idx.add.f32.msk $0xffff, v2  }
0x80: {  	[tilespmem:v4+s13+$0x0] =	vst.idx.add.f32.msk $0xffff, v3;
	v3 =	vtrunc.f32 v8  }
0x81: {  	v8 =	vld [tilespmem:s20+$0x10];
	v3 =	vcvt.f32.s32 v3  }
0x82: {  	v9 =	vld [tilespmem:s22+$0x10]  }
0x83: {  	v10 =	vadd.s32 v1, v3  }
0x84: {  	v4 =	vsub.f32 v7, v6;
	_ =	sdelay $0x1  }
0x85: {  	v11 =	vld [tilespmem:s19+$0xFFFFFFE0];
	v6 =	vmul.f32 $5.120000000e+02, v4  }
0x86: {  	v12 =	vld [tilespmem:s18+$0xFFFFFFE0];
	v5 =	vmul.f32 v5, v5;
	v3 =	vsub.f32 v9, v8  }
0x87: {  	v6 =	vtrunc.f32 v6;
	[tilespmem:v10+s12+$0x0] =	vst.idx.add.f32.msk $0xffff, v2  }
0x88: {  	v6 =	vcvt.f32.s32 v6;
	v7 =	vmul.f32 $5.120000000e+02, v3;
	[tilespmem:v10+s13+$0x0] =	vst.idx.add.f32.msk $0xffff, v5  }
0x89: {  	v5 =	vld [tilespmem:s20+$0xFFFFFFF0]  }
0x8a: {  	v8 =	vtrunc.f32 v7;
	v7 =	vadd.s32 v1, v6;
	v6 =	vld [tilespmem:s22+$0xFFFFFFF0]  }
0x8b: {  	v9 =	vsub.f32 v11, v12  }
0x8c: {  	s21 =	simm.s32 $0x2;
	s22 =	simm.s32 $0xA0;
	s20 =	simm.s32 $0xFE0;
	v8 =	vcvt.f32.s32 v8  }
.LBB2_11:
0x8d: {  	v10 =	vld [tilespmem:s22+$0x0];
	v11 =	vmul.f32 $5.120000000e+02, v9;
	v9 =	vmul.f32 v9, v9;
	s19 =	sadd.s32 $0x40, s19  }
0x8e: {  	v4 =	vmul.f32 v4, v4;
	v12 =	vld [tilespmem:s19+$0x0];
	v8 =	vadd.s32 v1, v8  }
0x8f: {  	v11 =	vtrunc.f32 v11;
	[tilespmem:v7+s12+$0x0] =	vst.idx.add.f32.msk $0xffff, v2;
	v5 =	vsub.f32 v6, v5  }
0x90: {  	v6 =	vcvt.f32.s32 v11;
	[tilespmem:v7+s13+$0x0] =	vst.idx.add.f32.msk $0xffff, v4  }
0x91: {  	s21 =	sadd.s32 $0x2, s21;
	v7 =	vld [tilespmem:s18+$0x10];
	v11 =	vmul.f32 $5.120000000e+02, v5;
	v13 =	vmul.f32 v5, v5  }
0x92: {  	v3 =	vmul.f32 v3, v3;
	p1 =	slt.u32 s21, $0x10;
	v5 =	vadd.s32 v1, v6;
	v6 =	vld [tilespmem:s20+$0x10]  }
0x93: {  	v4 =	vsub.f32 v12, v10;
	v10 =	vtrunc.f32 v11;
	[tilespmem:v8+s14+$0x0] =	vst.idx.add.f32.msk $0xffff, v2  }
0x94: {  	v10 =	vcvt.f32.s32 v10;
	[tilespmem:v8+s15+$0x0] =	vst.idx.add.f32.msk $0xffff, v3  }
0x95: {  	v8 =	vld [tilespmem:s19+$0xFFFFFFE0];
	v3 =	vmul.f32 $5.120000000e+02, v4  }
0x96: {  	v11 =	vld [tilespmem:s22+$0xFFFFFFE0];
	v10 =	vadd.s32 v1, v10  }
0x97: {  	v12 =	vtrunc.f32 v3;
	[tilespmem:v5+s12+$0x0] =	vst.idx.add.f32.msk $0xffff, v2;
	v3 =	vsub.f32 v6, v7  }
.Ltmp5:
0x98: {  	v6 =	vcvt.f32.s32 v12;
	[tilespmem:v5+s13+$0x0] =	vst.idx.add.f32.msk $0xffff, v9;
	(pc) =	sbr.rel @p1 .LBB2_11-.Ltmp5, $4  }
0x99: {  	v5 =	vld [tilespmem:s18+$0xFFFFFFF0];
	v12 =	vmul.f32 $5.120000000e+02, v3;
	s18 =	smov.u32 s22  }
0x9a: {  	v7 =	vadd.s32 v1, v6;
	v6 =	vld [tilespmem:s20+$0xFFFFFFF0];
	s20 =	smov.u32 s19  }
0x9b: {  	v9 =	vsub.f32 v8, v11;
	v8 =	vtrunc.f32 v12;
	[tilespmem:v10+s14+$0x0] =	vst.idx.add.f32.msk $0xffff, v2  }
0x9c: {  	s22 =	sadd.s32 $0x40, s22;
	v8 =	vcvt.f32.s32 v8;
	[tilespmem:v10+s15+$0x0] =	vst.idx.add.f32.msk $0xffff, v13  }
0x9d: {  	v10 =	vmul.f32 $5.120000000e+02, v9;
	_ =	sdelay $0x1  }
0x9e: {  	v10 =	vtrunc.f32 v10  }
0x9f: {  	v10 =	vcvt.f32.s32 v10;
	_ =	sdelay $0x1  }
0xa0: {  	v4 =	vmul.f32 v4, v4;
	v10 =	vadd.s32 v1, v10  }
0xa1: {  	[tilespmem:v7+s12+$0x0] =	vst.idx.add.f32.msk $0xffff, v2  }
0xa2: {  	[tilespmem:v7+s13+$0x0] =	vst.idx.add.f32.msk $0xffff, v4  }
0xa3: {  	v4 =	vld [tilespmem:s18+$0x10]  }
0xa4: {  	v61 =	vmul.f32 v9, v9;
	v62 =	vld [tilespmem:s20+$0x10]  }
0xa5: {  	[tilespmem:v10+s12+$0x0] =	vst.idx.add.f32.msk $0xffff, v2  }
0xa6: {  	[tilespmem:v10+s13+$0x0] =	vst.idx.add.f32.msk $0xffff, v61  }
0xa7: {  	v7 =	vld [tilespmem:s18+$0xFFFFFFF0]  }
0xa8: {  	v10 =	vld [tilespmem:s20+$0xFFFFFFF0]  }
0xa9: {  	v5 =	vsub.f32 v6, v5;
	_ =	sdelay $0x1  }
0xaa: {  	v6 =	vmul.f32 $5.120000000e+02, v5;
	v4 =	vsub.f32 v62, v4;
	_ =	sdelay $0x1  }
0xab: {  	v6 =	vtrunc.f32 v6;
	v9 =	vmul.f32 $5.120000000e+02, v4;
	v7 =	vsub.f32 v10, v7  }
0xac: {  	v8 =	vadd.s32 v1, v8;
	v6 =	vcvt.f32.s32 v6  }
0xad: {  	v9 =	vtrunc.f32 v9;
	v10 =	vmul.f32 $5.120000000e+02, v7  }
0xae: {  	v6 =	vadd.s32 v1, v6;
	v9 =	vcvt.f32.s32 v9  }
0xaf: {  	v10 =	vtrunc.f32 v10  }
0xb0: {  	v3 =	vmul.f32 v3, v3;
	v9 =	vadd.s32 v1, v9;
	v10 =	vcvt.f32.s32 v10  }
0xb1: {  	[tilespmem:v8+s14+$0x0] =	vst.idx.add.f32.msk $0xffff, v2  }
0xb2: {  	v5 =	vmul.f32 v5, v5;
	[tilespmem:v8+s15+$0x0] =	vst.idx.add.f32.msk $0xffff, v3;
	v3 =	vadd.s32 v1, v10  }
0xb3: {  	[tilespmem:v6+s14+$0x0] =	vst.idx.add.f32.msk $0xffff, v2  }
0xb4: {  	v4 =	vmul.f32 v4, v4;
	[tilespmem:v6+s15+$0x0] =	vst.idx.add.f32.msk $0xffff, v5  }
0xb5: {  	[tilespmem:v9+s14+$0x0] =	vst.idx.add.f32.msk $0xffff, v2  }
0xb6: {  	v63 =	vmul.f32 v7, v7;
	[tilespmem:v9+s15+$0x0] =	vst.idx.add.f32.msk $0xffff, v4  }
0xb7: {  	[tilespmem:v3+s14+$0x0] =	vst.idx.add.f32.msk $0xffff, v2  }
0xb8: {  	[tilespmem:v3+s15+$0x0] =	vst.idx.add.f32.msk $0xffff, v63  }
.LBB2_13:
0xb9: {  	s18 =	simm.s32 $0x3F08  }
0xba: {  	s19 =	simm.s32 $0x7F88;
	v3 =	vld [tilespmem:s18+$0xFFFFDFF8]  }
0xbb: {  	v4 =	vld [tilespmem:s19+$0xFFFFDFF8]  }
0xbc: {  	v5 =	vld [tilespmem:s18+$0xFFFFE3F9]  }
0xbd: {  	v6 =	vld [tilespmem:s19+$0xFFFFE3F9]  }
0xbe: {  	v7 =	vld [tilespmem:s18+$0xFFFFE7FA]  }
0xbf: {  	v8 =	vld [tilespmem:s19+$0xFFFFE7FA];
	v3 =	vadd.f32 $0.0e+00, v3  }
0xc0: {  	v9 =	vld [tilespmem:s18+$0xFFFFEBFB];
	v4 =	vadd.f32 $0.0e+00, v4  }
0xc1: {  	v3 =	vadd.f32 v5, v3;
	v5 =	vld [tilespmem:s19+$0xFFFFEBFB]  }
0xc2: {  	v4 =	vadd.f32 v6, v4;
	v6 =	vld [tilespmem:s18+$0xFFFFEFFC]  }
0xc3: {  	v3 =	vadd.f32 v7, v3;
	v7 =	vld [tilespmem:s19+$0xFFFFEFFC]  }
0xc4: {  	v42 =	vld [tilespmem:s18+$0xFFFFF3FD];
	v4 =	vadd.f32 v8, v4  }
0xc5: {  	v43 =	vld [tilespmem:s19+$0xFFFFF3FD];
	v3 =	vadd.f32 v9, v3  }
0xc6: {  	v4 =	vadd.f32 v5, v4;
	v5 =	vld [tilespmem:s18+$0xFFFFF7FE]  }
0xc7: {  	v3 =	vadd.f32 v6, v3;
	v6 =	vld [tilespmem:s19+$0xFFFFF7FE]  }
0xc8: {  	v4 =	vadd.f32 v7, v4;
	v7 =	vld [tilespmem:s18+$0xFFFFFBFF]  }
0xc9: {  	v44 =	vld [tilespmem:s19+$0xFFFFFBFF];
	v3 =	vadd.f32 v42, v3  }
0xca: {  	v45 =	vld [tilespmem:s18+$0x0];
	v4 =	vadd.f32 v43, v4  }
0xcb: {  	v3 =	vadd.f32 v5, v3;
	v5 =	vld [tilespmem:s19+$0x0]  }
0xcc: {  	v4 =	vadd.f32 v6, v4;
	v6 =	vld [tilespmem:s18+$0x401]  }
0xcd: {  	v3 =	vadd.f32 v7, v3;
	v7 =	vld [tilespmem:s19+$0x401]  }
0xce: {  	v46 =	vld [tilespmem:s18+$0x802];
	v4 =	vadd.f32 v44, v4  }
0xcf: {  	v47 =	vld [tilespmem:s19+$0x802];
	v3 =	vadd.f32 v45, v3  }
0xd0: {  	v4 =	vadd.f32 v5, v4;
	v5 =	vld [tilespmem:s18+$0xC03]  }
0xd1: {  	v3 =	vadd.f32 v6, v3;
	v6 =	vld [tilespmem:s19+$0xC03]  }
0xd2: {  	v4 =	vadd.f32 v7, v4;
	v7 =	vld [tilespmem:s18+$0x1004]  }
0xd3: {  	v48 =	vld [tilespmem:s19+$0x1004];
	v3 =	vadd.f32 v46, v3  }
0xd4: {  	v49 =	vld [tilespmem:s18+$0x1405];
	v4 =	vadd.f32 v47, v4  }
0xd5: {  	v3 =	vadd.f32 v5, v3;
	v5 =	vld [tilespmem:s19+$0x1405]  }
0xd6: {  	v4 =	vadd.f32 v6, v4;
	v6 =	vld [tilespmem:s18+$0x1806]  }
0xd7: {  	v3 =	vadd.f32 v7, v3;
	v7 =	vld [tilespmem:s19+$0x1806]  }
0xd8: {  	v50 =	vld [tilespmem:s18+$0x1C07];
	v4 =	vadd.f32 v48, v4  }
0xd9: {  	v51 =	vld [tilespmem:s19+$0x1C07];
	s18 =	simm.s32 $0xC008;
	v3 =	vadd.f32 v49, v3  }
0xda: {  	s19 =	simm.s32 $0x10088;
	v4 =	vadd.f32 v5, v4;
	v5 =	vld [tilespmem:s18+$0xFFFFDFF8]  }
0xdb: {  	v3 =	vadd.f32 v6, v3;
	v6 =	vld [tilespmem:s19+$0xFFFFDFF8]  }
0xdc: {  	v4 =	vadd.f32 v7, v4;
	v7 =	vld [tilespmem:s18+$0xFFFFE3F9]  }
0xdd: {  	v52 =	vld [tilespmem:s19+$0xFFFFE3F9];
	v3 =	vadd.f32 v50, v3  }
0xde: {  	v53 =	vld [tilespmem:s18+$0xFFFFE7FA];
	v4 =	vadd.f32 v51, v4  }
0xdf: {  	v3 =	vadd.f32 v5, v3;
	v5 =	vld [tilespmem:s19+$0xFFFFE7FA]  }
0xe0: {  	v4 =	vadd.f32 v6, v4;
	v6 =	vld [tilespmem:s18+$0xFFFFEBFB]  }
0xe1: {  	v3 =	vadd.f32 v7, v3;
	v7 =	vld [tilespmem:s19+$0xFFFFEBFB]  }
0xe2: {  	v54 =	vld [tilespmem:s18+$0xFFFFEFFC];
	v4 =	vadd.f32 v52, v4  }
0xe3: {  	v55 =	vld [tilespmem:s19+$0xFFFFEFFC];
	v3 =	vadd.f32 v53, v3  }
0xe4: {  	v4 =	vadd.f32 v5, v4;
	v5 =	vld [tilespmem:s18+$0xFFFFF3FD]  }
0xe5: {  	v3 =	vadd.f32 v6, v3;
	v6 =	vld [tilespmem:s19+$0xFFFFF3FD]  }
0xe6: {  	v4 =	vadd.f32 v7, v4;
	v7 =	vld [tilespmem:s18+$0xFFFFF7FE]  }
0xe7: {  	v56 =	vld [tilespmem:s19+$0xFFFFF7FE];
	v3 =	vadd.f32 v54, v3  }
0xe8: {  	v57 =	vld [tilespmem:s18+$0xFFFFFBFF];
	v4 =	vadd.f32 v55, v4  }
0xe9: {  	v3 =	vadd.f32 v5, v3;
	v5 =	vld [tilespmem:s19+$0xFFFFFBFF]  }
0xea: {  	v4 =	vadd.f32 v6, v4;
	v6 =	vld [tilespmem:s18+$0x0]  }
0xeb: {  	v3 =	vadd.f32 v7, v3;
	v7 =	vld [tilespmem:s19+$0x0]  }
0xec: {  	v58 =	vld [tilespmem:s18+$0x401];
	v4 =	vadd.f32 v56, v4  }
0xed: {  	v59 =	vld [tilespmem:s19+$0x401];
	v3 =	vadd.f32 v57, v3  }
0xee: {  	v4 =	vadd.f32 v5, v4;
	v5 =	vld [tilespmem:s18+$0x802]  }
0xef: {  	v3 =	vadd.f32 v6, v3;
	v6 =	vld [tilespmem:s19+$0x802]  }
0xf0: {  	v4 =	vadd.f32 v7, v4;
	v7 =	vld [tilespmem:s18+$0xC03]  }
0xf1: {  	v60 =	vld [tilespmem:s19+$0xC03];
	v3 =	vadd.f32 v58, v3  }
0xf2: {  	v61 =	vld [tilespmem:s18+$0x1004];
	v4 =	vadd.f32 v59, v4  }
0xf3: {  	v3 =	vadd.f32 v5, v3;
	v5 =	vld [tilespmem:s19+$0x1004]  }
0xf4: {  	v4 =	vadd.f32 v6, v4;
	v6 =	vld [tilespmem:s18+$0x1405]  }
0xf5: {  	v3 =	vadd.f32 v7, v3;
	v7 =	vld [tilespmem:s19+$0x1405]  }
0xf6: {  	v62 =	vld [tilespmem:s18+$0x1806];
	v4 =	vadd.f32 v60, v4  }
0xf7: {  	v63 =	vld [tilespmem:s19+$0x1806];
	v3 =	vadd.f32 v61, v3  }
0xf8: {  	v4 =	vadd.f32 v5, v4;
	v5 =	vld [tilespmem:s18+$0x1C07]  }
0xf9: {  	v3 =	vadd.f32 v6, v3;
	v6 =	vld [tilespmem:s19+$0x1C07]  }
0xfa: {  	v4 =	vadd.f32 v7, v4  }
0xfb: {  	v3 =	vadd.f32 v62, v3  }
0xfc: {  	v4 =	vadd.f32 v63, v4  }
0xfd: {  	v3 =	vadd.f32 v5, v3  }
0xfe: {  	s21 =	simm.s32 $0x0;
	s20 =	simm.s32 $0x12100;
	v4 =	vadd.f32 v6, v4  }
0xff: {  	s21 =	sand.u32 $0x3F0, s21;
	[tilespmem:s20+$0x0] =	vst v3  }
0x100: {  	s22 =	simm.s32 $0x3F18;
	[tilespmem:s21+$0x12500] =	vst v4  }
0x101: {  	s23 =	simm.s32 $0x7F98;
	v3 =	vld [tilespmem:s22+$0xFFFFDFF8]  }
0x102: {  	s24 =	simm.s32 $0x20;
	s21 =	simm.s32 $0x10;
	v4 =	vld [tilespmem:s23+$0xFFFFDFF8]  }
.LBB2_14:
0x103: {  	p1 =	sne.s32 s24, $0x3F0;
	v5 =	vld [tilespmem:s22+$0xFFFFE3F9]  }
0x104: {  	v6 =	vld [tilespmem:s23+$0xFFFFE3F9]  }
0x105: {  	v7 =	vld [tilespmem:s22+$0xFFFFE7FA]  }
0x106: {  	v3 =	vadd.f32 $0.0e+00, v3;
	v8 =	vld [tilespmem:s23+$0xFFFFE7FA]  }
0x107: {  	v4 =	vadd.f32 $0.0e+00, v4;
	v9 =	vld [tilespmem:s22+$0xFFFFEBFB]  }
0x108: {  	v3 =	vadd.f32 v5, v3;
	v5 =	vld [tilespmem:s23+$0xFFFFEBFB]  }
0x109: {  	v4 =	vadd.f32 v6, v4;
	v6 =	vld [tilespmem:s22+$0xFFFFEFFC]  }
0x10a: {  	v3 =	vadd.f32 v7, v3;
	v7 =	vld [tilespmem:s23+$0xFFFFEFFC]  }
0x10b: {  	v4 =	vadd.f32 v8, v4;
	v8 =	vld [tilespmem:s22+$0xFFFFF3FD]  }
0x10c: {  	v3 =	vadd.f32 v9, v3;
	v9 =	vld [tilespmem:s23+$0xFFFFF3FD]  }
0x10d: {  	v4 =	vadd.f32 v5, v4;
	v5 =	vld [tilespmem:s22+$0xFFFFF7FE]  }
0x10e: {  	v3 =	vadd.f32 v6, v3;
	v6 =	vld [tilespmem:s23+$0xFFFFF7FE]  }
0x10f: {  	v4 =	vadd.f32 v7, v4;
	v7 =	vld [tilespmem:s22+$0xFFFFFBFF]  }
0x110: {  	v3 =	vadd.f32 v8, v3;
	v8 =	vld [tilespmem:s23+$0xFFFFFBFF]  }
0x111: {  	v4 =	vadd.f32 v9, v4;
	v9 =	vld [tilespmem:s22+$0x0]  }
0x112: {  	v3 =	vadd.f32 v5, v3;
	v5 =	vld [tilespmem:s23+$0x0]  }
0x113: {  	v4 =	vadd.f32 v6, v4;
	v6 =	vld [tilespmem:s22+$0x401]  }
0x114: {  	v3 =	vadd.f32 v7, v3;
	v7 =	vld [tilespmem:s23+$0x401]  }
0x115: {  	v4 =	vadd.f32 v8, v4;
	v8 =	vld [tilespmem:s22+$0x802]  }
0x116: {  	v3 =	vadd.f32 v9, v3;
	v9 =	vld [tilespmem:s23+$0x802]  }
0x117: {  	v4 =	vadd.f32 v5, v4;
	v5 =	vld [tilespmem:s22+$0xC03]  }
0x118: {  	v3 =	vadd.f32 v6, v3;
	v6 =	vld [tilespmem:s23+$0xC03]  }
0x119: {  	v4 =	vadd.f32 v7, v4;
	v7 =	vld [tilespmem:s22+$0x1004]  }
0x11a: {  	v3 =	vadd.f32 v8, v3;
	v8 =	vld [tilespmem:s23+$0x1004]  }
0x11b: {  	v4 =	vadd.f32 v9, v4;
	v9 =	vld [tilespmem:s22+$0x1405]  }
0x11c: {  	v3 =	vadd.f32 v5, v3;
	v5 =	vld [tilespmem:s23+$0x1405]  }
0x11d: {  	v4 =	vadd.f32 v6, v4;
	v6 =	vld [tilespmem:s22+$0x1806]  }
0x11e: {  	v3 =	vadd.f32 v7, v3;
	v7 =	vld [tilespmem:s23+$0x1806]  }
0x11f: {  	v4 =	vadd.f32 v8, v4;
	v8 =	vld [tilespmem:s22+$0x1C07]  }
0x120: {  	s18 =	sadd.s32 $0x10, s18;
	v3 =	vadd.f32 v9, v3;
	v9 =	vld [tilespmem:s23+$0x1C07]  }
0x121: {  	s19 =	sadd.s32 $0x10, s19;
	v4 =	vadd.f32 v5, v4;
	v5 =	vld [tilespmem:s18+$0xFFFFDFF8]  }
0x122: {  	v3 =	vadd.f32 v6, v3;
	v6 =	vld [tilespmem:s19+$0xFFFFDFF8]  }
0x123: {  	v4 =	vadd.f32 v7, v4;
	v7 =	vld [tilespmem:s18+$0xFFFFE3F9]  }
0x124: {  	v3 =	vadd.f32 v8, v3;
	v8 =	vld [tilespmem:s19+$0xFFFFE3F9]  }
0x125: {  	v4 =	vadd.f32 v9, v4;
	v9 =	vld [tilespmem:s18+$0xFFFFE7FA]  }
0x126: {  	v3 =	vadd.f32 v5, v3;
	v5 =	vld [tilespmem:s19+$0xFFFFE7FA]  }
0x127: {  	v4 =	vadd.f32 v6, v4;
	v6 =	vld [tilespmem:s18+$0xFFFFEBFB]  }
0x128: {  	v3 =	vadd.f32 v7, v3;
	v7 =	vld [tilespmem:s19+$0xFFFFEBFB]  }
0x129: {  	v4 =	vadd.f32 v8, v4;
	v8 =	vld [tilespmem:s18+$0xFFFFEFFC]  }
0x12a: {  	v3 =	vadd.f32 v9, v3;
	v9 =	vld [tilespmem:s19+$0xFFFFEFFC]  }
0x12b: {  	v4 =	vadd.f32 v5, v4;
	v5 =	vld [tilespmem:s18+$0xFFFFF3FD]  }
0x12c: {  	v3 =	vadd.f32 v6, v3;
	v6 =	vld [tilespmem:s19+$0xFFFFF3FD]  }
0x12d: {  	v4 =	vadd.f32 v7, v4;
	v7 =	vld [tilespmem:s18+$0xFFFFF7FE]  }
0x12e: {  	v3 =	vadd.f32 v8, v3;
	v8 =	vld [tilespmem:s19+$0xFFFFF7FE]  }
0x12f: {  	v4 =	vadd.f32 v9, v4;
	v9 =	vld [tilespmem:s18+$0xFFFFFBFF]  }
0x130: {  	v3 =	vadd.f32 v5, v3;
	v5 =	vld [tilespmem:s19+$0xFFFFFBFF]  }
0x131: {  	v4 =	vadd.f32 v6, v4;
	v6 =	vld [tilespmem:s18+$0x0]  }
0x132: {  	v3 =	vadd.f32 v7, v3;
	v7 =	vld [tilespmem:s19+$0x0]  }
0x133: {  	v4 =	vadd.f32 v8, v4;
	v8 =	vld [tilespmem:s18+$0x401]  }
0x134: {  	v3 =	vadd.f32 v9, v3;
	v9 =	vld [tilespmem:s19+$0x401]  }
0x135: {  	v4 =	vadd.f32 v5, v4;
	v5 =	vld [tilespmem:s18+$0x802]  }
0x136: {  	v3 =	vadd.f32 v6, v3;
	v6 =	vld [tilespmem:s19+$0x802]  }
0x137: {  	v4 =	vadd.f32 v7, v4;
	v7 =	vld [tilespmem:s18+$0xC03]  }
0x138: {  	v3 =	vadd.f32 v8, v3;
	v8 =	vld [tilespmem:s19+$0xC03]  }
0x139: {  	v4 =	vadd.f32 v9, v4;
	v9 =	vld [tilespmem:s18+$0x1004]  }
0x13a: {  	v3 =	vadd.f32 v5, v3;
	v5 =	vld [tilespmem:s19+$0x1004]  }
0x13b: {  	v4 =	vadd.f32 v6, v4;
	v6 =	vld [tilespmem:s18+$0x1405]  }
0x13c: {  	v3 =	vadd.f32 v7, v3;
	v7 =	vld [tilespmem:s19+$0x1405]  }
0x13d: {  	v4 =	vadd.f32 v8, v4;
	v8 =	vld [tilespmem:s18+$0x1806]  }
0x13e: {  	v3 =	vadd.f32 v9, v3;
	v9 =	vld [tilespmem:s19+$0x1806]  }
0x13f: {  	v4 =	vadd.f32 v5, v4;
	v5 =	vld [tilespmem:s18+$0x1C07]  }
0x140: {  	v3 =	vadd.f32 v6, v3;
	v6 =	vld [tilespmem:s19+$0x1C07]  }
0x141: {  	v4 =	vadd.f32 v7, v4  }
0x142: {  	v3 =	vadd.f32 v8, v3  }
0x143: {  	v4 =	vadd.f32 v9, v4  }
0x144: {  	v3 =	vadd.f32 v5, v3  }
.Ltmp6:
0x145: {  	s20 =	sadd.s32 $0x10, s20;
	v4 =	vadd.f32 v6, v4;
	(pc) =	sbr.rel @p1 .LBB2_14-.Ltmp6, $4  }
0x146: {  	s25 =	sand.u32 $0x3F0, s21;
	s21 =	smov.u32 s24;
	[tilespmem:s20+$0x0] =	vst v3  }
0x147: {  	s22 =	sadd.s32 $0x10, s22;
	[tilespmem:s25+$0x12500] =	vst v4  }
0x148: {  	s23 =	sadd.s32 $0x10, s23;
	v3 =	vld [tilespmem:s22+$0xFFFFDFF8]  }
0x149: {  	s24 =	sadd.s32 $0x10, s24;
	v4 =	vld [tilespmem:s23+$0xFFFFDFF8]  }
0x14a: {  	v5 =	vld [tilespmem:s22+$0xFFFFE3F9]  }
0x14b: {  	v6 =	vld [tilespmem:s23+$0xFFFFE3F9]  }
0x14c: {  	v7 =	vld [tilespmem:s22+$0xFFFFE7FA]  }
0x14d: {  	v8 =	vld [tilespmem:s23+$0xFFFFE7FA];
	v3 =	vadd.f32 $0.0e+00, v3  }
0x14e: {  	v9 =	vld [tilespmem:s22+$0xFFFFEBFB];
	v4 =	vadd.f32 $0.0e+00, v4  }
0x14f: {  	v59 =	vld [tilespmem:s23+$0xFFFFEBFB];
	v3 =	vadd.f32 v5, v3  }
0x150: {  	v60 =	vld [tilespmem:s22+$0xFFFFEFFC];
	v4 =	vadd.f32 v6, v4  }
0x151: {  	v61 =	vld [tilespmem:s23+$0xFFFFEFFC];
	v3 =	vadd.f32 v7, v3  }
0x152: {  	v62 =	vld [tilespmem:s22+$0xFFFFF3FD];
	v4 =	vadd.f32 v8, v4  }
0x153: {  	v63 =	vld [tilespmem:s23+$0xFFFFF3FD];
	v3 =	vadd.f32 v9, v3  }
0x154: {  	v12 =	vld [tilespmem:s22+$0xFFFFF7FE];
	v4 =	vadd.f32 v59, v4  }
0x155: {  	v13 =	vld [tilespmem:s23+$0xFFFFF7FE];
	v3 =	vadd.f32 v60, v3  }
0x156: {  	v14 =	vld [tilespmem:s22+$0xFFFFFBFF];
	v4 =	vadd.f32 v61, v4  }
0x157: {  	v15 =	vld [tilespmem:s23+$0xFFFFFBFF];
	v3 =	vadd.f32 v62, v3  }
0x158: {  	v16 =	vld [tilespmem:s22+$0x0];
	v4 =	vadd.f32 v63, v4  }
0x159: {  	v17 =	vld [tilespmem:s23+$0x0];
	v3 =	vadd.f32 v12, v3  }
0x15a: {  	v18 =	vld [tilespmem:s22+$0x401];
	v4 =	vadd.f32 v13, v4  }
0x15b: {  	v19 =	vld [tilespmem:s23+$0x401];
	v3 =	vadd.f32 v14, v3  }
0x15c: {  	v20 =	vld [tilespmem:s22+$0x802];
	v4 =	vadd.f32 v15, v4  }
0x15d: {  	v21 =	vld [tilespmem:s23+$0x802];
	v3 =	vadd.f32 v16, v3  }
0x15e: {  	v22 =	vld [tilespmem:s22+$0xC03];
	v4 =	vadd.f32 v17, v4  }
0x15f: {  	v23 =	vld [tilespmem:s23+$0xC03];
	v3 =	vadd.f32 v18, v3  }
0x160: {  	v24 =	vld [tilespmem:s22+$0x1004];
	v4 =	vadd.f32 v19, v4  }
0x161: {  	v25 =	vld [tilespmem:s23+$0x1004];
	v3 =	vadd.f32 v20, v3  }
0x162: {  	v26 =	vld [tilespmem:s22+$0x1405];
	v4 =	vadd.f32 v21, v4  }
0x163: {  	v27 =	vld [tilespmem:s23+$0x1405];
	v3 =	vadd.f32 v22, v3  }
0x164: {  	v28 =	vld [tilespmem:s22+$0x1806];
	v4 =	vadd.f32 v23, v4  }
0x165: {  	v29 =	vld [tilespmem:s23+$0x1806];
	v3 =	vadd.f32 v24, v3  }
0x166: {  	v30 =	vld [tilespmem:s22+$0x1C07];
	v4 =	vadd.f32 v25, v4  }
0x167: {  	v31 =	vld [tilespmem:s23+$0x1C07];
	s18 =	sadd.s32 $0x10, s18;
	v3 =	vadd.f32 v26, v3  }
0x168: {  	s19 =	sadd.s32 $0x10, s19;
	v32 =	vld [tilespmem:s18+$0xFFFFDFF8];
	v4 =	vadd.f32 v27, v4  }
0x169: {  	v33 =	vld [tilespmem:s19+$0xFFFFDFF8];
	v3 =	vadd.f32 v28, v3  }
0x16a: {  	v34 =	vld [tilespmem:s18+$0xFFFFE3F9];
	v4 =	vadd.f32 v29, v4  }
0x16b: {  	v35 =	vld [tilespmem:s19+$0xFFFFE3F9];
	v3 =	vadd.f32 v30, v3  }
0x16c: {  	v36 =	vld [tilespmem:s18+$0xFFFFE7FA];
	v4 =	vadd.f32 v31, v4  }
0x16d: {  	v37 =	vld [tilespmem:s19+$0xFFFFE7FA];
	v3 =	vadd.f32 v32, v3  }
0x16e: {  	v38 =	vld [tilespmem:s18+$0xFFFFEBFB];
	v4 =	vadd.f32 v33, v4  }
0x16f: {  	v39 =	vld [tilespmem:s19+$0xFFFFEBFB];
	v3 =	vadd.f32 v34, v3  }
0x170: {  	v40 =	vld [tilespmem:s18+$0xFFFFEFFC];
	v4 =	vadd.f32 v35, v4  }
0x171: {  	v41 =	vld [tilespmem:s19+$0xFFFFEFFC];
	v3 =	vadd.f32 v36, v3  }
0x172: {  	v42 =	vld [tilespmem:s18+$0xFFFFF3FD];
	v4 =	vadd.f32 v37, v4  }
0x173: {  	v43 =	vld [tilespmem:s19+$0xFFFFF3FD];
	v3 =	vadd.f32 v38, v3  }
0x174: {  	v44 =	vld [tilespmem:s18+$0xFFFFF7FE];
	v4 =	vadd.f32 v39, v4  }
0x175: {  	v45 =	vld [tilespmem:s19+$0xFFFFF7FE];
	v3 =	vadd.f32 v40, v3  }
0x176: {  	v46 =	vld [tilespmem:s18+$0xFFFFFBFF];
	v4 =	vadd.f32 v41, v4  }
0x177: {  	v47 =	vld [tilespmem:s19+$0xFFFFFBFF];
	v3 =	vadd.f32 v42, v3  }
0x178: {  	v48 =	vld [tilespmem:s18+$0x0];
	v4 =	vadd.f32 v43, v4  }
0x179: {  	v49 =	vld [tilespmem:s19+$0x0];
	v3 =	vadd.f32 v44, v3  }
0x17a: {  	v50 =	vld [tilespmem:s18+$0x401];
	v4 =	vadd.f32 v45, v4  }
0x17b: {  	v51 =	vld [tilespmem:s19+$0x401];
	v3 =	vadd.f32 v46, v3  }
0x17c: {  	v52 =	vld [tilespmem:s18+$0x802];
	v4 =	vadd.f32 v47, v4  }
0x17d: {  	v53 =	vld [tilespmem:s19+$0x802];
	v3 =	vadd.f32 v48, v3  }
0x17e: {  	v54 =	vld [tilespmem:s18+$0xC03];
	v4 =	vadd.f32 v49, v4  }
0x17f: {  	v55 =	vld [tilespmem:s19+$0xC03];
	v3 =	vadd.f32 v50, v3  }
0x180: {  	v56 =	vld [tilespmem:s18+$0x1004];
	v4 =	vadd.f32 v51, v4  }
0x181: {  	v57 =	vld [tilespmem:s19+$0x1004];
	v3 =	vadd.f32 v52, v3  }
0x182: {  	v58 =	vld [tilespmem:s18+$0x1405];
	v4 =	vadd.f32 v53, v4  }
0x183: {  	v59 =	vld [tilespmem:s19+$0x1405];
	v3 =	vadd.f32 v54, v3  }
0x184: {  	v60 =	vld [tilespmem:s18+$0x1806];
	v4 =	vadd.f32 v55, v4  }
0x185: {  	v61 =	vld [tilespmem:s19+$0x1806];
	v3 =	vadd.f32 v56, v3  }
0x186: {  	v62 =	vld [tilespmem:s18+$0x1C07];
	v4 =	vadd.f32 v57, v4  }
0x187: {  	v63 =	vld [tilespmem:s19+$0x1C07];
	v3 =	vadd.f32 v58, v3  }
0x188: {  	v4 =	vadd.f32 v59, v4  }
0x189: {  	v3 =	vadd.f32 v60, v3  }
0x18a: {  	v4 =	vadd.f32 v61, v4  }
0x18b: {  	v3 =	vadd.f32 v62, v3  }
0x18c: {  	s30 =	sadd.s32 $0x10, s20;
	s17 =	sadd.s32 $0x1, s17;
	v4 =	vadd.f32 v63, v4  }
0x18d: {  	s31 =	sand.u32 $0x3F0, s21;
	p1 =	sne.s32 s17, s9;
	[tilespmem:s30+$0x0] =	vst v3  }
.Ltmp7:
0x18e: {  	[tilespmem:s31+$0x12500] =	vst v4;
	(pc) =	sbr.rel @p1 .LBB2_1-.Ltmp7, $4  }
0x18f: {  	[hbm4b:s8+s2] =	stream.linear.scatter [tilespmem:s16], [sflag:$0x1], $0x800, $0x38;
	[tilespmem:$0x12900] =	vst v63  }
0x190: {  	_ =	swait.ge [sflag:s10], $0x800  }
0x191: {  	[sflag:s10] =	ssyncset.done $0x0  }
0x192: {  	[sflag:s10] =	ssyncadd.s32 $0xFFFFF800  }
0x193: {  	_ =	sfence.sel $0x180000  }
0x194: {  	[bflag:$0x0] =	sbarrier.arrive $0xFFFF  }
0x195: {  	p0 =	sne.s32 s1, $0x0;
	_ =	strace $0x90000047  }
0x196: {  	s0 =	sadd.s32 @!p0 $0x100000, s0;
	[bflag:$0x2] =	sbarrier.arrive $0xFFFF  }
0x197: {  	[sflag:s0] =	ssyncadd.tile.s32 @!p0 $0x1;
	_ =	shalt  }
.Lfunc_end2:
_tile_overlayer_lowered:
.L_overlay_start_2:
0x198: {  	(tag) =	ssettag $0x2  }
0x199: {  	s0 =	rddreg [dreg:$0x0];
	s2 =	stileid.u32  }
0x19a: {  	s1 =	rddreg [dreg:$0x1];
	p0 =	sne.s32 s2, $0x0  }
0x19b: {  	s3 =	rddreg [dreg:$0x2];
	[bflag:$0x3] =	sbarrier.arrive $0xFFFF;
	s2 =	simm.s32 @!p0 $0x1C01  }
0x19c: {  	[timem:s3], [sflag:s2] =	dma.local @!p0 [hbm:s0], s1  }
0x19d: {  	s0 =	simm.s32 @!p0 $0x1  }
0x19e: {  	_ =	swait.ge @!p0 [sflag:s0], s1  }
0x19f: {  	s1 =	ssub.s32 @!p0 $0x0, s1;
	[sflag:s0] =	ssyncset.done @!p0 $0x0  }
0x1a0: {  	[sflag:s0] =	ssyncadd.s32 @!p0 s1  }
0x1a1: {  	[bflag:$0x3] =	sbarrier.arrive $0xFFFF  }
0x1a2: {  	_ =	shalt  }

// kernel: kernel.8.cloned.1.call-start
scs
__scs_entry_jumppad:
0x0: {  	(pc) =	sbr.rel $0x88, $3  }
0x1: {  	(tag) =	ssettag $0x0;
	lr =	simm.s32 $0x1  }
0x2: {  	[smem:$0x3FA0] =	sst lr;
	_ =	strace $0xD0000000  }
0x3: {  	_ = 	snop  }
0x4: {  	_ = 	snop  }
0x5: {  	_ = 	snop  }
0x6: {  	_ = 	snop  }
0x7: {  	_ = 	snop  }
__scs_overlays_trampoline_lowered:
0x8: {  	[smem:$0x3FAF] =	sst s0  }
0x9: {  	[smem:$0x3FB0] =	sst s1  }
0xa: {  	[smem:$0x3FB1] =	sst s2  }
0xb: {  	[smem:$0x3FB2] =	sst s3  }
0xc: {  	[smem:$0x3FB3] =	sst s4  }
0xd: {  	[smem:$0x3FB4] =	sst s5  }
0xe: {  	[smem:$0x3FB5] =	sst s6  }
0xf: {  	[smem:$0x3FB6] =	sst s7  }
0x10: {  	[smem:$0x3FB7] =	sst s8  }
0x11: {  	[smem:$0x3FB8] =	sst s9;
	s0 =	simm.s32 @!p0 $0x0  }
0x12: {  	s1 =	sld [smem:$0x3F9E];
	s0 =	simm.s32 @p0 $0x1  }
0x13: {  	[smem:$0x3FB9] =	sst s0;
	s0 =	simm.s32 @!p1 $0x0  }
0x14: {  	s2 =	sld [smem:$0x3F9D];
	s0 =	simm.s32 @p1 $0x1  }
0x15: {  	[smem:$0x3FBA] =	sst s0;
	s0 =	simm.s32 @!p2 $0x0  }
0x16: {  	s3 =	sld [smem:$0x3FDB];
	s0 =	simm.s32 @p2 $0x1  }
0x17: {  	s4 =	simm.s32 $0x1BF5;
	[smem:$0x3FBC] =	sst s0  }
0x18: {  	s0 =	sld [smem:$0x3F9F];
	_ =	swait.ge [sflag:s4], $0x0  }
0x19: {  	s7 =	sld [smem:$0x3FA0]  }
0x1a: {  	s8 =	sadd.s32 $0xFFFFE003, lr  }
0x1b: {  	s9 =	sadd.s32 $0xFFFFFEF7, lr;
	s5 =	simm.s32 $0xFFFFFFFF;
	p2 =	slt.u32 s8, $0xFFFFF086  }
0x1c: {  	p1 =	slt.u32 s9, $0xF7A;
	s5 =	simm.s32 @!p2 $0x0  }
0x1d: {  	s5 =	simm.s32 @p1 $0x1;
	p0 =	seq.s32 s7, s2  }
0x1e: {  	s7 =	smul.u32 @!p0 $0xF7A, s2;
	p2 =	seq.s32 @!p0 s5, $0x0  }
0x1f: {  	s9 =	smul.u32 $0xF7A, s1;
	s8 =	simm.s32 @!p0 $0x1BF5;
	p2 =	por !p2, p0  }
0x20: {  	[sflag:s8] =	ssyncset.s32 @!p0 $0xFFFFF086;
	s6 =	sadd.s32 @!p0 s3, s7;
	s7 =	simm.s32 @!p0 $0x108  }
0x21: {  	s3 =	sadd.s32 s3, s9;
	s6 =	sadd.s32 @!p0 $0x88, s6;
	s7 =	simm.s32 @p2 $0x1082  }
0x22: {  	[simem:s7], [sflag:s8] =	dma.local @!p0 [hbm:s6], $0xF7A  }
0x23: {  	s9 =	sor.u32 $0xD0000000, s2;
	s6 =	simm.s32 $0x108;
	_ =	swait.ge @!p0 [sflag:s8], $0x0  }
0x24: {  	s3 =	sadd.s32 $0x88, s3;
	s6 =	simm.s32 @!p1 $0x1082;
	[sflag:s4] =	ssyncset.s32 $0xFFFFF086  }
0x25: {  	[simem:s6], [sflag:s4] =	dma.local [hbm:s3], $0xF7A  }
0x26: {  	[smem:$0x3FA0] =	sst s1;
	(tag) =	ssettag s2;
	_ =	strace s9  }
0x27: {  	s1 =	sld [smem:$0x3FB0]  }
0x28: {  	s2 =	sld [smem:$0x3FB1]  }
0x29: {  	s4 =	sld [smem:$0x3FB3]  }
0x2a: {  	p0 =	seq.s32 s5, $0x0;
	s5 =	sld [smem:$0x3FB4]  }
0x2b: {  	s6 =	sld [smem:$0x3FB5]  }
0x2c: {  	s7 =	sld [smem:$0x3FB6]  }
0x2d: {  	s3 =	simm.s32 $0x108;
	s8 =	sld [smem:$0x3FB7]  }
0x2e: {  	s3 =	simm.s32 @!p0 $0x1082;
	s9 =	sld [smem:$0x3FB8]  }
0x2f: {  	lr =	sadd.s32 s0, s3;
	s0 =	sld [smem:$0x3FAF]  }
0x30: {  	s3 =	sld [smem:$0x3FB2]  }
0x31: {  	[smem:$0x3FBB] =	sst s10  }
0x32: {  	s10 =	sld [smem:$0x3FB9];
	_ =	sdelay $0x3  }
0x33: {  	p0 =	seq.s32 s10, $0x1;
	s10 =	sld [smem:$0x3FBB];
	_ =	sdelay $0x3  }
0x34: {  	[smem:$0x3FBB] =	sst s10  }
0x35: {  	s10 =	sld [smem:$0x3FBA];
	_ =	sdelay $0x3  }
0x36: {  	p1 =	seq.s32 s10, $0x1;
	s10 =	sld [smem:$0x3FBB];
	_ =	sdelay $0x3  }
0x37: {  	[smem:$0x3FBB] =	sst s10  }
0x38: {  	s10 =	sld [smem:$0x3FBC]  }
0x39: {  	_ = 	snop;
	(pc) =	sbr.ind lr, $3  }
0x3a: {  	_ = 	snop  }
0x3b: {  	_ = 	snop  }
0x3c: {  	p2 =	seq.s32 s10, $0x1;
	s10 =	sld [smem:$0x3FBB]  }
0x3d: {  	_ =	shalt  }
0x3e: {  	_ =	shalt  }
0x3f: {  	_ =	shalt  }
0x40: {  	_ =	shalt  }
0x41: {  	_ =	shalt  }
0x42: {  	_ =	shalt  }
0x43: {  	_ =	shalt  }
0x44: {  	_ =	shalt  }
0x45: {  	_ =	shalt  }
0x46: {  	_ =	shalt  }
0x47: {  	_ =	shalt  }
0x48: {  	_ =	shalt  }
0x49: {  	_ =	shalt  }
0x4a: {  	_ =	shalt  }
0x4b: {  	_ =	shalt  }
0x4c: {  	_ =	shalt  }
0x4d: {  	_ =	shalt  }
0x4e: {  	_ =	shalt  }
0x4f: {  	_ =	shalt  }
0x50: {  	_ =	shalt  }
0x51: {  	_ =	shalt  }
0x52: {  	_ =	shalt  }
0x53: {  	_ =	shalt  }
0x54: {  	_ =	shalt  }
0x55: {  	_ =	shalt  }
0x56: {  	_ =	shalt  }
0x57: {  	_ =	shalt  }
0x58: {  	_ =	shalt  }
0x59: {  	_ =	shalt  }
0x5a: {  	_ =	shalt  }
0x5b: {  	_ =	shalt  }
0x5c: {  	_ =	shalt  }
0x5d: {  	_ =	shalt  }
0x5e: {  	_ =	shalt  }
0x5f: {  	_ =	shalt  }
0x60: {  	_ =	shalt  }
0x61: {  	_ =	shalt  }
0x62: {  	_ =	shalt  }
0x63: {  	_ =	shalt  }
0x64: {  	_ =	shalt  }
0x65: {  	_ =	shalt  }
0x66: {  	_ =	shalt  }
0x67: {  	_ =	shalt  }
0x68: {  	_ =	shalt  }
0x69: {  	_ =	shalt  }
0x6a: {  	_ =	shalt  }
0x6b: {  	_ =	shalt  }
0x6c: {  	_ =	shalt  }
0x6d: {  	_ =	shalt  }
0x6e: {  	_ =	shalt  }
0x6f: {  	_ =	shalt  }
0x70: {  	_ =	shalt  }
0x71: {  	_ =	shalt  }
0x72: {  	_ =	shalt  }
0x73: {  	_ =	shalt  }
0x74: {  	_ =	shalt  }
0x75: {  	_ =	shalt  }
0x76: {  	_ =	shalt  }
0x77: {  	_ =	shalt  }
0x78: {  	_ =	shalt  }
0x79: {  	_ =	shalt  }
0x7a: {  	_ =	shalt  }
0x7b: {  	_ =	shalt  }
0x7c: {  	_ =	shalt  }
0x7d: {  	_ =	shalt  }
0x7e: {  	_ =	shalt  }
0x7f: {  	_ =	shalt  }
0x80: {  	_ =	shalt  }
0x81: {  	_ =	shalt  }
0x82: {  	_ =	shalt  }
0x83: {  	_ =	shalt  }
0x84: {  	_ =	shalt  }
0x85: {  	_ =	shalt  }
0x86: {  	_ =	shalt  }
0x87: {  	_ =	shalt  }
.Lfunc_end0:
.L_simem_size_0:
called_computation.1_lowered:
.L_overlay_start_0:
0x88: {  	s2 =	sld [smem:$0x3FD9]  }
0x89: {  	s3 =	sld [smem:$0x3FFE];
	_ =	sdelay $0x1  }
0x8a: {  	s1 =	srdreg.scid  }
0x8b: {  	s0 =	sand.u32 $0x1, s1  }
0x8c: {  	s16 =	sshll.u32 s0, $0xA;
	s2 =	sadd.s32 s3, s2  }
0x8d: {  	s2 =	sadd.s32 s2, s16  }
0x8e: {  	[smem:$0x3FC7] =	sst s2  }
0x8f: {  	_ = 	snop  }
0x90: {  	(tm) =	ssettm $0x1  }
0x91: {  	s17 =	sld [smem:$0x3FFB];
	_ =	sdelay $0x3  }
0x92: {  	_ =	strace s17  }
0x93: {  	s2 =	sld [smem:$0x3FFC];
	_ =	sdelay $0x3  }
0x94: {  	_ =	strace s2  }
0x95: {  	s2 =	sld [smem:$0x3FFD];
	_ =	sdelay $0x3  }
0x96: {  	_ =	strace s2  }
0x97: {  	_ =	strace $0x8FFFFFFF  }
0x98: {  	s18 =	sld [smem:$0x3FDB];
	_ =	sdelay $0x1  }
0x99: {  	s19 =	simm.s32 $_scs_section_size  }
0x9a: {  	s4 =	simm.s32 $_size__tile_overlayer_lowered;
	s5 =	simm.s32 $_tile_overlayer_lowered  }
0x9b: {  	s22 =	simm.s32 $0x1BFF;
	s21 =	sshll.u32 s5, $0x1;
	s2 =	sadd.s32 s19, s18  }
0x9c: {  	s6 =	simm.s32 $0x0;
	s20 =	sshll.u32 s4, $0x1;
	s4 =	sadd.s32 s21, s2  }
0x9d: {  	[timem:s6], [sflag:s22] =	dma.local [hbm:s4], s20  }
0x9e: {  	_ =	swait.ge [sflag:s22], s20  }
0x9f: {  	s3 =	ssub.s32 $0x0, s20;
	[sflag:s22] =	ssyncset.done $0x0  }
0xa0: {  	[sflag:s22] =	ssyncadd.s32 s3;
	_ =	sdelay $0x1  }
0xa1: {  	s23 =	simm.s32 $0x1B8B  }
0xa2: {  	_ =	swait.ge [sflag:s23], $0x1  }
0xa3: {  	[sflag:s23] =	ssyncset.done $0x0  }
0xa4: {  	s25 =	simm.s32 $0x1B8E;
	s24 =	sld [smem:$0x3FFE];
	[sflag:s23] =	ssyncadd.s32 $0xFFFFFFFF  }
0xa5: {  	s26 =	simm.s32 $execute0_lowered;
	[smem:$0x3FD2] =	sst s25  }
0xa6: {  	s4 =	sshll.u32 s26, $0x1;
	_ =	strace $0x80000049;
	[dreg:$0x1] =	wrdreg $0xFFFFFFFF  }
0xa7: {  	s28 =	simm.s32 $_size_execute0_lowered;
	s2 =	sadd.s32 s2, s4;
	[dreg:$0x0] =	wrdreg $0x0  }
0xa8: {  	s4 =	sshll.u32 s28, $0x1;
	[dreg:$0x2] =	wrdreg s2  }
0xa9: {  	[dreg:$0x3] =	wrdreg s4  }
0xaa: {  	[dreg:$0x4] =	wrdreg $0xC0  }
0xab: {  	_ =	task [dreg:s6], $0x5FFFF  }
0xac: {  	[dreg:$0x1] =	wrdreg $0xFFFFFFFF  }
0xad: {  	[dreg:$0x0] =	wrdreg $0x60  }
0xae: {  	[dreg:$0x2] =	wrdreg s24  }
0xaf: {  	[dreg:$0x3] =	wrdreg $0x9  }
0xb0: {  	_ =	task.clear_ibuf [dreg:s6], $0x4FFFF;
	_ =	strace $0x90000049  }
0xb1: {  	s29 =	simm.s32 $0x9;
	_ =	strace $0x8000004B  }
0xb2: {  	_ =	swait.ge [sflag:s29], $0x1  }
0xb3: {  	[sflag:s29] =	ssyncadd.s32 $0xFFFFFFFF  }
0xb4: {  	_ =	strace $0x9000004B  }
0xb5: {  	_ =	sfence  }
0xb6: {  	s30 =	sld [smem:$0x0];
	_ =	sdelay $0x2  }
0xb7: {  	s31 =	sshll.u32 s1, $0xD;
	s1 =	sshrl.u32 s1, $0x2  }
0xb8: {  	s3 =	sand.u32 $0x4000, s31;
	s1 =	sadd.s32 s1, s30  }
0xb9: {  	s0 =	sor.u32 s3, s0;
	s1 =	sshll.u32 s1, $0x11  }
0xba: {  	s0 =	sor.u32 s1, s0  }
0xbb: {  	s0 =	sadd.s32 $0x8F2B, s0  }
0xbc: {  	[sflag:s0] =	ssyncadd.remote.s32 $0x1  }
0xbd: {  	_ =	sfence.sel $0xFFFF  }
0xbe: {  	[dreg:$0x0] =	wrdreg $0xFFFFFFFF;
	(pc) =	sbr.abs _section_cstart, $3  }
0xbf: {  	[dreg:$0x1] =	wrdreg $0xFFFFFFFF  }
0xc0: {  	_ =	task.clear_ibuf [dreg:s6], $0x2FFFF;
	_ =	strace $0x9FFFFFFF  }
0xc1: {  	(tm) =	ssettm $0x7FFFFFFF  }
tec
execute0_lowered:
.L_overlay_start_1:
0x0: {  	(tag) =	ssettag $0x1  }
0x1: {  	s0 =	rddreg [dreg:$0x0]  }
0x2: {  	s1 =	srdreg.scid;
	s2 =	simm.s32 $0x0;
	s5 =	stileid.u32  }
0x3: {  	s12 =	simm.s32 $0x1;
	s13 =	simm.s32 $0x8800;
	s14 =	simm.s32 $0x9780  }
0x4: {  	s15 =	simm.s32 $0xA700;
	s16 =	simm.s32 $0xE780;
	s18 =	simm.s32 $0x0  }
0x5: {  	s1 =	sand.u32 $0x1, s1;
	[smem:$0x7FF] =	sst s2;
	s3 =	sadd.s32 $0x1EE00, s0  }
0x6: {  	s7 =	sadd.s32 $0x3D600, s0;
	s8 =	sadd.s32 $0x1EC00, s0;
	s11 =	sadd.s32 $0x3E800, s0  }
0x7: {  	s4 =	sshll.u32 s1, $0x4;
	_ =	strace $0x8000004A;
	s1 =	ssub.s32 $0x2, s1  }
0x8: {  	[dreg:$0x2] =	wrdreg s7;
	s17 =	sor.u32 s5, s4;
	s4 =	sadd.s32 $0x400, s0  }
0x9: {  	v3 =	vlaneseq.u32;
	s5 =	sadd.s32 $0x3D800, s0;
	s6 =	sshll.u32 s17, $0x8;
	p0 =	sne.s32 s17, $0x1F  }
0xa: {  	v1 =	vmul.u32 $0xFFFFFFFF, v3;
	s31 =	sshrl.u32 s1, $0x1;
	s9 =	sadd.s32 s6, s0;
	s0 =	simm.s32 @!p0 $0x0  }
0xb: {  	v0 =	vimm.f32 $0.0e+00;
	v2 =	vimm.s32 $0x0;
	s1 =	ssub.s32 s1, s31;
	s6 =	smul.u32 $0x7A00, s17;
	s0 =	simm.s32 @p0 $0x1  }
0xc: {  	v4 =	vimm.f32 $1.000000000e+00;
	v3 =	vmul.u32 $0x401, v3;
	v1 =	vadd.s32 $0xF, v1;
	s10 =	smax.u32 s1, $0x1;
	s9 =	sadd.s32 $0x3F800, s9;
	[smem:$0x7FD] =	sst s0  }
.LBB2_1:
0xd: {  	s0 =	simm.s32 $0x0  }
.LBB2_2:
0xe: {  	p1 =	sne.s32 s0, $0x10000  }
.Ltmp0:
0xf: {  	_ = 	snop;
	(pc) =	sbr.rel @p1 .LBB2_2-.Ltmp0, $4  }
0x10: {  	_ = 	snop  }
0x11: {  	s1 =	sshra.s32 s0, $0x2  }
0x12: {  	[tilespmem:s1+$0xA700] =	vst v0  }
0x13: {  	s0 =	sadd.s32 $0x40, s0;
	[tilespmem:s1+$0xE780] =	vst v0  }
0x14: {  	s0 =	simm.s32 $0x40;
	s1 =	simm.s32 $0x0  }
.LBB2_4:
0x15: {  	p1 =	sne.s32 s0, $0xFC0;
	[tilespmem:s1+$0x8000] =	vst v0;
	s19 =	smov.u32 s0;
	s0 =	sadd.s32 $0x40, s0  }
.Ltmp1:
0x16: {  	[tilespmem:s1+$0x8400] =	vst v0;
	(pc) =	sbr.rel @p1 .LBB2_4-.Ltmp1, $2  }
0x17: {  	_ =	sdelay $0x2  }
0x18: {  	s1 =	sshra.s32 s19, $0x2  }
0x19: {  	[tilespmem:s1+$0x8000] =	vst v0  }
0x1a: {  	[tilespmem:s1+$0x8400] =	vst v0;
	s19 =	simm.s32 $0x0  }
0x1b: {  	[tilespmem:s19], [sflag:$0x1] =	stream.linear.gather [hbm4b:s5+s19], $0x8000, $0x38;
	[tilespmem:$0x13000] =	vst v63  }
0x1c: {  	_ =	swait.ge [sflag:s12], $0x8000  }
0x1d: {  	[sflag:s12] =	ssyncset.done $0x0  }
0x1e: {  	s20 =	simm.s32 $0x0;
	[sflag:s12] =	ssyncadd.s32 $0xFFFF8000  }
.LBB2_6:
0x1f: {  	s0 =	sshll.u32 s20, $0xB  }
0x20: {  	s31 =	sand.u32 $0x380, s19;
	s21 =	sand.u32 $0x3FFFF800, s0  }
0x21: {  	s22 =	simm.s32 $0x8000;
	s1 =	sand.u32 $0x70, s19;
	s0 =	sadd.s32 s31, s21  }
0x22: {  	v5 =	vld [tilespmem:s22+$0x0];
	s0 =	sadd.s32 s1, s0  }
0x23: {  	v6 =	vld [tilespmem:s0+$0x0];
	_ =	sdelay $0x4  }
0x24: {  	v5 =	vadd.f32 v6, v5;
	_ =	sdelay $0x1  }
0x25: {  	s24 =	simm.s32 $0x8400;
	[tilespmem:s22+$0x0] =	vst v5  }
0x26: {  	v5 =	vld [tilespmem:s24+$0x0]  }
0x27: {  	v6 =	vld [tilespmem:s0+$0x400];
	_ =	sdelay $0x4  }
0x28: {  	s23 =	simm.s32 $0x8410;
	s1 =	simm.s32 $0x20;
	s0 =	simm.s32 $0x10;
	v5 =	vadd.f32 v6, v5  }
.LBB2_7:
0x29: {  	s25 =	sand.u32 $0x380, s0  }
0x2a: {  	s22 =	sadd.s32 $0x10, s22;
	s26 =	smov.u32 s1;
	s28 =	sadd.s32 $0x10, s1  }
0x2b: {  	p1 =	sne.s32 s1, $0x3F0;
	s0 =	sand.u32 $0x70, s0;
	s1 =	sadd.s32 s25, s21;
	[tilespmem:s24+$0x0] =	vst v5  }
0x2c: {  	s24 =	smov.u32 s23;
	v5 =	vld [tilespmem:s22+$0x0];
	s1 =	sadd.s32 s0, s1;
	s0 =	smov.u32 s26  }
0x2d: {  	v6 =	vld [tilespmem:s1+$0x0];
	_ =	sdelay $0x4  }
0x2e: {  	v5 =	vadd.f32 v6, v5;
	_ =	sdelay $0x1  }
0x2f: {  	[tilespmem:s22+$0x0] =	vst v5  }
0x30: {  	v5 =	vld [tilespmem:s23+$0x0]  }
0x31: {  	v6 =	vld [tilespmem:s1+$0x400]  }
.Ltmp2:
0x32: {  	(pc) =	sbr.rel @p1 .LBB2_7-.Ltmp2, $2  }
0x33: {  	_ =	sdelay $0x2  }
0x34: {  	s23 =	sadd.s32 $0x10, s23;
	s1 =	smov.u32 s28;
	v5 =	vadd.f32 v6, v5  }
0x35: {  	s1 =	sand.u32 $0x380, s0  }
0x36: {  	s22 =	sadd.s32 $0x10, s22;
	s31 =	sand.u32 $0x70, s0;
	s1 =	sadd.s32 s1, s21;
	[tilespmem:s24+$0x0] =	vst v5  }
0x37: {  	v5 =	vld [tilespmem:s22+$0x0];
	s0 =	sadd.s32 s31, s1  }
0x38: {  	v6 =	vld [tilespmem:s0+$0x0];
	_ =	sdelay $0x4  }
0x39: {  	v5 =	vadd.f32 v6, v5;
	_ =	sdelay $0x1  }
0x3a: {  	[tilespmem:s22+$0x0] =	vst v5  }
0x3b: {  	v5 =	vld [tilespmem:s23+$0x0]  }
0x3c: {  	v6 =	vld [tilespmem:s0+$0x400]  }
0x3d: {  	s20 =	sadd.s32 $0x1, s20  }
0x3e: {  	p1 =	sne.s32 s20, $0x10  }
.Ltmp3:
0x3f: {  	_ = 	snop;
	(pc) =	sbr.rel @p1 .LBB2_6-.Ltmp3, $3  }
0x40: {  	_ = 	snop  }
0x41: {  	v5 =	vadd.f32 v6, v5;
	_ =	sdelay $0x1  }
0x42: {  	[tilespmem:s23+$0x0] =	vst v5  }
0x43: {  	s19 =	simm.s32 $0x0  }
0x44: {  	[tilespmem:s19], [sflag:$0x1] =	stream.linear.gather [hbm4b:s11+s19], $0x8000, $0x38;
	[tilespmem:$0x13000] =	vst v63  }
0x45: {  	_ =	swait.ge [sflag:s12], $0x8000  }
0x46: {  	[sflag:s12] =	ssyncset.done $0x0  }
0x47: {  	s20 =	simm.s32 $0x0;
	[sflag:s12] =	ssyncadd.s32 $0xFFFF8000  }
.LBB2_10:
0x48: {  	s0 =	sshll.u32 s20, $0xB  }
0x49: {  	s31 =	sand.u32 $0x380, s19;
	s21 =	sand.u32 $0x3FFFF800, s0  }
0x4a: {  	s1 =	simm.s32 $0x8000;
	s22 =	sand.u32 $0x70, s19;
	s0 =	sadd.s32 s31, s21  }
0x4b: {  	v5 =	vld [tilespmem:s1+$0x0];
	s0 =	sadd.s32 s22, s0  }
0x4c: {  	v6 =	vld [tilespmem:s0+$0x0];
	_ =	sdelay $0x4  }
0x4d: {  	v5 =	vadd.f32 v6, v5;
	_ =	sdelay $0x1  }
0x4e: {  	s22 =	simm.s32 $0x8400;
	[tilespmem:s1+$0x0] =	vst v5  }
0x4f: {  	v5 =	vld [tilespmem:s22+$0x0]  }
0x50: {  	v6 =	vld [tilespmem:s0+$0x400];
	_ =	sdelay $0x3  }
0x51: {  	s24 =	simm.s32 $0x20  }
0x52: {  	s23 =	simm.s32 $0x8010;
	s1 =	simm.s32 $0x8400;
	s0 =	simm.s32 $0x10;
	v5 =	vadd.f32 v6, v5  }
.LBB2_11:
0x53: {  	s25 =	sand.u32 $0x380, s0  }
0x54: {  	s22 =	sadd.s32 $0x10, s22;
	s26 =	smov.u32 s24;
	s28 =	sadd.s32 $0x10, s24  }
0x55: {  	p1 =	sne.s32 s24, $0x3F0;
	s0 =	sand.u32 $0x70, s0;
	s24 =	sadd.s32 s25, s21;
	[tilespmem:s1+$0x0] =	vst v5  }
0x56: {  	s1 =	smov.u32 s22;
	v5 =	vld [tilespmem:s23+$0x0];
	s24 =	sadd.s32 s0, s24;
	s0 =	smov.u32 s26  }
0x57: {  	v6 =	vld [tilespmem:s24+$0x0];
	_ =	sdelay $0x4  }
0x58: {  	v5 =	vadd.f32 v6, v5;
	_ =	sdelay $0x1  }
0x59: {  	[tilespmem:s23+$0x0] =	vst v5  }
0x5a: {  	v5 =	vld [tilespmem:s22+$0x0]  }
0x5b: {  	v6 =	vld [tilespmem:s24+$0x400]  }
.Ltmp4:
0x5c: {  	(pc) =	sbr.rel @p1 .LBB2_11-.Ltmp4, $2  }
0x5d: {  	_ =	sdelay $0x2  }
0x5e: {  	s23 =	sadd.s32 $0x10, s23;
	s24 =	smov.u32 s28;
	v5 =	vadd.f32 v6, v5  }
0x5f: {  	s24 =	sand.u32 $0x380, s0  }
0x60: {  	s30 =	sand.u32 $0x70, s0;
	s21 =	sadd.s32 s24, s21;
	[tilespmem:s1+$0x0] =	vst v5  }
0x61: {  	v5 =	vld [tilespmem:s23+$0x0];
	s0 =	sadd.s32 s30, s21  }
0x62: {  	v6 =	vld [tilespmem:s0+$0x0];
	_ =	sdelay $0x4  }
0x63: {  	v5 =	vadd.f32 v6, v5;
	_ =	sdelay $0x1  }
0x64: {  	s31 =	sadd.s32 $0x10, s22;
	[tilespmem:s23+$0x0] =	vst v5  }
0x65: {  	v5 =	vld [tilespmem:s31+$0x0]  }
0x66: {  	v6 =	vld [tilespmem:s0+$0x400]  }
0x67: {  	s20 =	sadd.s32 $0x1, s20  }
0x68: {  	p1 =	sne.s32 s20, $0x10  }
.Ltmp5:
0x69: {  	_ = 	snop;
	(pc) =	sbr.rel @p1 .LBB2_10-.Ltmp5, $3  }
0x6a: {  	_ = 	snop  }
0x6b: {  	v5 =	vadd.f32 v6, v5;
	_ =	sdelay $0x1  }
0x6c: {  	[tilespmem:s31+$0x0] =	vst v5  }
0x6d: {  	s0 =	simm.s32 $0x83F0  }
0x6e: {  	v5 =	vld [tilespmem:s0+$0x0];
	_ =	sdelay $0x4  }
0x6f: {  	(xrf2) =	vadd.scan.msk.f32 $0xffff, v5;
	_ =	sdelay $0x9  }
0x70: {  	s19 =	simm.s32 $0x83E0;
	v5, _, _ =	vpop (xrf2)  }
0x71: {  	(v2sf) =	vpush v5, $0xF;
	v5 =	vld [tilespmem:s19+$0x0];
	_ =	sdelay $0x2  }
0x72: {  	s20 =	simm.s32 $0x83D0  }
0x73: {  	v6 =	vld [tilespmem:s20+$0x0]  }
0x74: {  	(xrf2) =	vadd.scan.msk.f32 $0xffff, v5;
	_ =	sdelay $0x3  }
0x75: {  	(xrf2) =	vadd.scan.msk.f32 $0xffff, v6;
	_ =	sdelay $0x3  }
0x76: {  	s21 =	simm.s32 $0x83C0  }
0x77: {  	v5 =	vld [tilespmem:s21+$0x0]  }
0x78: {  	v7, _, _ =	vpop (xrf2)  }
0x79: {  	s23 =	spop (v2sf);
	(v2sf) =	vpush v7, $0xF;
	_ =	sdelay $0x2  }
0x7a: {  	s22 =	simm.s32 $0x83B0;
	(xrf2) =	vadd.scan.msk.f32 $0xffff, v5;
	v5, _, _ =	vpop (xrf2)  }
0x7b: {  	v6 =	vld [tilespmem:s22+$0x0];
	(v2sf) =	vpush v5, $0xF;
	_ =	sdelay $0x1  }
0x7c: {  	s25 =	simm.s32 $0x3F  }
0x7d: {  	s26 =	simm.s32 $0x3E;
	s24 =	simm.s32 $0x3D;
	s19 =	simm.f32 $0.0e+00  }
0x7e: {  	s1 =	simm.s32 $0x39;
	p3 =	por $0x1, $0x1;
	s31 =	sadd.f32 s23, s19  }
0x7f: {  	s28 =	simm.s32 $0x0;
	s30 =	simm.f32 $0.0e+00;
	s20 =	simm.s32 $0x0;
	(xrf2) =	vadd.scan.msk.f32 $0xffff, v6  }
0x80: {  	s0 =	simm.s32 $0x83A0;
	s21 =	simm.s32 $0x3C;
	p1 =	sge.f32 s31, $1.000000000e+05  }
0x81: {  	s22 =	simm.s32 $0x3B;
	s23 =	simm.s32 $0x3A;
	v5 =	vld [tilespmem:s0+$0x0];
	s29 =	smov.u32 s31  }
.LBB2_14:
0x82: {  	p2 =	sne.s32 s1, $0x0;
	p1 =	por !p3, !p1;
	s17 =	smov.u32 s21  }
0x83: {  	v6, _, _ =	vpop (xrf2);
	s21 =	smov.u32 s22;
	s22 =	smov.u32 s23;
	s23 =	smov.u32 s1  }
0x84: {  	(v2sf) =	vpush v6, $0xF;
	p1 =	por !p1, !p1  }
.Ltmp6:
0x85: {  	s7 =	spop (v2sf);
	s20 =	simm.s32 @p1 $0x1;
	(pc) =	sbr.rel @p2 .LBB2_14-.Ltmp6, $4  }
0x86: {  	s28 =	smov.u32 @p1 s25;
	s25 =	smov.u32 s26;
	s31 =	sadd.f32 s7, s31  }
0x87: {  	s19 =	smov.u32 @p1 s30;
	s26 =	smov.u32 s24;
	s24 =	smov.u32 s17;
	(xrf2) =	vadd.scan.msk.f32 $0xffff, v5  }
0x88: {  	s0 =	sadd.s32 $0xFFFFFFF0, s0;
	s30 =	smov.u32 s29;
	p1 =	sge.f32 s31, $1.000000000e+05  }
0x89: {  	s1 =	sadd.s32 $0xFFFFFFFF, s1;
	p3 =	seq.s32 s20, $0x0;
	s29 =	smov.u32 s31;
	v5 =	vld [tilespmem:s0+$0x0]  }
0x8a: {  	_ =	sdelay $0x3  }
0x8b: {  	(xrf2) =	vadd.scan.msk.f32 $0xffff, v5;
	_ =	sdelay $0x1  }
0x8c: {  	v5, _, _ =	vpop (xrf2)  }
0x8d: {  	(v2sf) =	vpush v5, $0xF;
	_ =	sdelay $0x2  }
0x8e: {  	v5, _, _ =	vpop (xrf2)  }
0x8f: {  	(v2sf) =	vpush v5, $0xF;
	_ =	sdelay $0x2  }
0x90: {  	s0 =	spop (v2sf);
	v5, _, _ =	vpop (xrf2)  }
0x91: {  	p1 =	por !p3, !p1;
	s0 =	sadd.f32 s0, s31;
	(v2sf) =	vpush v5, $0xF  }
0x92: {  	p1 =	por !p1, !p1  }
0x93: {  	s20 =	simm.s32 @p1 $0x1;
	p2 =	sge.f32 s0, $1.000000000e+05  }
0x94: {  	p4 =	seq.s32 s20, $0x0;
	s1 =	spop (v2sf)  }
0x95: {  	p2 =	por !p4, !p2;
	s1 =	sadd.f32 s1, s0  }
0x96: {  	p2 =	por !p2, !p2  }
0x97: {  	s20 =	simm.s32 @p2 $0x1;
	p5 =	sge.f32 s1, $1.000000000e+05  }
0x98: {  	p4 =	seq.s32 s20, $0x0;
	s7 =	spop (v2sf)  }
0x99: {  	p3 =	por !p4, !p5;
	s7 =	sadd.f32 s7, s1  }
0x9a: {  	p3 =	por !p3, !p3  }
0x9b: {  	s20 =	simm.s32 @p3 $0x1;
	p6 =	sge.f32 s7, $1.000000000e+05  }
0x9c: {  	p5 =	seq.s32 s20, $0x0;
	s17 =	spop (v2sf)  }
0x9d: {  	s17 =	sadd.f32 s17, s7;
	p4 =	por !p5, !p6  }
0x9e: {  	p4 =	por !p4, !p4  }
0x9f: {  	p0 =	sge.f32 s17, $1.000000000e+05;
	s20 =	simm.s32 @p4 $0x1  }
0xa0: {  	p6 =	seq.s32 s20, $0x0;
	s31 =	spop (v2sf)  }
0xa1: {  	p5 =	por !p6, !p0;
	s31 =	sadd.f32 s31, s17  }
0xa2: {  	s28 =	smov.u32 @p1 s25;
	p5 =	por !p5, !p5  }
0xa3: {  	s28 =	smov.u32 @p2 s26;
	s20 =	simm.s32 @p5 $0x1;
	p6 =	sge.f32 s31, $1.000000000e+05  }
0xa4: {  	s28 =	smov.u32 @p3 s24;
	p0 =	seq.s32 s20, $0x0  }
0xa5: {  	s28 =	smov.u32 @p4 s21;
	p0 =	por !p0, !p6  }
0xa6: {  	s28 =	smov.u32 @p5 s22;
	p0 =	por !p0, !p0  }
0xa7: {  	s28 =	smov.u32 @p0 s23  }
0xa8: {  	s28 =	sshll.u32 s28, $0x4  }
0xa9: {  	v5 =	vld [tilespmem:s28+$0x8000];
	_ =	sdelay $0x4  }
0xaa: {  	v5 =	vperm.xlane v5, v1;
	_ =	sdelay $0x1  }
0xab: {  	(xrf2) =	vadd.scan.msk.f32 $0xffff, v5;
	_ =	sdelay $0x6  }
0xac: {  	s19 =	smov.u32 @p1 s30  }
0xad: {  	s19 =	smov.u32 @p2 s29  }
0xae: {  	s19 =	smov.u32 @p3 s0  }
0xaf: {  	s19 =	smov.u32 @p4 s1;
	v5, _, _ =	vpop (xrf2)  }
0xb0: {  	s19 =	smov.u32 @p5 s7;
	v5 =	vperm.xlane v5, v1  }
0xb1: {  	s19 =	smov.u32 @p0 s17  }
0xb2: {  	v5 =	vadd.f32 s19, v5;
	_ =	sdelay $0x1  }
0xb3: {  	vm0 =	vge.f32 v5, $1.000000000e+05  }
0xb4: {  	v5 =	vsel vm0, $0x1, v2  }
0xb5: {  	(xrf0) =	vadd.scan.msk.s32 $0xffff, v5;
	_ =	sdelay $0x5  }
0xb6: {  	v5, _, _ =	vpop (xrf0)  }
0xb7: {  	(v2sf) =	vpush v5, $0xF;
	_ =	sdelay $0xe  }
0xb8: {  	s30 =	spop (v2sf)  }
0xb9: {  	s0 =	sadd.s32 s30, s28  }
0xba: {  	s0 =	sadd.s32 $0xFFFFFFFF, s0  }
0xbb: {  	s31 =	scvt.s32.f32 s0;
	_ =	sdelay $0x1  }
0xbc: {  	s19 =	simm.s32 $0x0;
	v5 =	vmov s0;
	v6 =	vmov s31  }
.LBB2_16:
0xbd: {  	s0 =	smul.u32 $0xF40, s19;
	_ =	sdelay $0x1  }
0xbe: {  	s0 =	sadd.s32 s6, s0  }
0xbf: {  	s0 =	sshrl.u32 s0, $0x3  }
0xc0: {  	s1 =	sadd.s32 s3, s0  }
0xc1: {  	[tilespmem:s13], [sflag:$0x1] =	stream.linear.gather [hbm4b:s1+s2], $0xF40, $0x38;
	[tilespmem:$0x13000] =	vst v63  }
0xc2: {  	_ =	swait.ge [sflag:s12], $0xF40  }
0xc3: {  	[sflag:s12] =	ssyncset.done $0x0  }
0xc4: {  	s0 =	sadd.s32 s4, s0;
	[sflag:s12] =	ssyncadd.s32 $0xFFFFF0C0  }
0xc5: {  	[tilespmem:s14], [sflag:$0x1] =	stream.linear.gather [hbm4b:s0+s2], $0xF40, $0x38;
	[tilespmem:$0x13000] =	vst v63  }
0xc6: {  	_ =	swait.ge [sflag:s12], $0xF40  }
0xc7: {  	[sflag:s12] =	ssyncset.done $0x0  }
0xc8: {  	s29 =	simm.s32 $0x8820;
	[sflag:s12] =	ssyncadd.s32 $0xFFFFF0C0  }
0xc9: {  	s30 =	simm.s32 $0x97A0;
	v7 =	vld [tilespmem:s29+$0x10]  }
0xca: {  	v8 =	vld [tilespmem:s30+$0x10]  }
0xcb: {  	v9 =	vld [tilespmem:s29+$0xFFFFFFF0]  }
0xcc: {  	v10 =	vld [tilespmem:s30+$0xFFFFFFF0];
	_ =	sdelay $0x1  }
0xcd: {  	v11 =	vld [tilespmem:s30+$0xFFFFFFE0]  }
0xce: {  	v14 =	vld [tilespmem:s29+$0xFFFFFFE0]  }
0xcf: {  	v12 =	vld [tilespmem:s30+$0x0]  }
0xd0: {  	v7 =	vsub.f32 v8, v7;
	v8 =	vld [tilespmem:s29+$0x0];
	v9 =	vsub.f32 v10, v9;
	_ =	sdelay $0x1  }
0xd1: {  	v13 =	vmul.f32 $5.120000000e+02, v7;
	v15 =	vmul.f32 $5.120000000e+02, v9  }
0xd2: {  	v11 =	vsub.f32 v11, v14;
	v23 =	vmul.f32 v9, v9;
	v22 =	vmul.f32 v7, v7  }
0xd3: {  	v10 =	vsub.f32 v13, v6;
	v9 =	vtrunc.f32 v15;
	v14 =	vsub.f32 v15, v6  }
0xd4: {  	v15 =	vmul.f32 $5.120000000e+02, v11;
	v13 =	vtrunc.f32 v13;
	v8 =	vsub.f32 v12, v8  }
0xd5: {  	v9 =	vcvt.f32.s32 v9;
	v10 =	vmul.f32 $1.024000000e+03, v10  }
0xd6: {  	v11 =	vmul.f32 v11, v11;
	v16 =	vsub.f32 v15, v6;
	v12 =	vmul.f32 $5.120000000e+02, v8  }
0xd7: {  	s31 =	simm.s32 $0x8860;
	v13 =	vcvt.f32.s32 v13;
	vm0 =	veq.s32 v5, v9;
	v10 =	vtrunc.f32 v10  }
0xd8: {  	s20 =	simm.s32 $0x97E0;
	v17 =	vld [tilespmem:s31+$0x10];
	v16 =	vmul.f32 $1.024000000e+03, v16;
	v10 =	vcvt.f32.s32 v10;
	v9 =	vsub.f32 v12, v6  }
0xd9: {  	v14 =	vmul.f32 $1.024000000e+03, v14;
	v15 =	vtrunc.f32 v15;
	vm2 =	veq.s32 v5, v13;
	v13 =	vld [tilespmem:s20+$0x10]  }
0xda: {  	v16 =	vtrunc.f32 v16;
	vm1 =	vgt.s32 v10, $0x0;
	v9 =	vmul.f32 $1.024000000e+03, v9  }
0xdb: {  	v14 =	vtrunc.f32 v14;
	v16 =	vcvt.f32.s32 v16;
	v10 =	vnsel vm1, $0x0, v10  }
0xdc: {  	v20 =	vld [tilespmem:s20+$0xFFFFFFF0];
	vm1 =	vmmov vm0;
	v10 =	vmin.u32 v10, $0x3FF;
	v9 =	vtrunc.f32 v9  }
0xdd: {  	v21 =	vld [tilespmem:s31+$0x0];
	v18 =	vadd.s32 v3, v10;
	v10 =	vcvt.f32.s32 v14;
	v19 =	vcvt.f32.s32 v9  }
0xde: {  	vm4 =	vgt.s32 v16, $0x0;
	v14 =	vld [tilespmem:s31+$0xFFFFFFF0];
	v9 =	vsub.f32 v13, v17;
	v17 =	vcvt.f32.s32 v15  }
0xdf: {  	v25 =	vld [tilespmem:s31+$0xFFFFFFE0];
	v15 =	vnsel vm4, $0x0, v16;
	vm0 =	vgt.s32 v10, $0x0;
	vm3 =	vgt.s32 v19, $0x0  }
0xe0: {  	v7 =	vnsel vm0, $0x0, v10;
	v10 =	vld [tilespmem:s20+$0x0];
	v16 =	vnsel vm3, $0x0, v19;
	v19 =	vmul.f32 $5.120000000e+02, v9  }
0xe1: {  	v8 =	vmul.f32 v8, v8;
	v12 =	vtrunc.f32 v12;
	v13 =	vld [tilespmem:s20+$0xFFFFFFE0]  }
0xe2: {  	v24 =	vmin.u32 v15, $0x3FF;
	v15 =	vcvt.f32.s32 v12;
	v26 =	vsub.f32 v19, v6  }
0xe3: {  	v16 =	vmin.u32 v16, $0x3FF;
	v12 =	vsub.f32 v20, v14;
	v20 =	vmin.u32 v7, $0x3FF  }
0xe4: {  	v14 =	vadd.s32 v3, v24;
	v19 =	vtrunc.f32 v19;
	v62 =	vmul.f32 $1.024000000e+03, v26  }
0xe5: {  	v63 =	vadd.s32 v3, v20;
	v10 =	vsub.f32 v10, v21;
	v21 =	vmul.f32 $5.120000000e+02, v12  }
0xe6: {  	v13 =	vsub.f32 v13, v25;
	v7 =	vmul.f32 v12, v12;
	v24 =	vtrunc.f32 v62  }
0xe7: {  	v12 =	vadd.s32 v3, v16;
	v16 =	vtrunc.f32 v21;
	v24 =	vcvt.f32.s32 v24  }
0xe8: {  	[tilespmem:v18+s15+$0x0] =	vst.idx.add.f32.msk vm2, v4;
	v21 =	vsub.f32 v21, v6;
	v20 =	vcvt.f32.s32 v16;
	v16 =	vmul.f32 $5.120000000e+02, v10  }
0xe9: {  	vm0 =	veq.s32 v5, v17;
	[tilespmem:v18+s16+$0x0] =	vst.idx.add.f32.msk vm2, v22;
	v19 =	vcvt.f32.s32 v19;
	v17 =	vmul.f32 $5.120000000e+02, v13  }
0xea: {  	[tilespmem:v63+s15+$0x0] =	vst.idx.add.f32.msk vm1, v4;
	vm3 =	vgt.s32 v24, $0x0;
	v21 =	vmul.f32 $1.024000000e+03, v21;
	v18 =	vsub.f32 v16, v6  }
0xeb: {  	s21 =	simm.s32 $0x4;
	s22 =	simm.s32 $0x88A0;
	[tilespmem:v63+s16+$0x0] =	vst.idx.add.f32.msk vm1, v23;
	vm2 =	veq.s32 v5, v20;
	v20 =	vsub.f32 v17, v6;
	v22 =	vnsel vm3, $0x0, v24  }
.LBB2_17:
0xec: {  	v23 =	vld [tilespmem:s22+$0x10];
	v18 =	vmul.f32 $1.024000000e+03, v18;
	vm4 =	veq.s32 v5, v19;
	v19 =	vmin.u32 v22, $0x3FF;
	s20 =	sadd.s32 $0x40, s20  }
0xed: {  	v22 =	vld [tilespmem:s20+$0x10];
	v20 =	vmul.f32 $1.024000000e+03, v20;
	v21 =	vtrunc.f32 v21;
	v19 =	vadd.s32 v3, v19  }
0xee: {  	s21 =	sadd.s32 $0x4, s21;
	vm3 =	veq.s32 v5, v15;
	v24 =	vld [tilespmem:s20+$0xFFFFFFE0];
	v21 =	vcvt.f32.s32 v21;
	v18 =	vtrunc.f32 v18  }
0xef: {  	vm1 =	vmmov vm2;
	p1 =	slt.u32 s21, $0xF0;
	v25 =	vld [tilespmem:s22+$0xFFFFFFF0];
	v15 =	vtrunc.f32 v20;
	v18 =	vcvt.f32.s32 v18  }
0xf0: {  	v17 =	vtrunc.f32 v17;
	v20 =	vld [tilespmem:s20+$0xFFFFFFF0];
	v15 =	vcvt.f32.s32 v15;
	vm2 =	vgt.s32 v21, $0x0  }
0xf1: {  	v16 =	vtrunc.f32 v16;
	v27 =	vmul.f32 v9, v9;
	v26 =	vld [tilespmem:s22+$0x0];
	vm5 =	vgt.s32 v18, $0x0  }
0xf2: {  	v21 =	vnsel vm2, $0x0, v21;
	v9 =	vsub.f32 v22, v23;
	vm6 =	vgt.s32 v15, $0x0;
	[tilespmem:v19+s15+$0x0] =	vst.idx.add.f32.msk vm4, v4  }
0xf3: {  	v17 =	vcvt.f32.s32 v17;
	v18 =	vnsel vm5, $0x0, v18;
	v15 =	vnsel vm6, $0x0, v15;
	[tilespmem:v19+s16+$0x0] =	vst.idx.add.f32.msk vm4, v27  }
0xf4: {  	v19 =	vld [tilespmem:s20+$0x0];
	v22 =	vmul.f32 $5.120000000e+02, v9;
	v23 =	vmin.u32 v15, $0x3FF;
	v15 =	vcvt.f32.s32 v16  }
0xf5: {  	v21 =	vmin.u32 v21, $0x3FF;
	v18 =	vmin.u32 v18, $0x3FF;
	v16 =	vld [tilespmem:s22+$0xFFFFFFE0];
	v20 =	vsub.f32 v20, v25  }
0xf6: {  	v28 =	vmul.f32 v10, v10;
	v27 =	vmul.f32 v13, v13;
	v25 =	vsub.f32 v22, v6  }
0xf7: {  	v10 =	vmul.f32 $5.120000000e+02, v20;
	v29 =	vmul.f32 v20, v20;
	v20 =	vadd.s32 v3, v23;
	[tilespmem:v14+s15+$0x0] =	vst.idx.add.f32.msk vm0, v4  }
0xf8: {  	v18 =	vadd.s32 v3, v18;
	v23 =	vmul.f32 $1.024000000e+03, v25;
	v25 =	vadd.s32 v3, v21;
	[tilespmem:v14+s16+$0x0] =	vst.idx.add.f32.msk vm0, v11  }
0xf9: {  	v30 =	vtrunc.f32 v10;
	v21 =	vsub.f32 v10, v6;
	v10 =	vsub.f32 v19, v26;
	[tilespmem:v12+s15+$0x0] =	vst.idx.add.f32.msk vm3, v4  }
.Ltmp7:
0xfa: {  	v11 =	vmovc v27;
	v13 =	vsub.f32 v24, v16;
	v19 =	vcvt.f32.s32 v30;
	v24 =	vtrunc.f32 v23;
	[tilespmem:v12+s16+$0x0] =	vst.idx.add.f32.msk vm3, v8;
	(pc) =	sbr.rel @p1 .LBB2_17-.Ltmp7, $4  }
0xfb: {  	vm0 =	veq.s32 v5, v17;
	v14 =	vmovc v20;
	v8 =	vmovc v28;
	v16 =	vmul.f32 $5.120000000e+02, v10;
	v23 =	vcvt.f32.s32 v24  }
0xfc: {  	v12 =	vmovc v18;
	v17 =	vmul.f32 $5.120000000e+02, v13;
	vm2 =	veq.s32 v5, v19;
	v19 =	vtrunc.f32 v22  }
0xfd: {  	v18 =	vsub.f32 v16, v6;
	v19 =	vcvt.f32.s32 v19;
	vm3 =	vgt.s32 v23, $0x0;
	[tilespmem:v25+s15+$0x0] =	vst.idx.add.f32.msk vm1, v4  }
0xfe: {  	s22 =	sadd.s32 $0x40, s22;
	v21 =	vmul.f32 $1.024000000e+03, v21;
	v20 =	vsub.f32 v17, v6;
	v22 =	vnsel vm3, $0x0, v23;
	[tilespmem:v25+s16+$0x0] =	vst.idx.add.f32.msk vm1, v7;
	v7 =	vmovc v29  }
0xff: {  	v18 =	vmul.f32 $1.024000000e+03, v18  }
0x100: {  	vm1 =	veq.s32 v5, v19;
	v58 =	vmin.u32 v22, $0x3FF;
	v17 =	vtrunc.f32 v17  }
0x101: {  	vm3 =	veq.s32 v5, v15;
	v16 =	vtrunc.f32 v16;
	v21 =	vtrunc.f32 v21  }
0x102: {  	vm2 =	vmmov vm2;
	v20 =	vmul.f32 $1.024000000e+03, v20;
	v21 =	vcvt.f32.s32 v21  }
0x103: {  	v9 =	vmul.f32 v9, v9;
	v19 =	vadd.s32 v3, v58;
	v18 =	vtrunc.f32 v18  }
0x104: {  	v59 =	vtrunc.f32 v20;
	v18 =	vcvt.f32.s32 v18;
	vm4 =	vgt.s32 v21, $0x0  }
0x105: {  	v17 =	vcvt.f32.s32 v17;
	v15 =	vcvt.f32.s32 v59;
	v60 =	vnsel vm4, $0x0, v21  }
0x106: {  	[tilespmem:v14+s15+$0x0] =	vst.idx.add.f32.msk vm0, v4;
	v16 =	vcvt.f32.s32 v16;
	vm5 =	vgt.s32 v18, $0x0;
	v20 =	vmin.u32 v60, $0x3FF  }
0x107: {  	[tilespmem:v14+s16+$0x0] =	vst.idx.add.f32.msk vm0, v11;
	vm13 =	vgt.s32 v15, $0x0;
	v62 =	vnsel vm5, $0x0, v18;
	v61 =	vadd.s32 v3, v20  }
0x108: {  	vm15 =	veq.s32 v5, v16;
	[tilespmem:v19+s15+$0x0] =	vst.idx.add.f32.msk vm1, v4;
	v15 =	vnsel vm13, $0x0, v15;
	v63 =	vmin.u32 v62, $0x3FF  }
0x109: {  	vm14 =	veq.s32 v5, v17;
	[tilespmem:v12+s15+$0x0] =	vst.idx.add.f32.msk vm3, v4;
	v15 =	vmin.u32 v15, $0x3FF;
	v11 =	vadd.s32 v3, v63  }
0x10a: {  	[tilespmem:v19+s16+$0x0] =	vst.idx.add.f32.msk vm1, v9;
	v15 =	vadd.s32 v3, v15  }
0x10b: {  	s19 =	sadd.s32 $0x1, s19;
	[tilespmem:v12+s16+$0x0] =	vst.idx.add.f32.msk vm3, v8  }
0x10c: {  	p0 =	sne.s32 s19, $0x8;
	[tilespmem:v61+s15+$0x0] =	vst.idx.add.f32.msk vm2, v4  }
.Ltmp8:
0x10d: {  	[tilespmem:v61+s16+$0x0] =	vst.idx.add.f32.msk vm2, v7;
	(pc) =	sbr.rel @p0 .LBB2_16-.Ltmp8, $4  }
0x10e: {  	v8 =	vmul.f32 v13, v13;
	[tilespmem:v11+s15+$0x0] =	vst.idx.add.f32.msk vm15, v4  }
0x10f: {  	v7 =	vmul.f32 v10, v10;
	[tilespmem:v15+s15+$0x0] =	vst.idx.add.f32.msk vm14, v4  }
0x110: {  	[tilespmem:v15+s16+$0x0] =	vst.idx.add.f32.msk vm14, v8  }
0x111: {  	[tilespmem:v11+s16+$0x0] =	vst.idx.add.f32.msk vm15, v7  }
0x112: {  	s0 =	sld [smem:$0x7FD];
	_ =	sdelay $0x2  }
0x113: {  	p0 =	seq.s32 s0, $0x1  }
.Ltmp9:
0x114: {  	_ = 	snop;
	(pc) =	sbr.rel @p0 .LBB2_23-.Ltmp9, $1  }
0x115: {  	_ =	sdelay $0x3  }
0x116: {  	s0 =	rddreg [dreg:$0x2]  }
0x117: {  	[tilespmem:s13], [sflag:$0x1] =	stream.linear.gather [hbm4b:s0+s2], $0x240, $0x38;
	[tilespmem:$0x13000] =	vst v63  }
0x118: {  	_ =	swait.ge [sflag:s12], $0x240  }
0x119: {  	[sflag:s12] =	ssyncset.done $0x0  }
0x11a: {  	[sflag:s12] =	ssyncadd.s32 $0xFFFFFDC0  }
0x11b: {  	[tilespmem:s14], [sflag:$0x1] =	stream.linear.gather [hbm4b:s8+s2], $0x240, $0x38;
	[tilespmem:$0x13000] =	vst v63  }
0x11c: {  	_ =	swait.ge [sflag:s12], $0x240  }
0x11d: {  	[sflag:s12] =	ssyncset.done $0x0  }
0x11e: {  	s30 =	simm.s32 $0x8820;
	[sflag:s12] =	ssyncadd.s32 $0xFFFFFDC0  }
0x11f: {  	s1 =	simm.s32 $0x97A0;
	v7 =	vld [tilespmem:s30+$0x10]  }
0x120: {  	v8 =	vld [tilespmem:s1+$0x10]  }
0x121: {  	v9 =	vld [tilespmem:s30+$0xFFFFFFF0]  }
0x122: {  	v10 =	vld [tilespmem:s1+$0xFFFFFFF0];
	_ =	sdelay $0x1  }
0x123: {  	v11 =	vld [tilespmem:s1+$0xFFFFFFE0]  }
0x124: {  	v14 =	vld [tilespmem:s30+$0xFFFFFFE0]  }
0x125: {  	v12 =	vld [tilespmem:s1+$0x0]  }
0x126: {  	v7 =	vsub.f32 v8, v7;
	v8 =	vld [tilespmem:s30+$0x0];
	v9 =	vsub.f32 v10, v9;
	_ =	sdelay $0x1  }
0x127: {  	v13 =	vmul.f32 $5.120000000e+02, v7;
	v15 =	vmul.f32 $5.120000000e+02, v9  }
0x128: {  	v11 =	vsub.f32 v11, v14;
	v23 =	vmul.f32 v9, v9;
	v22 =	vmul.f32 v7, v7  }
0x129: {  	v10 =	vsub.f32 v13, v6;
	v9 =	vtrunc.f32 v15;
	v14 =	vsub.f32 v15, v6  }
0x12a: {  	v15 =	vmul.f32 $5.120000000e+02, v11;
	v13 =	vtrunc.f32 v13;
	v8 =	vsub.f32 v12, v8  }
0x12b: {  	v9 =	vcvt.f32.s32 v9;
	v10 =	vmul.f32 $1.024000000e+03, v10  }
0x12c: {  	v11 =	vmul.f32 v11, v11;
	v16 =	vsub.f32 v15, v6;
	v12 =	vmul.f32 $5.120000000e+02, v8  }
0x12d: {  	s31 =	simm.s32 $0x8860;
	v13 =	vcvt.f32.s32 v13;
	vm0 =	veq.s32 v5, v9;
	v10 =	vtrunc.f32 v10  }
0x12e: {  	s19 =	simm.s32 $0x97E0;
	v17 =	vld [tilespmem:s31+$0x10];
	v16 =	vmul.f32 $1.024000000e+03, v16;
	v10 =	vcvt.f32.s32 v10;
	v9 =	vsub.f32 v12, v6  }
0x12f: {  	v14 =	vmul.f32 $1.024000000e+03, v14;
	v15 =	vtrunc.f32 v15;
	vm2 =	veq.s32 v5, v13;
	v13 =	vld [tilespmem:s19+$0x10]  }
0x130: {  	v16 =	vtrunc.f32 v16;
	vm1 =	vgt.s32 v10, $0x0;
	v9 =	vmul.f32 $1.024000000e+03, v9  }
0x131: {  	v14 =	vtrunc.f32 v14;
	v16 =	vcvt.f32.s32 v16;
	v10 =	vnsel vm1, $0x0, v10  }
0x132: {  	v20 =	vld [tilespmem:s19+$0xFFFFFFF0];
	vm1 =	vmmov vm0;
	v10 =	vmin.u32 v10, $0x3FF;
	v9 =	vtrunc.f32 v9  }
0x133: {  	v21 =	vld [tilespmem:s31+$0x0];
	v18 =	vadd.s32 v3, v10;
	v10 =	vcvt.f32.s32 v14;
	v19 =	vcvt.f32.s32 v9  }
0x134: {  	vm4 =	vgt.s32 v16, $0x0;
	v14 =	vld [tilespmem:s31+$0xFFFFFFF0];
	v9 =	vsub.f32 v13, v17;
	v17 =	vcvt.f32.s32 v15  }
0x135: {  	v25 =	vld [tilespmem:s31+$0xFFFFFFE0];
	v15 =	vnsel vm4, $0x0, v16;
	vm0 =	vgt.s32 v10, $0x0;
	vm3 =	vgt.s32 v19, $0x0  }
0x136: {  	v7 =	vnsel vm0, $0x0, v10;
	v10 =	vld [tilespmem:s19+$0x0];
	v16 =	vnsel vm3, $0x0, v19;
	v19 =	vmul.f32 $5.120000000e+02, v9  }
0x137: {  	v8 =	vmul.f32 v8, v8;
	v12 =	vtrunc.f32 v12;
	v13 =	vld [tilespmem:s19+$0xFFFFFFE0]  }
0x138: {  	v24 =	vmin.u32 v15, $0x3FF;
	v15 =	vcvt.f32.s32 v12;
	v26 =	vsub.f32 v19, v6  }
0x139: {  	v16 =	vmin.u32 v16, $0x3FF;
	v12 =	vsub.f32 v20, v14;
	v20 =	vmin.u32 v7, $0x3FF  }
0x13a: {  	v14 =	vadd.s32 v3, v24;
	v19 =	vtrunc.f32 v19;
	v62 =	vmul.f32 $1.024000000e+03, v26  }
0x13b: {  	v63 =	vadd.s32 v3, v20;
	v10 =	vsub.f32 v10, v21;
	v21 =	vmul.f32 $5.120000000e+02, v12  }
0x13c: {  	v13 =	vsub.f32 v13, v25;
	v7 =	vmul.f32 v12, v12;
	v24 =	vtrunc.f32 v62  }
0x13d: {  	v12 =	vadd.s32 v3, v16;
	v16 =	vtrunc.f32 v21;
	v24 =	vcvt.f32.s32 v24  }
0x13e: {  	[tilespmem:v18+s15+$0x0] =	vst.idx.add.f32.msk vm2, v4;
	v21 =	vsub.f32 v21, v6;
	v20 =	vcvt.f32.s32 v16;
	v16 =	vmul.f32 $5.120000000e+02, v10  }
0x13f: {  	vm0 =	veq.s32 v5, v17;
	[tilespmem:v18+s16+$0x0] =	vst.idx.add.f32.msk vm2, v22;
	v19 =	vcvt.f32.s32 v19;
	v17 =	vmul.f32 $5.120000000e+02, v13  }
0x140: {  	[tilespmem:v63+s15+$0x0] =	vst.idx.add.f32.msk vm1, v4;
	vm3 =	vgt.s32 v24, $0x0;
	v21 =	vmul.f32 $1.024000000e+03, v21;
	v18 =	vsub.f32 v16, v6  }
0x141: {  	s20 =	simm.s32 $0x4;
	s21 =	simm.s32 $0x88A0;
	[tilespmem:v63+s16+$0x0] =	vst.idx.add.f32.msk vm1, v23;
	vm2 =	veq.s32 v5, v20;
	v20 =	vsub.f32 v17, v6;
	v22 =	vnsel vm3, $0x0, v24  }
.LBB2_21:
0x142: {  	v23 =	vld [tilespmem:s21+$0x10];
	v18 =	vmul.f32 $1.024000000e+03, v18;
	vm4 =	veq.s32 v5, v19;
	v19 =	vmin.u32 v22, $0x3FF;
	s19 =	sadd.s32 $0x40, s19  }
0x143: {  	v22 =	vld [tilespmem:s19+$0x10];
	v20 =	vmul.f32 $1.024000000e+03, v20;
	v21 =	vtrunc.f32 v21;
	v19 =	vadd.s32 v3, v19  }
0x144: {  	s20 =	sadd.s32 $0x4, s20;
	vm3 =	veq.s32 v5, v15;
	v24 =	vld [tilespmem:s19+$0xFFFFFFE0];
	v21 =	vcvt.f32.s32 v21;
	v18 =	vtrunc.f32 v18  }
0x145: {  	vm1 =	vmmov vm2;
	p1 =	slt.u32 s20, $0x20;
	v25 =	vld [tilespmem:s21+$0xFFFFFFF0];
	v15 =	vtrunc.f32 v20;
	v18 =	vcvt.f32.s32 v18  }
0x146: {  	v17 =	vtrunc.f32 v17;
	v20 =	vld [tilespmem:s19+$0xFFFFFFF0];
	v15 =	vcvt.f32.s32 v15;
	vm2 =	vgt.s32 v21, $0x0  }
0x147: {  	v16 =	vtrunc.f32 v16;
	v27 =	vmul.f32 v9, v9;
	v26 =	vld [tilespmem:s21+$0x0];
	vm5 =	vgt.s32 v18, $0x0  }
0x148: {  	v21 =	vnsel vm2, $0x0, v21;
	v9 =	vsub.f32 v22, v23;
	vm6 =	vgt.s32 v15, $0x0;
	[tilespmem:v19+s15+$0x0] =	vst.idx.add.f32.msk vm4, v4  }
0x149: {  	v17 =	vcvt.f32.s32 v17;
	v18 =	vnsel vm5, $0x0, v18;
	v15 =	vnsel vm6, $0x0, v15;
	[tilespmem:v19+s16+$0x0] =	vst.idx.add.f32.msk vm4, v27  }
0x14a: {  	v19 =	vld [tilespmem:s19+$0x0];
	v22 =	vmul.f32 $5.120000000e+02, v9;
	v23 =	vmin.u32 v15, $0x3FF;
	v15 =	vcvt.f32.s32 v16  }
0x14b: {  	v21 =	vmin.u32 v21, $0x3FF;
	v18 =	vmin.u32 v18, $0x3FF;
	v16 =	vld [tilespmem:s21+$0xFFFFFFE0];
	v20 =	vsub.f32 v20, v25  }
0x14c: {  	v28 =	vmul.f32 v10, v10;
	v27 =	vmul.f32 v13, v13;
	v25 =	vsub.f32 v22, v6  }
0x14d: {  	v10 =	vmul.f32 $5.120000000e+02, v20;
	v29 =	vmul.f32 v20, v20;
	v20 =	vadd.s32 v3, v23;
	[tilespmem:v14+s15+$0x0] =	vst.idx.add.f32.msk vm0, v4  }
0x14e: {  	v18 =	vadd.s32 v3, v18;
	v23 =	vmul.f32 $1.024000000e+03, v25;
	v25 =	vadd.s32 v3, v21;
	[tilespmem:v14+s16+$0x0] =	vst.idx.add.f32.msk vm0, v11  }
0x14f: {  	v30 =	vtrunc.f32 v10;
	v21 =	vsub.f32 v10, v6;
	v10 =	vsub.f32 v19, v26;
	[tilespmem:v12+s15+$0x0] =	vst.idx.add.f32.msk vm3, v4  }
.Ltmp10:
0x150: {  	v11 =	vmovc v27;
	v13 =	vsub.f32 v24, v16;
	v19 =	vcvt.f32.s32 v30;
	v24 =	vtrunc.f32 v23;
	[tilespmem:v12+s16+$0x0] =	vst.idx.add.f32.msk vm3, v8;
	(pc) =	sbr.rel @p1 .LBB2_21-.Ltmp10, $4  }
0x151: {  	vm0 =	veq.s32 v5, v17;
	v14 =	vmovc v20;
	v8 =	vmovc v28;
	v16 =	vmul.f32 $5.120000000e+02, v10;
	v23 =	vcvt.f32.s32 v24  }
0x152: {  	v12 =	vmovc v18;
	v17 =	vmul.f32 $5.120000000e+02, v13;
	vm2 =	veq.s32 v5, v19;
	v19 =	vtrunc.f32 v22  }
0x153: {  	v18 =	vsub.f32 v16, v6;
	v19 =	vcvt.f32.s32 v19;
	vm3 =	vgt.s32 v23, $0x0;
	[tilespmem:v25+s15+$0x0] =	vst.idx.add.f32.msk vm1, v4  }
0x154: {  	s21 =	sadd.s32 $0x40, s21;
	v21 =	vmul.f32 $1.024000000e+03, v21;
	v20 =	vsub.f32 v17, v6;
	v22 =	vnsel vm3, $0x0, v23;
	[tilespmem:v25+s16+$0x0] =	vst.idx.add.f32.msk vm1, v7;
	v7 =	vmovc v29  }
0x155: {  	v6 =	vmul.f32 $1.024000000e+03, v18  }
0x156: {  	vm1 =	veq.s32 v5, v19;
	v58 =	vmin.u32 v22, $0x3FF;
	v17 =	vtrunc.f32 v17  }
0x157: {  	vm3 =	veq.s32 v5, v15;
	v16 =	vtrunc.f32 v16;
	v60 =	vtrunc.f32 v21  }
0x158: {  	vm2 =	vmmov vm2;
	v59 =	vmul.f32 $1.024000000e+03, v20;
	v20 =	vcvt.f32.s32 v60  }
0x159: {  	v9 =	vmul.f32 v9, v9;
	v18 =	vadd.s32 v3, v58;
	v6 =	vtrunc.f32 v6  }
0x15a: {  	v61 =	vtrunc.f32 v59;
	v6 =	vcvt.f32.s32 v6;
	vm4 =	vgt.s32 v20, $0x0  }
0x15b: {  	v17 =	vcvt.f32.s32 v17;
	v15 =	vcvt.f32.s32 v61;
	v62 =	vnsel vm4, $0x0, v20  }
0x15c: {  	[tilespmem:v14+s15+$0x0] =	vst.idx.add.f32.msk vm0, v4;
	v16 =	vcvt.f32.s32 v16;
	vm5 =	vgt.s32 v6, $0x0;
	v19 =	vmin.u32 v62, $0x3FF  }
0x15d: {  	[tilespmem:v14+s16+$0x0] =	vst.idx.add.f32.msk vm0, v11;
	vm13 =	vgt.s32 v15, $0x0;
	v6 =	vnsel vm5, $0x0, v6;
	v63 =	vadd.s32 v3, v19  }
0x15e: {  	vm15 =	veq.s32 v5, v16;
	[tilespmem:v18+s15+$0x0] =	vst.idx.add.f32.msk vm1, v4;
	v15 =	vnsel vm13, $0x0, v15;
	v6 =	vmin.u32 v6, $0x3FF  }
0x15f: {  	vm14 =	veq.s32 v5, v17;
	[tilespmem:v12+s15+$0x0] =	vst.idx.add.f32.msk vm3, v4;
	v15 =	vmin.u32 v15, $0x3FF;
	v5 =	vadd.s32 v3, v6  }
0x160: {  	[tilespmem:v18+s16+$0x0] =	vst.idx.add.f32.msk vm1, v9;
	v15 =	vadd.s32 v3, v15  }
0x161: {  	[tilespmem:v12+s16+$0x0] =	vst.idx.add.f32.msk vm3, v8  }
0x162: {  	[tilespmem:v63+s15+$0x0] =	vst.idx.add.f32.msk vm2, v4  }
0x163: {  	[tilespmem:v63+s16+$0x0] =	vst.idx.add.f32.msk vm2, v7  }
0x164: {  	v6 =	vmul.f32 v13, v13;
	[tilespmem:v5+s15+$0x0] =	vst.idx.add.f32.msk vm15, v4  }
0x165: {  	v7 =	vmul.f32 v10, v10;
	[tilespmem:v15+s15+$0x0] =	vst.idx.add.f32.msk vm14, v4  }
0x166: {  	[tilespmem:v15+s16+$0x0] =	vst.idx.add.f32.msk vm14, v6  }
0x167: {  	[tilespmem:v5+s16+$0x0] =	vst.idx.add.f32.msk vm15, v7  }
.LBB2_23:
0x168: {  	s0 =	simm.s32 $0xC708  }
0x169: {  	s1 =	simm.s32 $0x10788;
	v5 =	vld [tilespmem:s0+$0xFFFFDFF8]  }
0x16a: {  	v6 =	vld [tilespmem:s1+$0xFFFFDFF8]  }
0x16b: {  	v7 =	vld [tilespmem:s0+$0xFFFFE3F9]  }
0x16c: {  	v8 =	vld [tilespmem:s1+$0xFFFFE3F9]  }
0x16d: {  	v9 =	vld [tilespmem:s0+$0xFFFFE7FA]  }
0x16e: {  	v10 =	vld [tilespmem:s1+$0xFFFFE7FA];
	v5 =	vadd.f32 $0.0e+00, v5  }
0x16f: {  	v11 =	vld [tilespmem:s0+$0xFFFFEBFB];
	v6 =	vadd.f32 $0.0e+00, v6  }
0x170: {  	v5 =	vadd.f32 v7, v5;
	v7 =	vld [tilespmem:s1+$0xFFFFEBFB]  }
0x171: {  	v6 =	vadd.f32 v8, v6;
	v8 =	vld [tilespmem:s0+$0xFFFFEFFC]  }
0x172: {  	v49 =	vld [tilespmem:s1+$0xFFFFEFFC];
	v5 =	vadd.f32 v9, v5  }
0x173: {  	v50 =	vld [tilespmem:s0+$0xFFFFF3FD];
	v6 =	vadd.f32 v10, v6  }
0x174: {  	v51 =	vld [tilespmem:s1+$0xFFFFF3FD];
	v5 =	vadd.f32 v11, v5  }
0x175: {  	v6 =	vadd.f32 v7, v6;
	v7 =	vld [tilespmem:s0+$0xFFFFF7FE]  }
0x176: {  	v5 =	vadd.f32 v8, v5;
	v8 =	vld [tilespmem:s1+$0xFFFFF7FE]  }
0x177: {  	v52 =	vld [tilespmem:s0+$0xFFFFFBFF];
	v6 =	vadd.f32 v49, v6  }
0x178: {  	v53 =	vld [tilespmem:s1+$0xFFFFFBFF];
	v5 =	vadd.f32 v50, v5  }
0x179: {  	v54 =	vld [tilespmem:s0+$0x0];
	v6 =	vadd.f32 v51, v6  }
0x17a: {  	v5 =	vadd.f32 v7, v5;
	v7 =	vld [tilespmem:s1+$0x0]  }
0x17b: {  	v6 =	vadd.f32 v8, v6;
	v8 =	vld [tilespmem:s0+$0x401]  }
0x17c: {  	v55 =	vld [tilespmem:s1+$0x401];
	v5 =	vadd.f32 v52, v5  }
0x17d: {  	v56 =	vld [tilespmem:s0+$0x802];
	v6 =	vadd.f32 v53, v6  }
0x17e: {  	v57 =	vld [tilespmem:s1+$0x802];
	v5 =	vadd.f32 v54, v5  }
0x17f: {  	v6 =	vadd.f32 v7, v6;
	v7 =	vld [tilespmem:s0+$0xC03]  }
0x180: {  	v5 =	vadd.f32 v8, v5;
	v8 =	vld [tilespmem:s1+$0xC03]  }
0x181: {  	v58 =	vld [tilespmem:s0+$0x1004];
	v6 =	vadd.f32 v55, v6  }
0x182: {  	v59 =	vld [tilespmem:s1+$0x1004];
	v5 =	vadd.f32 v56, v5  }
0x183: {  	v60 =	vld [tilespmem:s0+$0x1405];
	v6 =	vadd.f32 v57, v6  }
0x184: {  	v5 =	vadd.f32 v7, v5;
	v7 =	vld [tilespmem:s1+$0x1405]  }
0x185: {  	v6 =	vadd.f32 v8, v6;
	v8 =	vld [tilespmem:s0+$0x1806]  }
0x186: {  	v61 =	vld [tilespmem:s1+$0x1806];
	v5 =	vadd.f32 v58, v5  }
0x187: {  	v62 =	vld [tilespmem:s0+$0x1C07];
	v6 =	vadd.f32 v59, v6  }
0x188: {  	v63 =	vld [tilespmem:s1+$0x1C07];
	v5 =	vadd.f32 v60, v5  }
0x189: {  	v6 =	vadd.f32 v7, v6  }
0x18a: {  	v5 =	vadd.f32 v8, v5  }
0x18b: {  	v6 =	vadd.f32 v61, v6  }
0x18c: {  	v5 =	vadd.f32 v62, v5  }
0x18d: {  	s31 =	simm.s32 $0x0;
	s19 =	simm.s32 $0x12800;
	v6 =	vadd.f32 v63, v6  }
0x18e: {  	s0 =	sand.u32 $0x3F0, s31;
	[tilespmem:s19+$0x0] =	vst v5  }
0x18f: {  	s21 =	simm.s32 $0xC718;
	[tilespmem:s0+$0x12C00] =	vst v6  }
0x190: {  	s22 =	simm.s32 $0x10798;
	v5 =	vld [tilespmem:s21+$0xFFFFDFF8]  }
0x191: {  	s20 =	simm.s32 $0x10;
	s23 =	simm.s32 $0x20;
	v6 =	vld [tilespmem:s22+$0xFFFFDFF8]  }
.LBB2_24:
0x192: {  	p1 =	sne.s32 s23, $0x3F0;
	v7 =	vld [tilespmem:s21+$0xFFFFE3F9]  }
0x193: {  	v8 =	vld [tilespmem:s22+$0xFFFFE3F9]  }
0x194: {  	v9 =	vld [tilespmem:s21+$0xFFFFE7FA]  }
0x195: {  	v5 =	vadd.f32 $0.0e+00, v5;
	v10 =	vld [tilespmem:s22+$0xFFFFE7FA]  }
0x196: {  	v6 =	vadd.f32 $0.0e+00, v6;
	v11 =	vld [tilespmem:s21+$0xFFFFEBFB]  }
0x197: {  	v5 =	vadd.f32 v7, v5;
	v7 =	vld [tilespmem:s22+$0xFFFFEBFB]  }
0x198: {  	v6 =	vadd.f32 v8, v6;
	v8 =	vld [tilespmem:s21+$0xFFFFEFFC]  }
0x199: {  	v5 =	vadd.f32 v9, v5;
	v9 =	vld [tilespmem:s22+$0xFFFFEFFC]  }
0x19a: {  	v6 =	vadd.f32 v10, v6;
	v10 =	vld [tilespmem:s21+$0xFFFFF3FD]  }
0x19b: {  	v5 =	vadd.f32 v11, v5;
	v11 =	vld [tilespmem:s22+$0xFFFFF3FD]  }
0x19c: {  	v6 =	vadd.f32 v7, v6;
	v7 =	vld [tilespmem:s21+$0xFFFFF7FE]  }
0x19d: {  	v5 =	vadd.f32 v8, v5;
	v8 =	vld [tilespmem:s22+$0xFFFFF7FE]  }
0x19e: {  	v6 =	vadd.f32 v9, v6;
	v9 =	vld [tilespmem:s21+$0xFFFFFBFF]  }
0x19f: {  	v5 =	vadd.f32 v10, v5;
	v10 =	vld [tilespmem:s22+$0xFFFFFBFF]  }
0x1a0: {  	v6 =	vadd.f32 v11, v6;
	v11 =	vld [tilespmem:s21+$0x0]  }
0x1a1: {  	v5 =	vadd.f32 v7, v5;
	v7 =	vld [tilespmem:s22+$0x0]  }
0x1a2: {  	v6 =	vadd.f32 v8, v6;
	v8 =	vld [tilespmem:s21+$0x401]  }
0x1a3: {  	v5 =	vadd.f32 v9, v5;
	v9 =	vld [tilespmem:s22+$0x401]  }
0x1a4: {  	v6 =	vadd.f32 v10, v6;
	v10 =	vld [tilespmem:s21+$0x802]  }
0x1a5: {  	v5 =	vadd.f32 v11, v5;
	v11 =	vld [tilespmem:s22+$0x802]  }
0x1a6: {  	v6 =	vadd.f32 v7, v6;
	v7 =	vld [tilespmem:s21+$0xC03]  }
0x1a7: {  	v5 =	vadd.f32 v8, v5;
	v8 =	vld [tilespmem:s22+$0xC03]  }
0x1a8: {  	v6 =	vadd.f32 v9, v6;
	v9 =	vld [tilespmem:s21+$0x1004]  }
0x1a9: {  	v5 =	vadd.f32 v10, v5;
	v10 =	vld [tilespmem:s22+$0x1004]  }
0x1aa: {  	v6 =	vadd.f32 v11, v6;
	v11 =	vld [tilespmem:s21+$0x1405]  }
0x1ab: {  	v5 =	vadd.f32 v7, v5;
	v7 =	vld [tilespmem:s22+$0x1405]  }
0x1ac: {  	v6 =	vadd.f32 v8, v6;
	v8 =	vld [tilespmem:s21+$0x1806]  }
0x1ad: {  	v5 =	vadd.f32 v9, v5;
	v9 =	vld [tilespmem:s22+$0x1806]  }
0x1ae: {  	v6 =	vadd.f32 v10, v6;
	v10 =	vld [tilespmem:s21+$0x1C07]  }
0x1af: {  	v5 =	vadd.f32 v11, v5;
	v11 =	vld [tilespmem:s22+$0x1C07]  }
0x1b0: {  	v6 =	vadd.f32 v7, v6  }
0x1b1: {  	v5 =	vadd.f32 v8, v5  }
0x1b2: {  	v6 =	vadd.f32 v9, v6  }
0x1b3: {  	v5 =	vadd.f32 v10, v5  }
.Ltmp11:
0x1b4: {  	s19 =	sadd.s32 $0x10, s19;
	v6 =	vadd.f32 v11, v6;
	(pc) =	sbr.rel @p1 .LBB2_24-.Ltmp11, $4  }
0x1b5: {  	s0 =	sand.u32 $0x3F0, s20;
	s20 =	smov.u32 s23;
	[tilespmem:s19+$0x0] =	vst v5  }
0x1b6: {  	s21 =	sadd.s32 $0x10, s21;
	[tilespmem:s0+$0x12C00] =	vst v6  }
0x1b7: {  	s22 =	sadd.s32 $0x10, s22;
	v5 =	vld [tilespmem:s21+$0xFFFFDFF8]  }
0x1b8: {  	s23 =	sadd.s32 $0x10, s23;
	v6 =	vld [tilespmem:s22+$0xFFFFDFF8]  }
0x1b9: {  	v7 =	vld [tilespmem:s21+$0xFFFFE3F9]  }
0x1ba: {  	v8 =	vld [tilespmem:s22+$0xFFFFE3F9]  }
0x1bb: {  	v9 =	vld [tilespmem:s21+$0xFFFFE7FA]  }
0x1bc: {  	v10 =	vld [tilespmem:s22+$0xFFFFE7FA];
	v5 =	vadd.f32 $0.0e+00, v5  }
0x1bd: {  	v11 =	vld [tilespmem:s21+$0xFFFFEBFB];
	v6 =	vadd.f32 $0.0e+00, v6  }
0x1be: {  	v5 =	vadd.f32 v7, v5;
	v7 =	vld [tilespmem:s22+$0xFFFFEBFB]  }
0x1bf: {  	v44 =	vld [tilespmem:s21+$0xFFFFEFFC];
	v6 =	vadd.f32 v8, v6  }
0x1c0: {  	v45 =	vld [tilespmem:s22+$0xFFFFEFFC];
	v5 =	vadd.f32 v9, v5  }
0x1c1: {  	v46 =	vld [tilespmem:s21+$0xFFFFF3FD];
	v6 =	vadd.f32 v10, v6  }
0x1c2: {  	v47 =	vld [tilespmem:s22+$0xFFFFF3FD];
	v5 =	vadd.f32 v11, v5  }
0x1c3: {  	v6 =	vadd.f32 v7, v6;
	v7 =	vld [tilespmem:s21+$0xFFFFF7FE]  }
0x1c4: {  	v48 =	vld [tilespmem:s22+$0xFFFFF7FE];
	v5 =	vadd.f32 v44, v5  }
0x1c5: {  	v49 =	vld [tilespmem:s21+$0xFFFFFBFF];
	v6 =	vadd.f32 v45, v6  }
0x1c6: {  	v50 =	vld [tilespmem:s22+$0xFFFFFBFF];
	v5 =	vadd.f32 v46, v5  }
0x1c7: {  	v51 =	vld [tilespmem:s21+$0x0];
	v6 =	vadd.f32 v47, v6  }
0x1c8: {  	v5 =	vadd.f32 v7, v5;
	v7 =	vld [tilespmem:s22+$0x0]  }
0x1c9: {  	v52 =	vld [tilespmem:s21+$0x401];
	v6 =	vadd.f32 v48, v6  }
0x1ca: {  	v53 =	vld [tilespmem:s22+$0x401];
	v5 =	vadd.f32 v49, v5  }
0x1cb: {  	v54 =	vld [tilespmem:s21+$0x802];
	v6 =	vadd.f32 v50, v6  }
0x1cc: {  	v55 =	vld [tilespmem:s22+$0x802];
	v5 =	vadd.f32 v51, v5  }
0x1cd: {  	v6 =	vadd.f32 v7, v6;
	v7 =	vld [tilespmem:s21+$0xC03]  }
0x1ce: {  	v56 =	vld [tilespmem:s22+$0xC03];
	v5 =	vadd.f32 v52, v5  }
0x1cf: {  	v57 =	vld [tilespmem:s21+$0x1004];
	v6 =	vadd.f32 v53, v6  }
0x1d0: {  	v58 =	vld [tilespmem:s22+$0x1004];
	v5 =	vadd.f32 v54, v5  }
0x1d1: {  	v59 =	vld [tilespmem:s21+$0x1405];
	v6 =	vadd.f32 v55, v6  }
0x1d2: {  	v5 =	vadd.f32 v7, v5;
	v7 =	vld [tilespmem:s22+$0x1405]  }
0x1d3: {  	v60 =	vld [tilespmem:s21+$0x1806];
	v6 =	vadd.f32 v56, v6  }
0x1d4: {  	v61 =	vld [tilespmem:s22+$0x1806];
	v5 =	vadd.f32 v57, v5  }
0x1d5: {  	v62 =	vld [tilespmem:s21+$0x1C07];
	v6 =	vadd.f32 v58, v6  }
0x1d6: {  	v63 =	vld [tilespmem:s22+$0x1C07];
	v5 =	vadd.f32 v59, v5  }
0x1d7: {  	v6 =	vadd.f32 v7, v6  }
0x1d8: {  	v5 =	vadd.f32 v60, v5  }
0x1d9: {  	v6 =	vadd.f32 v61, v6  }
0x1da: {  	v5 =	vadd.f32 v62, v5  }
0x1db: {  	s0 =	sadd.s32 $0x10, s19;
	s18 =	sadd.s32 $0x1, s18;
	v6 =	vadd.f32 v63, v6  }
0x1dc: {  	s30 =	sand.u32 $0x3F0, s20;
	p0 =	sne.s32 s18, s10;
	[tilespmem:s0+$0x0] =	vst v5  }
.Ltmp12:
0x1dd: {  	s31 =	simm.s32 $0x12800;
	[tilespmem:s30+$0x12C00] =	vst v6;
	(pc) =	sbr.rel @p0 .LBB2_1-.Ltmp12, $4  }
0x1de: {  	[hbm4b:s9+s2] =	stream.linear.scatter [tilespmem:s31], [sflag:$0x1], $0x800, $0x38;
	[tilespmem:$0x13000] =	vst v63  }
0x1df: {  	_ =	swait.ge [sflag:s12], $0x800  }
0x1e0: {  	[sflag:s12] =	ssyncset.done $0x0  }
0x1e1: {  	[sflag:s12] =	ssyncadd.s32 $0xFFFFF800  }
0x1e2: {  	_ =	sfence.sel $0x180000  }
0x1e3: {  	[bflag:$0x0] =	sbarrier.arrive $0xFFFF  }
0x1e4: {  	_ =	strace $0x9000004A  }
0x1e5: {  	s0 =	stileid.u32;
	[bflag:$0x2] =	sbarrier.arrive $0xFFFF  }
0x1e6: {  	p0 =	sne.s32 s0, $0x0;
	s0 =	rddreg [dreg:$0x1]  }
0x1e7: {  	s0 =	sadd.s32 @!p0 $0x100000, s0  }
0x1e8: {  	[sflag:s0] =	ssyncadd.tile.s32 @!p0 $0x1;
	_ =	shalt  }
.Lfunc_end2:
_tile_overlayer_lowered:
.L_overlay_start_2:
0x1e9: {  	(tag) =	ssettag $0x2  }
0x1ea: {  	s0 =	rddreg [dreg:$0x0];
	s2 =	stileid.u32  }
0x1eb: {  	s1 =	rddreg [dreg:$0x1];
	p0 =	sne.s32 s2, $0x0  }
0x1ec: {  	s3 =	rddreg [dreg:$0x2];
	[bflag:$0x3] =	sbarrier.arrive $0xFFFF;
	s2 =	simm.s32 @!p0 $0x1C01  }
0x1ed: {  	[timem:s3], [sflag:s2] =	dma.local @!p0 [hbm:s0], s1  }
0x1ee: {  	s0 =	simm.s32 @!p0 $0x1  }
0x1ef: {  	_ =	swait.ge @!p0 [sflag:s0], s1  }
0x1f0: {  	s1 =	ssub.s32 @!p0 $0x0, s1;
	[sflag:s0] =	ssyncset.done @!p0 $0x0  }
0x1f1: {  	[sflag:s0] =	ssyncadd.s32 @!p0 s1  }
0x1f2: {  	[bflag:$0x3] =	sbarrier.arrive $0xFFFF  }
0x1f3: {  	_ =	shalt  }

</sc_bundles>
